<compile_context>
chip_gen: v7x
topology: tpu7x:2x2x1
jax: 0.10.2.dev20260603
libtpu: 0.0.44.dev20260713+nightly
codegen_flags: <defaults>
</compile_context>

<pallas_src>
import dataclasses
import functools

import jax
import jax.numpy as jnp
from jax import lax
from jax.experimental import pallas as pl
from jax.experimental.pallas import tpu as pltpu
from jax.experimental.pallas import tpu_sc as plsc

N = 10000
E = 320000
G = 64

NC, NS = 2, 16
NW = NC * NS
EPW = E // NW
CHUNK = 80
NCHUNK = EPW // CHUNK
NPAD = 10240
RPS = NPAD // NS


def _sc_segment_sum(h, eix, zeros):
    mesh = plsc.VectorSubcoreMesh(core_axis_name="c", subcore_axis_name="s")

    @functools.partial(
        pl.kernel,
        out_type=jax.ShapeDtypeStruct((NC, NPAD, 128), jnp.float32),
        mesh=mesh,
        scratch_types=[
            pltpu.VMEM((4, 2, CHUNK), jnp.int32),
            pltpu.VMEM((3, CHUNK, 128), jnp.float32),
            pltpu.VMEM_SHARED((NPAD, 128), jnp.float32),
            pltpu.SemaphoreType.DMA((3,)),
            pltpu.SemaphoreType.DMA,
            pltpu.SemaphoreType.DMA((4,)),
        ],
    )
    def k(h_hbm, eix_hbm, zeros_hbm, out_hbm,
          win_v, rows_v, agg_sh, sg, ss, si):
        cid = lax.axis_index("c")
        sid = lax.axis_index("s")
        wid = cid * NS + sid

        pltpu.sync_copy(zeros_hbm.at[pl.ds(0, CHUNK)], rows_v.at[0])
        @pl.loop(0, RPS, step=CHUNK)
        def _(r0):
            pltpu.sync_copy(rows_v.at[0], agg_sh.at[pl.ds(sid * RPS + r0, CHUNK)])

        plsc.subcore_barrier()

        def icopy(j, w):
            return pltpu.async_copy(eix_hbm.at[wid, j], win_v.at[w], si.at[w])

        def iwait(j, w):
            pltpu.make_async_copy(eix_hbm.at[wid, j], win_v.at[w],
                                  si.at[w]).wait()

        def gather(j, r, w):
            return pltpu.async_copy(h_hbm.at[win_v.at[w, 0]], rows_v.at[r],
                                    sg.at[r])

        def gather_wait(j, r, w):
            pltpu.make_async_copy(h_hbm.at[win_v.at[w, 0]], rows_v.at[r],
                                  sg.at[r]).wait()

        def scat(j, r, w):
            return pltpu.async_copy(rows_v.at[r], agg_sh.at[win_v.at[w, 1]],
                                    ss, add=True)

        def scat_wait(j, r, w):
            pltpu.make_async_copy(rows_v.at[r], agg_sh.at[win_v.at[w, 1]],
                                  ss).wait()

        icopy(0, 0)
        icopy(1, 1)
        icopy(2, 2)
        iwait(0, 0)
        gather(0, 0, 0)
        iwait(1, 1)
        gather(1, 1, 1)

        @pl.loop(0, NCHUNK)
        def _(j):
            r = lax.rem(j, 3)
            w = lax.rem(j, 4)
            r2 = lax.rem(j + 2, 3)
            w2 = lax.rem(j + 2, 4)
            w3 = lax.rem(j + 3, 4)

            @pl.when(j >= 1)
            def _():
                scat_wait(j - 1, lax.rem(j - 1, 3), lax.rem(j - 1, 4))

            @pl.when(j + 3 < NCHUNK)
            def _():
                icopy(j + 3, w3)

            @pl.when(j + 2 < NCHUNK)
            def _():
                iwait(j + 2, w2)
                gather(j + 2, r2, w2)

            gather_wait(j, r, w)
            scat(j, r, w)

        scat_wait(NCHUNK - 1, lax.rem(NCHUNK - 1, 3), lax.rem(NCHUNK - 1, 4))

        plsc.subcore_barrier()

        pltpu.sync_copy(agg_sh.at[pl.ds(sid * RPS, RPS)],
                        out_hbm.at[cid, pl.ds(sid * RPS, RPS)])

    return k(h, eix, zeros)


def _sc_hist(eix, batch, zeros):
    mesh = plsc.VectorSubcoreMesh(core_axis_name="c", subcore_axis_name="s")
    cp = pltpu.CompilerParams()
    if "needs_layout_passes" in pltpu.CompilerParams.__dataclass_fields__:
        cp = dataclasses.replace(cp, needs_layout_passes=False)

    @functools.partial(
        pl.kernel,
        out_type=jax.ShapeDtypeStruct((NC, NPAD, 128), jnp.float32),
        mesh=mesh,
        compiler_params=cp,
        scratch_types=[
            pltpu.VMEM((4, 2, CHUNK), jnp.int32),
            pltpu.VMEM((N,), jnp.int32),
            pltpu.VMEM((2, CHUNK, 128), jnp.float32),
            pltpu.VMEM((2, CHUNK), jnp.int32),
            pltpu.VMEM_SHARED((NPAD, 128), jnp.float32),
            pltpu.SemaphoreType.DMA((2,)),
            pltpu.SemaphoreType.DMA((4,)),
        ],
    )
    def k(eix_hbm, batch_hbm, zeros_hbm, out_hbm,
          win_v, batch_v, oh_v, colb_v, w_sh, ss, si):
        cid = lax.axis_index("c")
        sid = lax.axis_index("s")
        wid = cid * NS + sid

        pltpu.sync_copy(zeros_hbm, oh_v.at[0])
        pltpu.sync_copy(zeros_hbm, oh_v.at[1])

        @pl.loop(0, RPS, step=CHUNK)
        def _(r0):
            pltpu.sync_copy(oh_v.at[0], w_sh.at[pl.ds(sid * RPS + r0, CHUNK)])

        pltpu.sync_copy(batch_hbm, batch_v)

        def icopy(j, w):
            return pltpu.async_copy(eix_hbm.at[wid, j], win_v.at[w], si.at[w])

        def iwait(j, w):
            pltpu.make_async_copy(eix_hbm.at[wid, j], win_v.at[w],
                                  si.at[w]).wait()

        def stream(j, b, w):
            return pltpu.async_copy(oh_v.at[b], w_sh.at[win_v.at[w, 0]],
                                    ss.at[b], add=True)

        def swait(j, b, w):
            pltpu.make_async_copy(oh_v.at[b], w_sh.at[win_v.at[w, 0]],
                                  ss.at[b]).wait()

        plsc.subcore_barrier()

        icopy(0, 0)
        icopy(1, 1)
        icopy(2, 2)
        icopy(3, 3)

        ones16 = jnp.ones((16,), jnp.float32)
        zeros16 = jnp.zeros((16,), jnp.float32)
        iota16 = lax.iota(jnp.int32, 16)

        @pl.loop(0, NCHUNK)
        def _(j):
            b = lax.rem(j, 2)
            w = lax.rem(j, 4)

            @pl.when(j >= 2)
            def _():
                swait(j - 2, b, lax.rem(j - 2, 4))
                for k16 in range(CHUNK // 16):
                    g16 = colb_v.at[b, pl.ds(16 * k16, 16)][...]
                    plsc.store_scatter(oh_v.at[b],
                                       [iota16 + 16 * k16, g16], zeros16)

                @pl.when(j + 2 < NCHUNK)
                def _():
                    icopy(j + 2, lax.rem(j + 2, 4))

            iwait(j, w)
            for k16 in range(CHUNK // 16):
                d16 = win_v.at[w, 1, pl.ds(16 * k16, 16)][...]
                g16 = plsc.load_gather(batch_v, [d16])
                plsc.addupdate_scatter(oh_v.at[b],
                                       [iota16 + 16 * k16, g16], ones16)
                colb_v.at[b, pl.ds(16 * k16, 16)][...] = g16
            stream(j, b, w)

        swait(NCHUNK - 2, lax.rem(NCHUNK - 2, 2), lax.rem(NCHUNK - 2, 4))
        swait(NCHUNK - 1, lax.rem(NCHUNK - 1, 2), lax.rem(NCHUNK - 1, 4))

        plsc.subcore_barrier()

        pltpu.sync_copy(w_sh.at[pl.ds(sid * RPS, RPS)],
                        out_hbm.at[cid, pl.ds(sid * RPS, RPS)])

    return k(eix, batch, zeros)


def _tc_affine(parts, b, relu, out_splits=None):
    dout = b.shape[0]
    blk = 1000
    b2 = b.reshape(1, dout)
    nparts = len(parts)
    splits = out_splits or [dout]
    assert sum(splits) == dout

    def body(*refs):
        o_refs = refs[nparts * 2 + 1:]
        b_ref = refs[nparts * 2]
        acc = jnp.broadcast_to(b_ref[...], (blk, dout))
        for i in range(nparts):
            a = refs[2 * i][...]
            w = refs[2 * i + 1][...]
            acc = acc + lax.dot_general(a, w, (((1,), (0,)), ((), ())),
                                        precision=lax.Precision.HIGHEST,
                                        preferred_element_type=jnp.float32)
        if relu:
            acc = jnp.maximum(acc, 0.0)
        c0 = 0
        for o_ref, w in zip(o_refs, splits):
            o_ref[...] = acc[:, c0:c0 + w]
            c0 += w

    in_specs = []
    args = []
    for a, w in parts:
        kk = a.shape[1]
        in_specs.append(pl.BlockSpec((blk, kk), lambda i: (i, 0)))
        in_specs.append(pl.BlockSpec((kk, dout), lambda i: (0, 0)))
        args.extend([a, w])
    in_specs.append(pl.BlockSpec((1, dout), lambda i: (0, 0)))
    args.append(b2)

    out = pl.pallas_call(
        body,
        grid=(N // blk,),
        in_specs=in_specs,
        out_specs=[pl.BlockSpec((blk, w), lambda i: (i, 0)) for w in splits],
        out_shape=[jax.ShapeDtypeStruct((N, w), jnp.float32) for w in splits],
    )(*args)
    return out[0] if out_splits is None else out


def _tc_layer2_pool(a20, a21, h1, w0, w1, batch3,
                    W2_rel, b2, W2_root, W3_rel, b3, W3_root):
    blk = 1000
    nb = N // blk

    def mm(lhs, rhs):
        return lax.dot_general(lhs, rhs, (((1,), (0,)), ((), ())),
                               precision=lax.Precision.HIGHEST,
                               preferred_element_type=jnp.float32)

    def mmT(lhs, rhs):
        return lax.dot_general(lhs, rhs, (((0,), (0,)), ((), ())),
                               precision=lax.Precision.HIGHEST,
                               preferred_element_type=jnp.float32)

    def body(a0_ref, a1_ref, h1_ref, w0_ref, w1_ref, b_ref,
             w2r_ref, b2_ref, w2t_ref, w3r_ref, b3_ref, w3t_ref,
             o_ref, S, B, cnts):
        i = pl.program_id(0)
        a = a0_ref[...] + a1_ref[...]
        h2 = mm(a, w2r_ref[...]) + mm(h1_ref[...], w2t_ref[...]) + b2_ref[...]
        h2 = jnp.maximum(h2, 0.0)

        bb = b_ref[0, 0, :]
        oh = (bb[:, None] == lax.broadcasted_iota(jnp.int32, (blk, G), 1))
        oh = oh.astype(jnp.float32)
        ws = w0_ref[...][:, :G] + w1_ref[...][:, :G]

        psum = mmT(oh, h2)
        pbsum = mmT(ws, h2)
        pcnt = jnp.sum(oh, axis=0).reshape(1, G)

        @pl.when(i == 0)
        def _():
            S[...] = psum
            B[...] = pbsum
            cnts[...] = pcnt

        @pl.when(i > 0)
        def _():
            S[...] += psum
            B[...] += pbsum
            cnts[...] += pcnt

        @pl.when(i == nb - 1)
        def _():
            cnt = cnts[...].reshape(G, 1)
            out = mm(B[...], w3r_ref[...]) + mm(S[...], w3t_ref[...])
            out += cnt * b3_ref[...]
            pooled = out / jnp.maximum(cnt, 1.0)
            nrm = jnp.sqrt(jnp.sum(pooled * pooled, axis=1, keepdims=True))
            o_ref[...] = pooled / jnp.maximum(nrm, 1e-12)

    return pl.pallas_call(
        body,
        grid=(nb,),
        in_specs=[pl.BlockSpec((blk, 128), lambda i: (i, 0)),
                  pl.BlockSpec((blk, 128), lambda i: (i, 0)),
                  pl.BlockSpec((blk, 128), lambda i: (i, 0)),
                  pl.BlockSpec((blk, 128), lambda i: (i, 0)),
                  pl.BlockSpec((blk, 128), lambda i: (i, 0)),
                  pl.BlockSpec((1, 1, blk), lambda i: (i, 0, 0)),
                  pl.BlockSpec((128, 256), lambda i: (0, 0)),
                  pl.BlockSpec((1, 256), lambda i: (0, 0)),
                  pl.BlockSpec((128, 256), lambda i: (0, 0)),
                  pl.BlockSpec((256, 512), lambda i: (0, 0)),
                  pl.BlockSpec((1, 512), lambda i: (0, 0)),
                  pl.BlockSpec((256, 512), lambda i: (0, 0))],
        out_specs=pl.BlockSpec((G, 512), lambda i: (0, 0)),
        out_shape=jax.ShapeDtypeStruct((G, 512), jnp.float32),
        scratch_shapes=[pltpu.VMEM((G, 256), jnp.float32),
                        pltpu.VMEM((G, 256), jnp.float32),
                        pltpu.VMEM((1, G), jnp.float32)],
    )(a20, a21, h1, w0, w1, batch3,
      W2_rel, b2.reshape(1, 256), W2_root, W3_rel, b3.reshape(1, 512), W3_root)


def kernel(x, edge_index, batch, W1_rel, b1, W1_root, W2_rel, b2, W2_root,
           W3_rel, b3, W3_root):
    src_r = edge_index[0].reshape(NW, NCHUNK, CHUNK)
    dst_r = edge_index[1].reshape(NW, NCHUNK, CHUNK)
    eix = jnp.stack([src_r, dst_r], axis=2)
    batch3 = batch.reshape(N // 1000, 1, 1000)
    zeros = jnp.zeros((CHUNK, 128), jnp.float32)

    a1 = _sc_segment_sum(x, eix, zeros)
    h1 = _tc_affine([(a1[0], W1_rel), (a1[1], W1_rel), (x, W1_root)], b1, True)

    w = _sc_hist(eix, batch, zeros)
    a2 = _sc_segment_sum(h1, eix, zeros)
    return _tc_layer2_pool(a2[0], a2[1], h1, w[0], w[1], batch3,
                           W2_rel, b2, W2_root, W3_rel, b3, W3_root)

# --- scband reference (transcript-rebuilt; emitter-appended) ---
"""Pipeline reference for scband-arch-net-3539053052569 (READ-ONLY COPY).

The authoritative reference and input builder live on the scoring server;
editing this copy changes nothing except your own understanding.
"""

import jax, jax.numpy as jnp
import numpy as np

N = 10000
E = 320000
IN = 128
D0, D1, D2 = 128, 256, 512
G = 64


def setup_inputs(seed: int = 0) -> dict:
    key = jax.random.key(seed)
    ks = jax.random.split(key, 12)
    inp = {}
    inp["x"] = jax.random.normal(ks[0], (N, IN), dtype=jnp.float32)
    inp["edge_index"] = jax.random.randint(ks[1], (2, E), 0, N, dtype=jnp.int32)
    inp["batch"] = jnp.sort(jax.random.randint(ks[2], (N,), 0, G, dtype=jnp.int32))
    # GraphConv params: lin_rel (weight+bias) applied to aggregated messages, lin_root (no bias) applied to x
    inp["W1_rel"] = jax.random.normal(ks[3], (IN, D0), dtype=jnp.float32) * 0.05
    inp["b1"] = jnp.zeros((D0,), dtype=jnp.float32)
    inp["W1_root"] = jax.random.normal(ks[4], (IN, D0), dtype=jnp.float32) * 0.05
    inp["W2_rel"] = jax.random.normal(ks[5], (D0, D1), dtype=jnp.float32) * 0.05
    inp["b2"] = jnp.zeros((D1,), dtype=jnp.float32)
    inp["W2_root"] = jax.random.normal(ks[6], (D0, D1), dtype=jnp.float32) * 0.05
    inp["W3_rel"] = jax.random.normal(ks[7], (D1, D2), dtype=jnp.float32) * 0.05
    inp["b3"] = jnp.zeros((D2,), dtype=jnp.float32)
    inp["W3_root"] = jax.random.normal(ks[8], (D1, D2), dtype=jnp.float32) * 0.05
    return inp


def reference(x, edge_index, batch, W1_rel, b1, W1_root, W2_rel, b2, W2_root, W3_rel, b3, W3_root):
    src = edge_index[0]
    dst = edge_index[1]

    def graph_conv(h, Wr, br, Wt):
        # sum-aggregate neighbor features (gather + scatter-add), then lin_rel + lin_root
        msgs = h[src]
        agg = jax.ops.segment_sum(msgs, dst, num_segments=N)
        return agg @ Wr + br + h @ Wt

    h = jax.nn.relu(graph_conv(x, W1_rel, b1, W1_root))
    h = jax.nn.relu(graph_conv(h, W2_rel, b2, W2_root))
    h = graph_conv(h, W3_rel, b3, W3_root)
    # global_mean_pool over graph ids
    sums = jax.ops.segment_sum(h, batch, num_segments=G)
    cnt = jax.ops.segment_sum(jnp.ones((N, 1), dtype=jnp.float32), batch, num_segments=G)
    pooled = sums / jnp.maximum(cnt, 1.0)
    # F.normalize (L2, dim=1, eps=1e-12)
    nrm = jnp.linalg.norm(pooled, axis=1, keepdims=True)
    return pooled / jnp.maximum(nrm, 1e-12)

if __name__ == "__main__":
    import jax
    _d = setup_inputs()
    print(jax.jit(kernel)(*tuple(_d.values())))

</pallas_src>

<mosaic_0001>
#map = affine_map<(d0, d1) -> (0, 0)>
#map1 = affine_map<(d0, d1) -> (0, 0, 0, 0)>
#map2 = affine_map<(d0, d1) -> (0, 0, 0)>
module attributes {stable_mosaic.version = 14 : i64} {
  func.func @k(%arg0: i32, %arg1: i32, %arg2: memref<10000x128xf32, #tpu.memory_space<hbm>>, %arg3: memref<32x125x2x80xi32, #tpu.memory_space<hbm>>, %arg4: memref<80x128xf32, #tpu.memory_space<hbm>>, %arg5: memref<2x10240x128xf32, #tpu.memory_space<hbm>>, %arg6: memref<4x2x80xi32, #tpu.memory_space<vmem>>, %arg7: memref<3x80x128xf32, #tpu.memory_space<vmem>>, %arg8: memref<10240x128xf32, #tpu.memory_space<vmem_shared>>, %arg9: memref<3x!tpu.dma_semaphore, #tpu.memory_space<semaphore_mem>>, %arg10: memref<!tpu.dma_semaphore, #tpu.memory_space<semaphore_mem>>, %arg11: memref<4x!tpu.dma_semaphore, #tpu.memory_space<semaphore_mem>>) attributes {dimension_semantics = [#tpu.dimension_semantics<core_parallel>, #tpu.dimension_semantics<subcore_parallel>], iteration_bounds = array<i64: 2, 16>, scalar_prefetch = 0 : i64, scratch_operands = 6 : i64, tpu.core_type = #tpu.core_type<sc_vector_subcore>, window_params = [{transform_indices = #map}, {transform_indices = #map1}, {transform_indices = #map}, {transform_indices = #map2}]} {
    %mul3A = arith.constant 16 : i32
    %mul3A_0 = arith.muli %arg0, %mul3A : i32
    %add3A = arith.addi %mul3A_0, %arg1 : i32
    %run_scoped3A = arith.constant 0 : i32
    "tpu.region"() ({
      %run_scoped3A_166 = tpu.sem_alloc : memref<!tpu.dma_semaphore, #tpu.memory_space<semaphore_mem>>
      %dma_start3A_167 = arith.constant 0 : i32
      %dma_start3A_168 = arith.constant 0 : i32
      %dma_start3A_169 = tpu.memref_slice %arg7[%run_scoped3A, %dma_start3A_167, %dma_start3A_168] : memref<3x80x128xf32, #tpu.memory_space<vmem>> -> memref<1x80x128xf32, #tpu.memory_space<vmem>>
      %dma_start3A_170 = tpu.memref_squeeze %dma_start3A_169 : memref<1x80x128xf32, #tpu.memory_space<vmem>> -> memref<80x128xf32, #tpu.memory_space<vmem>>
      %dma_start3A_171 = arith.constant 0 : i32
      %dma_start3A_172 = arith.constant 0 : i32
      %dma_start3A_173 = tpu.memref_slice %arg4[%dma_start3A_171, %dma_start3A_172] : memref<80x128xf32, #tpu.memory_space<hbm>> -> memref<80x128xf32, #tpu.memory_space<hbm>>
      %dma_start3A_174 = arith.constant 0 : i32
      %dma_start3A_175 = arith.constant 0 : i32
      %dma_start3A_176 = tpu.memref_slice %arg7[%run_scoped3A, %dma_start3A_174, %dma_start3A_175] : memref<3x80x128xf32, #tpu.memory_space<vmem>> -> memref<1x80x128xf32, #tpu.memory_space<vmem>>
      %dma_start3A_177 = tpu.memref_squeeze %dma_start3A_176 : memref<1x80x128xf32, #tpu.memory_space<vmem>> -> memref<80x128xf32, #tpu.memory_space<vmem>>
      %dma_start3A_178 = arith.constant 0 : i32
      %dma_start3A_179 = arith.constant 0 : i32
      %dma_start3A_180 = tpu.memref_slice %arg4[%dma_start3A_178, %dma_start3A_179] : memref<80x128xf32, #tpu.memory_space<hbm>> -> memref<80x128xf32, #tpu.memory_space<hbm>>
      tpu.enqueue_dma source(%dma_start3A_180 : memref<80x128xf32, #tpu.memory_space<hbm>>) target(%dma_start3A_177 : memref<80x128xf32, #tpu.memory_space<vmem>>) target_semaphore(%run_scoped3A_166 : memref<!tpu.dma_semaphore, #tpu.memory_space<semaphore_mem>>)
      %dma_wait3A_181 = arith.constant 0 : i32
      %dma_wait3A_182 = arith.constant 0 : i32
      %dma_wait3A_183 = tpu.memref_slice %arg7[%run_scoped3A, %dma_wait3A_181, %dma_wait3A_182] : memref<3x80x128xf32, #tpu.memory_space<vmem>> -> memref<1x80x128xf32, #tpu.memory_space<vmem>>
      %dma_wait3A_184 = tpu.memref_squeeze %dma_wait3A_183 : memref<1x80x128xf32, #tpu.memory_space<vmem>> -> memref<80x128xf32, #tpu.memory_space<vmem>>
      %dma_wait3A_185 = arith.constant 0 : i32
      %dma_wait3A_186 = arith.constant 0 : i32
      %dma_wait3A_187 = tpu.memref_slice %arg4[%dma_wait3A_185, %dma_wait3A_186] : memref<80x128xf32, #tpu.memory_space<hbm>> -> memref<80x128xf32, #tpu.memory_space<hbm>>
      %dma_wait3A_188 = arith.constant 0 : i32
      %dma_wait3A_189 = arith.constant 0 : i32
      %dma_wait3A_190 = tpu.memref_slice %arg7[%run_scoped3A, %dma_wait3A_188, %dma_wait3A_189] : memref<3x80x128xf32, #tpu.memory_space<vmem>> -> memref<1x80x128xf32, #tpu.memory_space<vmem>>
      %dma_wait3A_191 = tpu.memref_squeeze %dma_wait3A_190 : memref<1x80x128xf32, #tpu.memory_space<vmem>> -> memref<80x128xf32, #tpu.memory_space<vmem>>
      %dma_wait3A_192 = arith.constant 0 : i32
      %dma_wait3A_193 = arith.constant 0 : i32
      %dma_wait3A_194 = tpu.memref_slice %arg4[%dma_wait3A_192, %dma_wait3A_193] : memref<80x128xf32, #tpu.memory_space<hbm>> -> memref<80x128xf32, #tpu.memory_space<hbm>>
      tpu.wait_dma2 semaphore(%run_scoped3A_166 : memref<!tpu.dma_semaphore, #tpu.memory_space<semaphore_mem>>) src(%dma_wait3A_194 : memref<80x128xf32, #tpu.memory_space<hbm>>) dst(%dma_wait3A_191 : memref<80x128xf32, #tpu.memory_space<vmem>>)
      tpu.yield
    }) : () -> ()
    %scan3A = arith.constant 0 : i32
    %scan3A_1 = arith.constant 8 : i32
    %scan3A_2 = arith.addi %scan3A, %scan3A_1 : i32
    %scan3A_3 = arith.constant 1 : i32
    scf.for %scan3A_166 = %scan3A to %scan3A_2 step %scan3A_3  : i32 {
      %mul3A_167 = arith.constant 80 : i32
      %mul3A_168 = arith.muli %scan3A_166, %mul3A_167 : i32
      %add3A_169 = arith.constant 0 : i32
      %add3A_170 = arith.addi %add3A_169, %mul3A_168 : i32
      %mul3A_171 = arith.constant 640 : i32
      %mul3A_172 = arith.muli %arg1, %mul3A_171 : i32
      %add3A_173 = arith.addi %mul3A_172, %add3A_170 : i32
      %run_scoped3A_174 = arith.constant 0 : i32
      "tpu.region"() ({
        %run_scoped3A_175 = tpu.sem_alloc : memref<!tpu.dma_semaphore, #tpu.memory_space<semaphore_mem>>
        %dma_start3A_176 = arith.constant 0 : i32
        %dma_start3A_177 = arith.constant 0 : i32
        %dma_start3A_178 = tpu.memref_slice %arg7[%run_scoped3A_174, %dma_start3A_176, %dma_start3A_177] : memref<3x80x128xf32, #tpu.memory_space<vmem>> -> memref<1x80x128xf32, #tpu.memory_space<vmem>>
        %dma_start3A_179 = tpu.memref_squeeze %dma_start3A_178 : memref<1x80x128xf32, #tpu.memory_space<vmem>> -> memref<80x128xf32, #tpu.memory_space<vmem>>
        %dma_start3A_180 = arith.constant 0 : i32
        %dma_start3A_181 = tpu.memref_slice %arg8[%add3A_173, %dma_start3A_180] : memref<10240x128xf32, #tpu.memory_space<vmem_shared>> -> memref<80x128xf32, #tpu.memory_space<vmem_shared>>
        %dma_start3A_182 = arith.constant 0 : i32
        %dma_start3A_183 = tpu.memref_slice %arg8[%add3A_173, %dma_start3A_182] : memref<10240x128xf32, #tpu.memory_space<vmem_shared>> -> memref<80x128xf32, #tpu.memory_space<vmem_shared>>
        %dma_start3A_184 = arith.constant 0 : i32
        %dma_start3A_185 = arith.constant 0 : i32
        %dma_start3A_186 = tpu.memref_slice %arg7[%run_scoped3A_174, %dma_start3A_184, %dma_start3A_185] : memref<3x80x128xf32, #tpu.memory_space<vmem>> -> memref<1x80x128xf32, #tpu.memory_space<vmem>>
        %dma_start3A_187 = tpu.memref_squeeze %dma_start3A_186 : memref<1x80x128xf32, #tpu.memory_space<vmem>> -> memref<80x128xf32, #tpu.memory_space<vmem>>
        tpu.enqueue_dma source(%dma_start3A_187 : memref<80x128xf32, #tpu.memory_space<vmem>>) target(%dma_start3A_183 : memref<80x128xf32, #tpu.memory_space<vmem_shared>>) target_semaphore(%run_scoped3A_175 : memref<!tpu.dma_semaphore, #tpu.memory_space<semaphore_mem>>)
        %dma_wait3A_188 = arith.constant 0 : i32
        %dma_wait3A_189 = arith.constant 0 : i32
        %dma_wait3A_190 = tpu.memref_slice %arg7[%run_scoped3A_174, %dma_wait3A_188, %dma_wait3A_189] : memref<3x80x128xf32, #tpu.memory_space<vmem>> -> memref<1x80x128xf32, #tpu.memory_space<vmem>>
        %dma_wait3A_191 = tpu.memref_squeeze %dma_wait3A_190 : memref<1x80x128xf32, #tpu.memory_space<vmem>> -> memref<80x128xf32, #tpu.memory_space<vmem>>
        %dma_wait3A_192 = arith.constant 0 : i32
        %dma_wait3A_193 = tpu.memref_slice %arg8[%add3A_173, %dma_wait3A_192] : memref<10240x128xf32, #tpu.memory_space<vmem_shared>> -> memref<80x128xf32, #tpu.memory_space<vmem_shared>>
        %dma_wait3A_194 = arith.constant 0 : i32
        %dma_wait3A_195 = tpu.memref_slice %arg8[%add3A_173, %dma_wait3A_194] : memref<10240x128xf32, #tpu.memory_space<vmem_shared>> -> memref<80x128xf32, #tpu.memory_space<vmem_shared>>
        %dma_wait3A_196 = arith.constant 0 : i32
        %dma_wait3A_197 = arith.constant 0 : i32
        %dma_wait3A_198 = tpu.memref_slice %arg7[%run_scoped3A_174, %dma_wait3A_196, %dma_wait3A_197] : memref<3x80x128xf32, #tpu.memory_space<vmem>> -> memref<1x80x128xf32, #tpu.memory_space<vmem>>
        %dma_wait3A_199 = tpu.memref_squeeze %dma_wait3A_198 : memref<1x80x128xf32, #tpu.memory_space<vmem>> -> memref<80x128xf32, #tpu.memory_space<vmem>>
        tpu.wait_dma2 semaphore(%run_scoped3A_175 : memref<!tpu.dma_semaphore, #tpu.memory_space<semaphore_mem>>) src(%dma_wait3A_199 : memref<80x128xf32, #tpu.memory_space<vmem>>) dst(%dma_wait3A_195 : memref<80x128xf32, #tpu.memory_space<vmem_shared>>)
        tpu.yield
      }) : () -> ()
    }
    %scan3A_4 = arith.constant 8 : i32
    %barrier3A = arith.constant 0 : index
    tpu.barrier barrier_id(%barrier3A)
    %dma_start3A = arith.constant 0 : i32
    %dma_start3A_5 = arith.constant 0 : i32
    %dma_start3A_6 = arith.constant 0 : i32
    %dma_start3A_7 = arith.constant 0 : i32
    %dma_start3A_8 = arith.constant 0 : i32
    %dma_start3A_9 = tpu.memref_slice %arg6[%dma_start3A_5, %dma_start3A_7, %dma_start3A_8] : memref<4x2x80xi32, #tpu.memory_space<vmem>> -> memref<1x2x80xi32, #tpu.memory_space<vmem>>
    %dma_start3A_10 = tpu.memref_squeeze %dma_start3A_9 : memref<1x2x80xi32, #tpu.memory_space<vmem>> -> memref<2x80xi32, #tpu.memory_space<vmem>>
    %dma_start3A_11 = arith.constant 0 : i32
    %dma_start3A_12 = arith.constant 0 : i32
    %dma_start3A_13 = tpu.memref_slice %arg3[%add3A, %dma_start3A, %dma_start3A_11, %dma_start3A_12] : memref<32x125x2x80xi32, #tpu.memory_space<hbm>> -> memref<1x1x2x80xi32, #tpu.memory_space<hbm>>
    %dma_start3A_14 = tpu.memref_squeeze %dma_start3A_13 : memref<1x1x2x80xi32, #tpu.memory_space<hbm>> -> memref<2x80xi32, #tpu.memory_space<hbm>>
    %dma_start3A_15 = tpu.memref_slice %arg11[%dma_start3A_6] : memref<4x!tpu.dma_semaphore, #tpu.memory_space<semaphore_mem>> -> memref<1x!tpu.dma_semaphore, #tpu.memory_space<semaphore_mem>>
    %dma_start3A_16 = tpu.memref_squeeze %dma_start3A_15 : memref<1x!tpu.dma_semaphore, #tpu.memory_space<semaphore_mem>> -> memref<!tpu.dma_semaphore, #tpu.memory_space<semaphore_mem>>
    %dma_start3A_17 = arith.constant 0 : i32
    %dma_start3A_18 = arith.constant 0 : i32
    %dma_start3A_19 = tpu.memref_slice %arg6[%dma_start3A_5, %dma_start3A_17, %dma_start3A_18] : memref<4x2x80xi32, #tpu.memory_space<vmem>> -> memref<1x2x80xi32, #tpu.memory_space<vmem>>
    %dma_start3A_20 = tpu.memref_squeeze %dma_start3A_19 : memref<1x2x80xi32, #tpu.memory_space<vmem>> -> memref<2x80xi32, #tpu.memory_space<vmem>>
    %dma_start3A_21 = arith.constant 0 : i32
    %dma_start3A_22 = arith.constant 0 : i32
    %dma_start3A_23 = tpu.memref_slice %arg3[%add3A, %dma_start3A, %dma_start3A_21, %dma_start3A_22] : memref<32x125x2x80xi32, #tpu.memory_space<hbm>> -> memref<1x1x2x80xi32, #tpu.memory_space<hbm>>
    %dma_start3A_24 = tpu.memref_squeeze %dma_start3A_23 : memref<1x1x2x80xi32, #tpu.memory_space<hbm>> -> memref<2x80xi32, #tpu.memory_space<hbm>>
    tpu.enqueue_dma source(%dma_start3A_24 : memref<2x80xi32, #tpu.memory_space<hbm>>) target(%dma_start3A_20 : memref<2x80xi32, #tpu.memory_space<vmem>>) target_semaphore(%dma_start3A_16 : memref<!tpu.dma_semaphore, #tpu.memory_space<semaphore_mem>>)
    %dma_start3A_25 = arith.constant 1 : i32
    %dma_start3A_26 = arith.constant 1 : i32
    %dma_start3A_27 = arith.constant 1 : i32
    %dma_start3A_28 = arith.constant 0 : i32
    %dma_start3A_29 = arith.constant 0 : i32
    %dma_start3A_30 = tpu.memref_slice %arg6[%dma_start3A_26, %dma_start3A_28, %dma_start3A_29] : memref<4x2x80xi32, #tpu.memory_space<vmem>> -> memref<1x2x80xi32, #tpu.memory_space<vmem>>
    %dma_start3A_31 = tpu.memref_squeeze %dma_start3A_30 : memref<1x2x80xi32, #tpu.memory_space<vmem>> -> memref<2x80xi32, #tpu.memory_space<vmem>>
    %dma_start3A_32 = arith.constant 0 : i32
    %dma_start3A_33 = arith.constant 0 : i32
    %dma_start3A_34 = tpu.memref_slice %arg3[%add3A, %dma_start3A_25, %dma_start3A_32, %dma_start3A_33] : memref<32x125x2x80xi32, #tpu.memory_space<hbm>> -> memref<1x1x2x80xi32, #tpu.memory_space<hbm>>
    %dma_start3A_35 = tpu.memref_squeeze %dma_start3A_34 : memref<1x1x2x80xi32, #tpu.memory_space<hbm>> -> memref<2x80xi32, #tpu.memory_space<hbm>>
    %dma_start3A_36 = tpu.memref_slice %arg11[%dma_start3A_27] : memref<4x!tpu.dma_semaphore, #tpu.memory_space<semaphore_mem>> -> memref<1x!tpu.dma_semaphore, #tpu.memory_space<semaphore_mem>>
    %dma_start3A_37 = tpu.memref_squeeze %dma_start3A_36 : memref<1x!tpu.dma_semaphore, #tpu.memory_space<semaphore_mem>> -> memref<!tpu.dma_semaphore, #tpu.memory_space<semaphore_mem>>
    %dma_start3A_38 = arith.constant 0 : i32
    %dma_start3A_39 = arith.constant 0 : i32
    %dma_start3A_40 = tpu.memref_slice %arg6[%dma_start3A_26, %dma_start3A_38, %dma_start3A_39] : memref<4x2x80xi32, #tpu.memory_space<vmem>> -> memref<1x2x80xi32, #tpu.memory_space<vmem>>
    %dma_start3A_41 = tpu.memref_squeeze %dma_start3A_40 : memref<1x2x80xi32, #tpu.memory_space<vmem>> -> memref<2x80xi32, #tpu.memory_space<vmem>>
    %dma_start3A_42 = arith.constant 0 : i32
    %dma_start3A_43 = arith.constant 0 : i32
    %dma_start3A_44 = tpu.memref_slice %arg3[%add3A, %dma_start3A_25, %dma_start3A_42, %dma_start3A_43] : memref<32x125x2x80xi32, #tpu.memory_space<hbm>> -> memref<1x1x2x80xi32, #tpu.memory_space<hbm>>
    %dma_start3A_45 = tpu.memref_squeeze %dma_start3A_44 : memref<1x1x2x80xi32, #tpu.memory_space<hbm>> -> memref<2x80xi32, #tpu.memory_space<hbm>>
    tpu.enqueue_dma source(%dma_start3A_45 : memref<2x80xi32, #tpu.memory_space<hbm>>) target(%dma_start3A_41 : memref<2x80xi32, #tpu.memory_space<vmem>>) target_semaphore(%dma_start3A_37 : memref<!tpu.dma_semaphore, #tpu.memory_space<semaphore_mem>>)
    %dma_start3A_46 = arith.constant 2 : i32
    %dma_start3A_47 = arith.constant 2 : i32
    %dma_start3A_48 = arith.constant 2 : i32
    %dma_start3A_49 = arith.constant 0 : i32
    %dma_start3A_50 = arith.constant 0 : i32
    %dma_start3A_51 = tpu.memref_slice %arg6[%dma_start3A_47, %dma_start3A_49, %dma_start3A_50] : memref<4x2x80xi32, #tpu.memory_space<vmem>> -> memref<1x2x80xi32, #tpu.memory_space<vmem>>
    %dma_start3A_52 = tpu.memref_squeeze %dma_start3A_51 : memref<1x2x80xi32, #tpu.memory_space<vmem>> -> memref<2x80xi32, #tpu.memory_space<vmem>>
    %dma_start3A_53 = arith.constant 0 : i32
    %dma_start3A_54 = arith.constant 0 : i32
    %dma_start3A_55 = tpu.memref_slice %arg3[%add3A, %dma_start3A_46, %dma_start3A_53, %dma_start3A_54] : memref<32x125x2x80xi32, #tpu.memory_space<hbm>> -> memref<1x1x2x80xi32, #tpu.memory_space<hbm>>
    %dma_start3A_56 = tpu.memref_squeeze %dma_start3A_55 : memref<1x1x2x80xi32, #tpu.memory_space<hbm>> -> memref<2x80xi32, #tpu.memory_space<hbm>>
    %dma_start3A_57 = tpu.memref_slice %arg11[%dma_start3A_48] : memref<4x!tpu.dma_semaphore, #tpu.memory_space<semaphore_mem>> -> memref<1x!tpu.dma_semaphore, #tpu.memory_space<semaphore_mem>>
    %dma_start3A_58 = tpu.memref_squeeze %dma_start3A_57 : memref<1x!tpu.dma_semaphore, #tpu.memory_space<semaphore_mem>> -> memref<!tpu.dma_semaphore, #tpu.memory_space<semaphore_mem>>
    %dma_start3A_59 = arith.constant 0 : i32
    %dma_start3A_60 = arith.constant 0 : i32
    %dma_start3A_61 = tpu.memref_slice %arg6[%dma_start3A_47, %dma_start3A_59, %dma_start3A_60] : memref<4x2x80xi32, #tpu.memory_space<vmem>> -> memref<1x2x80xi32, #tpu.memory_space<vmem>>
    %dma_start3A_62 = tpu.memref_squeeze %dma_start3A_61 : memref<1x2x80xi32, #tpu.memory_space<vmem>> -> memref<2x80xi32, #tpu.memory_space<vmem>>
    %dma_start3A_63 = arith.constant 0 : i32
    %dma_start3A_64 = arith.constant 0 : i32
    %dma_start3A_65 = tpu.memref_slice %arg3[%add3A, %dma_start3A_46, %dma_start3A_63, %dma_start3A_64] : memref<32x125x2x80xi32, #tpu.memory_space<hbm>> -> memref<1x1x2x80xi32, #tpu.memory_space<hbm>>
    %dma_start3A_66 = tpu.memref_squeeze %dma_start3A_65 : memref<1x1x2x80xi32, #tpu.memory_space<hbm>> -> memref<2x80xi32, #tpu.memory_space<hbm>>
    tpu.enqueue_dma source(%dma_start3A_66 : memref<2x80xi32, #tpu.memory_space<hbm>>) target(%dma_start3A_62 : memref<2x80xi32, #tpu.memory_space<vmem>>) target_semaphore(%dma_start3A_58 : memref<!tpu.dma_semaphore, #tpu.memory_space<semaphore_mem>>)
    %dma_wait3A = arith.constant 0 : i32
    %dma_wait3A_67 = arith.constant 0 : i32
    %dma_wait3A_68 = arith.constant 0 : i32
    %dma_wait3A_69 = arith.constant 0 : i32
    %dma_wait3A_70 = arith.constant 0 : i32
    %dma_wait3A_71 = tpu.memref_slice %arg6[%dma_wait3A_67, %dma_wait3A_69, %dma_wait3A_70] : memref<4x2x80xi32, #tpu.memory_space<vmem>> -> memref<1x2x80xi32, #tpu.memory_space<vmem>>
    %dma_wait3A_72 = tpu.memref_squeeze %dma_wait3A_71 : memref<1x2x80xi32, #tpu.memory_space<vmem>> -> memref<2x80xi32, #tpu.memory_space<vmem>>
    %dma_wait3A_73 = arith.constant 0 : i32
    %dma_wait3A_74 = arith.constant 0 : i32
    %dma_wait3A_75 = tpu.memref_slice %arg3[%add3A, %dma_wait3A, %dma_wait3A_73, %dma_wait3A_74] : memref<32x125x2x80xi32, #tpu.memory_space<hbm>> -> memref<1x1x2x80xi32, #tpu.memory_space<hbm>>
    %dma_wait3A_76 = tpu.memref_squeeze %dma_wait3A_75 : memref<1x1x2x80xi32, #tpu.memory_space<hbm>> -> memref<2x80xi32, #tpu.memory_space<hbm>>
    %dma_wait3A_77 = tpu.memref_slice %arg11[%dma_wait3A_68] : memref<4x!tpu.dma_semaphore, #tpu.memory_space<semaphore_mem>> -> memref<1x!tpu.dma_semaphore, #tpu.memory_space<semaphore_mem>>
    %dma_wait3A_78 = tpu.memref_squeeze %dma_wait3A_77 : memref<1x!tpu.dma_semaphore, #tpu.memory_space<semaphore_mem>> -> memref<!tpu.dma_semaphore, #tpu.memory_space<semaphore_mem>>
    %dma_wait3A_79 = arith.constant 0 : i32
    %dma_wait3A_80 = arith.constant 0 : i32
    %dma_wait3A_81 = tpu.memref_slice %arg6[%dma_wait3A_67, %dma_wait3A_79, %dma_wait3A_80] : memref<4x2x80xi32, #tpu.memory_space<vmem>> -> memref<1x2x80xi32, #tpu.memory_space<vmem>>
    %dma_wait3A_82 = tpu.memref_squeeze %dma_wait3A_81 : memref<1x2x80xi32, #tpu.memory_space<vmem>> -> memref<2x80xi32, #tpu.memory_space<vmem>>
    %dma_wait3A_83 = arith.constant 0 : i32
    %dma_wait3A_84 = arith.constant 0 : i32
    %dma_wait3A_85 = tpu.memref_slice %arg3[%add3A, %dma_wait3A, %dma_wait3A_83, %dma_wait3A_84] : memref<32x125x2x80xi32, #tpu.memory_space<hbm>> -> memref<1x1x2x80xi32, #tpu.memory_space<hbm>>
    %dma_wait3A_86 = tpu.memref_squeeze %dma_wait3A_85 : memref<1x1x2x80xi32, #tpu.memory_space<hbm>> -> memref<2x80xi32, #tpu.memory_space<hbm>>
    tpu.wait_dma2 semaphore(%dma_wait3A_78 : memref<!tpu.dma_semaphore, #tpu.memory_space<semaphore_mem>>) src(%dma_wait3A_86 : memref<2x80xi32, #tpu.memory_space<hbm>>) dst(%dma_wait3A_82 : memref<2x80xi32, #tpu.memory_space<vmem>>)
    %dma_start3A_87 = arith.constant 0 : i32
    %dma_start3A_88 = arith.constant 0 : i32
    %dma_start3A_89 = arith.constant 0 : i32
    %dma_start3A_90 = arith.constant 0 : i32
    %dma_start3A_91 = arith.constant 0 : i32
    %dma_start3A_92 = arith.constant 0 : i32
    %dma_start3A_93 = tpu.memref_slice %arg7[%dma_start3A_89, %dma_start3A_91, %dma_start3A_92] : memref<3x80x128xf32, #tpu.memory_space<vmem>> -> memref<1x80x128xf32, #tpu.memory_space<vmem>>
    %dma_start3A_94 = tpu.memref_squeeze %dma_start3A_93 : memref<1x80x128xf32, #tpu.memory_space<vmem>> -> memref<80x128xf32, #tpu.memory_space<vmem>>
    %dma_start3A_95 = arith.constant 0 : i32
    %dma_start3A_96 = tpu.memref_slice %arg6[%dma_start3A_87, %dma_start3A_88, %dma_start3A_95] : memref<4x2x80xi32, #tpu.memory_space<vmem>> -> memref<1x1x80xi32, #tpu.memory_space<vmem>>
    %dma_start3A_97 = tpu.memref_squeeze %dma_start3A_96 : memref<1x1x80xi32, #tpu.memory_space<vmem>> -> memref<80xi32, #tpu.memory_space<vmem>>
    %dma_start3A_98 = arith.constant 0 : i32
    %dma_start3A_99 = arith.constant 0 : i32
    %dma_start3A_100 = tpu.memref_slice %arg2[%dma_start3A_98, %dma_start3A_99] : memref<10000x128xf32, #tpu.memory_space<hbm>> -> memref<10000x128xf32, #tpu.memory_space<hbm>>
    %dma_start3A_101 = tpu.memref_slice %arg9[%dma_start3A_90] : memref<3x!tpu.dma_semaphore, #tpu.memory_space<semaphore_mem>> -> memref<1x!tpu.dma_semaphore, #tpu.memory_space<semaphore_mem>>
    %dma_start3A_102 = tpu.memref_squeeze %dma_start3A_101 : memref<1x!tpu.dma_semaphore, #tpu.memory_space<semaphore_mem>> -> memref<!tpu.dma_semaphore, #tpu.memory_space<semaphore_mem>>
    tpu.enqueue_indirect_dma source(%dma_start3A_100 : memref<10000x128xf32, #tpu.memory_space<hbm>>) target(%dma_start3A_94 : memref<80x128xf32, #tpu.memory_space<vmem>>) offsets(%dma_start3A_97 : memref<80xi32, #tpu.memory_space<vmem>>) semaphore(%dma_start3A_102 : memref<!tpu.dma_semaphore, #tpu.memory_space<semaphore_mem>>)
    %dma_wait3A_103 = arith.constant 1 : i32
    %dma_wait3A_104 = arith.constant 1 : i32
    %dma_wait3A_105 = arith.constant 1 : i32
    %dma_wait3A_106 = arith.constant 0 : i32
    %dma_wait3A_107 = arith.constant 0 : i32
    %dma_wait3A_108 = tpu.memref_slice %arg6[%dma_wait3A_104, %dma_wait3A_106, %dma_wait3A_107] : memref<4x2x80xi32, #tpu.memory_space<vmem>> -> memref<1x2x80xi32, #tpu.memory_space<vmem>>
    %dma_wait3A_109 = tpu.memref_squeeze %dma_wait3A_108 : memref<1x2x80xi32, #tpu.memory_space<vmem>> -> memref<2x80xi32, #tpu.memory_space<vmem>>
    %dma_wait3A_110 = arith.constant 0 : i32
    %dma_wait3A_111 = arith.constant 0 : i32
    %dma_wait3A_112 = tpu.memref_slice %arg3[%add3A, %dma_wait3A_103, %dma_wait3A_110, %dma_wait3A_111] : memref<32x125x2x80xi32, #tpu.memory_space<hbm>> -> memref<1x1x2x80xi32, #tpu.memory_space<hbm>>
    %dma_wait3A_113 = tpu.memref_squeeze %dma_wait3A_112 : memref<1x1x2x80xi32, #tpu.memory_space<hbm>> -> memref<2x80xi32, #tpu.memory_space<hbm>>
    %dma_wait3A_114 = tpu.memref_slice %arg11[%dma_wait3A_105] : memref<4x!tpu.dma_semaphore, #tpu.memory_space<semaphore_mem>> -> memref<1x!tpu.dma_semaphore, #tpu.memory_space<semaphore_mem>>
    %dma_wait3A_115 = tpu.memref_squeeze %dma_wait3A_114 : memref<1x!tpu.dma_semaphore, #tpu.memory_space<semaphore_mem>> -> memref<!tpu.dma_semaphore, #tpu.memory_space<semaphore_mem>>
    %dma_wait3A_116 = arith.constant 0 : i32
    %dma_wait3A_117 = arith.constant 0 : i32
    %dma_wait3A_118 = tpu.memref_slice %arg6[%dma_wait3A_104, %dma_wait3A_116, %dma_wait3A_117] : memref<4x2x80xi32, #tpu.memory_space<vmem>> -> memref<1x2x80xi32, #tpu.memory_space<vmem>>
    %dma_wait3A_119 = tpu.memref_squeeze %dma_wait3A_118 : memref<1x2x80xi32, #tpu.memory_space<vmem>> -> memref<2x80xi32, #tpu.memory_space<vmem>>
    %dma_wait3A_120 = arith.constant 0 : i32
    %dma_wait3A_121 = arith.constant 0 : i32
    %dma_wait3A_122 = tpu.memref_slice %arg3[%add3A, %dma_wait3A_103, %dma_wait3A_120, %dma_wait3A_121] : memref<32x125x2x80xi32, #tpu.memory_space<hbm>> -> memref<1x1x2x80xi32, #tpu.memory_space<hbm>>
    %dma_wait3A_123 = tpu.memref_squeeze %dma_wait3A_122 : memref<1x1x2x80xi32, #tpu.memory_space<hbm>> -> memref<2x80xi32, #tpu.memory_space<hbm>>
    tpu.wait_dma2 semaphore(%dma_wait3A_115 : memref<!tpu.dma_semaphore, #tpu.memory_space<semaphore_mem>>) src(%dma_wait3A_123 : memref<2x80xi32, #tpu.memory_space<hbm>>) dst(%dma_wait3A_119 : memref<2x80xi32, #tpu.memory_space<vmem>>)
    %dma_start3A_124 = arith.constant 1 : i32
    %dma_start3A_125 = arith.constant 0 : i32
    %dma_start3A_126 = arith.constant 1 : i32
    %dma_start3A_127 = arith.constant 1 : i32
    %dma_start3A_128 = arith.constant 0 : i32
    %dma_start3A_129 = arith.constant 0 : i32
    %dma_start3A_130 = tpu.memref_slice %arg7[%dma_start3A_126, %dma_start3A_128, %dma_start3A_129] : memref<3x80x128xf32, #tpu.memory_space<vmem>> -> memref<1x80x128xf32, #tpu.memory_space<vmem>>
    %dma_start3A_131 = tpu.memref_squeeze %dma_start3A_130 : memref<1x80x128xf32, #tpu.memory_space<vmem>> -> memref<80x128xf32, #tpu.memory_space<vmem>>
    %dma_start3A_132 = arith.constant 0 : i32
    %dma_start3A_133 = tpu.memref_slice %arg6[%dma_start3A_124, %dma_start3A_125, %dma_start3A_132] : memref<4x2x80xi32, #tpu.memory_space<vmem>> -> memref<1x1x80xi32, #tpu.memory_space<vmem>>
    %dma_start3A_134 = tpu.memref_squeeze %dma_start3A_133 : memref<1x1x80xi32, #tpu.memory_space<vmem>> -> memref<80xi32, #tpu.memory_space<vmem>>
    %dma_start3A_135 = arith.constant 0 : i32
    %dma_start3A_136 = arith.constant 0 : i32
    %dma_start3A_137 = tpu.memref_slice %arg2[%dma_start3A_135, %dma_start3A_136] : memref<10000x128xf32, #tpu.memory_space<hbm>> -> memref<10000x128xf32, #tpu.memory_space<hbm>>
    %dma_start3A_138 = tpu.memref_slice %arg9[%dma_start3A_127] : memref<3x!tpu.dma_semaphore, #tpu.memory_space<semaphore_mem>> -> memref<1x!tpu.dma_semaphore, #tpu.memory_space<semaphore_mem>>
    %dma_start3A_139 = tpu.memref_squeeze %dma_start3A_138 : memref<1x!tpu.dma_semaphore, #tpu.memory_space<semaphore_mem>> -> memref<!tpu.dma_semaphore, #tpu.memory_space<semaphore_mem>>
    tpu.enqueue_indirect_dma source(%dma_start3A_137 : memref<10000x128xf32, #tpu.memory_space<hbm>>) target(%dma_start3A_131 : memref<80x128xf32, #tpu.memory_space<vmem>>) offsets(%dma_start3A_134 : memref<80xi32, #tpu.memory_space<vmem>>) semaphore(%dma_start3A_139 : memref<!tpu.dma_semaphore, #tpu.memory_space<semaphore_mem>>)
    %scan3A_140 = arith.constant 0 : i32
    %scan3A_141 = arith.constant 125 : i32
    %scan3A_142 = arith.addi %scan3A_140, %scan3A_141 : i32
    %scan3A_143 = arith.constant 1 : i32
    scf.for %scan3A_166 = %scan3A_140 to %scan3A_142 step %scan3A_143  : i32 {
      %mul3A_167 = arith.constant 1 : i32
      %mul3A_168 = arith.muli %scan3A_166, %mul3A_167 : i32
      %add3A_169 = arith.constant 0 : i32
      %add3A_170 = arith.addi %add3A_169, %mul3A_168 : i32
      %rem3A_171 = arith.constant 3 : i32
      %rem3A_172 = arith.remsi %add3A_170, %rem3A_171 : i32
      %rem3A_173 = arith.constant 4 : i32
      %rem3A_174 = arith.remsi %add3A_170, %rem3A_173 : i32
      %add3A_175 = arith.constant 2 : i32
      %add3A_176 = arith.addi %add3A_170, %add3A_175 : i32
      %rem3A_177 = arith.constant 3 : i32
      %rem3A_178 = arith.remsi %add3A_176, %rem3A_177 : i32
      %add3A_179 = arith.constant 2 : i32
      %add3A_180 = arith.addi %add3A_170, %add3A_179 : i32
      %rem3A_181 = arith.constant 4 : i32
      %rem3A_182 = arith.remsi %add3A_180, %rem3A_181 : i32
      %add3A_183 = arith.constant 3 : i32
      %add3A_184 = arith.addi %add3A_170, %add3A_183 : i32
      %rem3A_185 = arith.constant 4 : i32
      %rem3A_186 = arith.remsi %add3A_184, %rem3A_185 : i32
      %ge3A = arith.constant 1 : i32
      %ge3A_187 = arith.cmpi sge, %add3A_170, %ge3A : i32
      %convert_element_type3A = arith.extui %ge3A_187 : i1 to i32
      %cond3A = arith.constant 0 : i32
      %cond3A_188 = arith.cmpi ne, %convert_element_type3A, %cond3A : i32
      scf.if %cond3A_188 {
        %sub3A = arith.constant 1 : i32
        %sub3A_226 = arith.subi %add3A_170, %sub3A : i32
        %sub3A_227 = arith.constant 1 : i32
        %sub3A_228 = arith.subi %add3A_170, %sub3A_227 : i32
        %rem3A_229 = arith.constant 3 : i32
        %rem3A_230 = arith.remsi %sub3A_228, %rem3A_229 : i32
        %sub3A_231 = arith.constant 1 : i32
        %sub3A_232 = arith.subi %add3A_170, %sub3A_231 : i32
        %rem3A_233 = arith.constant 4 : i32
        %rem3A_234 = arith.remsi %sub3A_232, %rem3A_233 : i32
        %dma_wait3A_235 = arith.constant 1 : i32
        %dma_wait3A_236 = arith.constant 0 : i32
        %dma_wait3A_237 = arith.constant 0 : i32
        %dma_wait3A_238 = tpu.memref_slice %arg7[%rem3A_230, %dma_wait3A_236, %dma_wait3A_237] : memref<3x80x128xf32, #tpu.memory_space<vmem>> -> memref<1x80x128xf32, #tpu.memory_space<vmem>>
        %dma_wait3A_239 = tpu.memref_squeeze %dma_wait3A_238 : memref<1x80x128xf32, #tpu.memory_space<vmem>> -> memref<80x128xf32, #tpu.memory_space<vmem>>
        %dma_wait3A_240 = arith.constant 0 : i32
        %dma_wait3A_241 = tpu.memref_slice %arg6[%rem3A_234, %dma_wait3A_235, %dma_wait3A_240] : memref<4x2x80xi32, #tpu.memory_space<vmem>> -> memref<1x1x80xi32, #tpu.memory_space<vmem>>
        %dma_wait3A_242 = tpu.memref_squeeze %dma_wait3A_241 : memref<1x1x80xi32, #tpu.memory_space<vmem>> -> memref<80xi32, #tpu.memory_space<vmem>>
        %dma_wait3A_243 = arith.constant 0 : i32
        %dma_wait3A_244 = arith.constant 0 : i32
        %dma_wait3A_245 = tpu.memref_slice %arg8[%dma_wait3A_243, %dma_wait3A_244] : memref<10240x128xf32, #tpu.memory_space<vmem_shared>> -> memref<10240x128xf32, #tpu.memory_space<vmem_shared>>
        tpu.wait_indirect_dma semaphore(%arg10 : memref<!tpu.dma_semaphore, #tpu.memory_space<semaphore_mem>>) src(%dma_wait3A_239 : memref<80x128xf32, #tpu.memory_space<vmem>>) dst(%dma_wait3A_245 : memref<10240x128xf32, #tpu.memory_space<vmem_shared>>)
      } else {
      }
      %add3A_189 = arith.constant 3 : i32
      %add3A_190 = arith.addi %add3A_170, %add3A_189 : i32
      %lt3A = arith.constant 125 : i32
      %lt3A_191 = arith.cmpi slt, %add3A_190, %lt3A : i32
      %convert_element_type3A_192 = arith.extui %lt3A_191 : i1 to i32
      %cond3A_193 = arith.constant 0 : i32
      %cond3A_194 = arith.cmpi ne, %convert_element_type3A_192, %cond3A_193 : i32
      scf.if %cond3A_194 {
        %add3A_226 = arith.constant 3 : i32
        %add3A_227 = arith.addi %add3A_170, %add3A_226 : i32
        %dma_start3A_228 = arith.constant 0 : i32
        %dma_start3A_229 = arith.constant 0 : i32
        %dma_start3A_230 = tpu.memref_slice %arg6[%rem3A_186, %dma_start3A_228, %dma_start3A_229] : memref<4x2x80xi32, #tpu.memory_space<vmem>> -> memref<1x2x80xi32, #tpu.memory_space<vmem>>
        %dma_start3A_231 = tpu.memref_squeeze %dma_start3A_230 : memref<1x2x80xi32, #tpu.memory_space<vmem>> -> memref<2x80xi32, #tpu.memory_space<vmem>>
        %dma_start3A_232 = arith.constant 0 : i32
        %dma_start3A_233 = arith.constant 0 : i32
        %dma_start3A_234 = tpu.memref_slice %arg3[%add3A, %add3A_227, %dma_start3A_232, %dma_start3A_233] : memref<32x125x2x80xi32, #tpu.memory_space<hbm>> -> memref<1x1x2x80xi32, #tpu.memory_space<hbm>>
        %dma_start3A_235 = tpu.memref_squeeze %dma_start3A_234 : memref<1x1x2x80xi32, #tpu.memory_space<hbm>> -> memref<2x80xi32, #tpu.memory_space<hbm>>
        %dma_start3A_236 = tpu.memref_slice %arg11[%rem3A_186] : memref<4x!tpu.dma_semaphore, #tpu.memory_space<semaphore_mem>> -> memref<1x!tpu.dma_semaphore, #tpu.memory_space<semaphore_mem>>
        %dma_start3A_237 = tpu.memref_squeeze %dma_start3A_236 : memref<1x!tpu.dma_semaphore, #tpu.memory_space<semaphore_mem>> -> memref<!tpu.dma_semaphore, #tpu.memory_space<semaphore_mem>>
        %dma_start3A_238 = arith.constant 0 : i32
        %dma_start3A_239 = arith.constant 0 : i32
        %dma_start3A_240 = tpu.memref_slice %arg6[%rem3A_186, %dma_start3A_238, %dma_start3A_239] : memref<4x2x80xi32, #tpu.memory_space<vmem>> -> memref<1x2x80xi32, #tpu.memory_space<vmem>>
        %dma_start3A_241 = tpu.memref_squeeze %dma_start3A_240 : memref<1x2x80xi32, #tpu.memory_space<vmem>> -> memref<2x80xi32, #tpu.memory_space<vmem>>
        %dma_start3A_242 = arith.constant 0 : i32
        %dma_start3A_243 = arith.constant 0 : i32
        %dma_start3A_244 = tpu.memref_slice %arg3[%add3A, %add3A_227, %dma_start3A_242, %dma_start3A_243] : memref<32x125x2x80xi32, #tpu.memory_space<hbm>> -> memref<1x1x2x80xi32, #tpu.memory_space<hbm>>
        %dma_start3A_245 = tpu.memref_squeeze %dma_start3A_244 : memref<1x1x2x80xi32, #tpu.memory_space<hbm>> -> memref<2x80xi32, #tpu.memory_space<hbm>>
        tpu.enqueue_dma source(%dma_start3A_245 : memref<2x80xi32, #tpu.memory_space<hbm>>) target(%dma_start3A_241 : memref<2x80xi32, #tpu.memory_space<vmem>>) target_semaphore(%dma_start3A_237 : memref<!tpu.dma_semaphore, #tpu.memory_space<semaphore_mem>>)
      } else {
      }
      %add3A_195 = arith.constant 2 : i32
      %add3A_196 = arith.addi %add3A_170, %add3A_195 : i32
      %lt3A_197 = arith.constant 125 : i32
      %lt3A_198 = arith.cmpi slt, %add3A_196, %lt3A_197 : i32
      %convert_element_type3A_199 = arith.extui %lt3A_198 : i1 to i32
      %cond3A_200 = arith.constant 0 : i32
      %cond3A_201 = arith.cmpi ne, %convert_element_type3A_199, %cond3A_200 : i32
      scf.if %cond3A_201 {
        %add3A_226 = arith.constant 2 : i32
        %add3A_227 = arith.addi %add3A_170, %add3A_226 : i32
        %dma_wait3A_228 = arith.constant 0 : i32
        %dma_wait3A_229 = arith.constant 0 : i32
        %dma_wait3A_230 = tpu.memref_slice %arg6[%rem3A_182, %dma_wait3A_228, %dma_wait3A_229] : memref<4x2x80xi32, #tpu.memory_space<vmem>> -> memref<1x2x80xi32, #tpu.memory_space<vmem>>
        %dma_wait3A_231 = tpu.memref_squeeze %dma_wait3A_230 : memref<1x2x80xi32, #tpu.memory_space<vmem>> -> memref<2x80xi32, #tpu.memory_space<vmem>>
        %dma_wait3A_232 = arith.constant 0 : i32
        %dma_wait3A_233 = arith.constant 0 : i32
        %dma_wait3A_234 = tpu.memref_slice %arg3[%add3A, %add3A_227, %dma_wait3A_232, %dma_wait3A_233] : memref<32x125x2x80xi32, #tpu.memory_space<hbm>> -> memref<1x1x2x80xi32, #tpu.memory_space<hbm>>
        %dma_wait3A_235 = tpu.memref_squeeze %dma_wait3A_234 : memref<1x1x2x80xi32, #tpu.memory_space<hbm>> -> memref<2x80xi32, #tpu.memory_space<hbm>>
        %dma_wait3A_236 = tpu.memref_slice %arg11[%rem3A_182] : memref<4x!tpu.dma_semaphore, #tpu.memory_space<semaphore_mem>> -> memref<1x!tpu.dma_semaphore, #tpu.memory_space<semaphore_mem>>
        %dma_wait3A_237 = tpu.memref_squeeze %dma_wait3A_236 : memref<1x!tpu.dma_semaphore, #tpu.memory_space<semaphore_mem>> -> memref<!tpu.dma_semaphore, #tpu.memory_space<semaphore_mem>>
        %dma_wait3A_238 = arith.constant 0 : i32
        %dma_wait3A_239 = arith.constant 0 : i32
        %dma_wait3A_240 = tpu.memref_slice %arg6[%rem3A_182, %dma_wait3A_238, %dma_wait3A_239] : memref<4x2x80xi32, #tpu.memory_space<vmem>> -> memref<1x2x80xi32, #tpu.memory_space<vmem>>
        %dma_wait3A_241 = tpu.memref_squeeze %dma_wait3A_240 : memref<1x2x80xi32, #tpu.memory_space<vmem>> -> memref<2x80xi32, #tpu.memory_space<vmem>>
        %dma_wait3A_242 = arith.constant 0 : i32
        %dma_wait3A_243 = arith.constant 0 : i32
        %dma_wait3A_244 = tpu.memref_slice %arg3[%add3A, %add3A_227, %dma_wait3A_242, %dma_wait3A_243] : memref<32x125x2x80xi32, #tpu.memory_space<hbm>> -> memref<1x1x2x80xi32, #tpu.memory_space<hbm>>
        %dma_wait3A_245 = tpu.memref_squeeze %dma_wait3A_244 : memref<1x1x2x80xi32, #tpu.memory_space<hbm>> -> memref<2x80xi32, #tpu.memory_space<hbm>>
        tpu.wait_dma2 semaphore(%dma_wait3A_237 : memref<!tpu.dma_semaphore, #tpu.memory_space<semaphore_mem>>) src(%dma_wait3A_245 : memref<2x80xi32, #tpu.memory_space<hbm>>) dst(%dma_wait3A_241 : memref<2x80xi32, #tpu.memory_space<vmem>>)
        %add3A_246 = arith.constant 2 : i32
        %add3A_247 = arith.addi %add3A_170, %add3A_246 : i32
        %dma_start3A_248 = arith.constant 0 : i32
        %dma_start3A_249 = arith.constant 0 : i32
        %dma_start3A_250 = arith.constant 0 : i32
        %dma_start3A_251 = tpu.memref_slice %arg7[%rem3A_178, %dma_start3A_249, %dma_start3A_250] : memref<3x80x128xf32, #tpu.memory_space<vmem>> -> memref<1x80x128xf32, #tpu.memory_space<vmem>>
        %dma_start3A_252 = tpu.memref_squeeze %dma_start3A_251 : memref<1x80x128xf32, #tpu.memory_space<vmem>> -> memref<80x128xf32, #tpu.memory_space<vmem>>
        %dma_start3A_253 = arith.constant 0 : i32
        %dma_start3A_254 = tpu.memref_slice %arg6[%rem3A_182, %dma_start3A_248, %dma_start3A_253] : memref<4x2x80xi32, #tpu.memory_space<vmem>> -> memref<1x1x80xi32, #tpu.memory_space<vmem>>
        %dma_start3A_255 = tpu.memref_squeeze %dma_start3A_254 : memref<1x1x80xi32, #tpu.memory_space<vmem>> -> memref<80xi32, #tpu.memory_space<vmem>>
        %dma_start3A_256 = arith.constant 0 : i32
        %dma_start3A_257 = arith.constant 0 : i32
        %dma_start3A_258 = tpu.memref_slice %arg2[%dma_start3A_256, %dma_start3A_257] : memref<10000x128xf32, #tpu.memory_space<hbm>> -> memref<10000x128xf32, #tpu.memory_space<hbm>>
        %dma_start3A_259 = tpu.memref_slice %arg9[%rem3A_178] : memref<3x!tpu.dma_semaphore, #tpu.memory_space<semaphore_mem>> -> memref<1x!tpu.dma_semaphore, #tpu.memory_space<semaphore_mem>>
        %dma_start3A_260 = tpu.memref_squeeze %dma_start3A_259 : memref<1x!tpu.dma_semaphore, #tpu.memory_space<semaphore_mem>> -> memref<!tpu.dma_semaphore, #tpu.memory_space<semaphore_mem>>
        tpu.enqueue_indirect_dma source(%dma_start3A_258 : memref<10000x128xf32, #tpu.memory_space<hbm>>) target(%dma_start3A_252 : memref<80x128xf32, #tpu.memory_space<vmem>>) offsets(%dma_start3A_255 : memref<80xi32, #tpu.memory_space<vmem>>) semaphore(%dma_start3A_260 : memref<!tpu.dma_semaphore, #tpu.memory_space<semaphore_mem>>)
      } else {
      }
      %dma_wait3A_202 = arith.constant 0 : i32
      %dma_wait3A_203 = arith.constant 0 : i32
      %dma_wait3A_204 = arith.constant 0 : i32
      %dma_wait3A_205 = tpu.memref_slice %arg7[%rem3A_172, %dma_wait3A_203, %dma_wait3A_204] : memref<3x80x128xf32, #tpu.memory_space<vmem>> -> memref<1x80x128xf32, #tpu.memory_space<vmem>>
      %dma_wait3A_206 = tpu.memref_squeeze %dma_wait3A_205 : memref<1x80x128xf32, #tpu.memory_space<vmem>> -> memref<80x128xf32, #tpu.memory_space<vmem>>
      %dma_wait3A_207 = arith.constant 0 : i32
      %dma_wait3A_208 = tpu.memref_slice %arg6[%rem3A_174, %dma_wait3A_202, %dma_wait3A_207] : memref<4x2x80xi32, #tpu.memory_space<vmem>> -> memref<1x1x80xi32, #tpu.memory_space<vmem>>
      %dma_wait3A_209 = tpu.memref_squeeze %dma_wait3A_208 : memref<1x1x80xi32, #tpu.memory_space<vmem>> -> memref<80xi32, #tpu.memory_space<vmem>>
      %dma_wait3A_210 = arith.constant 0 : i32
      %dma_wait3A_211 = arith.constant 0 : i32
      %dma_wait3A_212 = tpu.memref_slice %arg2[%dma_wait3A_210, %dma_wait3A_211] : memref<10000x128xf32, #tpu.memory_space<hbm>> -> memref<10000x128xf32, #tpu.memory_space<hbm>>
      %dma_wait3A_213 = tpu.memref_slice %arg9[%rem3A_172] : memref<3x!tpu.dma_semaphore, #tpu.memory_space<semaphore_mem>> -> memref<1x!tpu.dma_semaphore, #tpu.memory_space<semaphore_mem>>
      %dma_wait3A_214 = tpu.memref_squeeze %dma_wait3A_213 : memref<1x!tpu.dma_semaphore, #tpu.memory_space<semaphore_mem>> -> memref<!tpu.dma_semaphore, #tpu.memory_space<semaphore_mem>>
      tpu.wait_indirect_dma semaphore(%dma_wait3A_214 : memref<!tpu.dma_semaphore, #tpu.memory_space<semaphore_mem>>) src(%dma_wait3A_212 : memref<10000x128xf32, #tpu.memory_space<hbm>>) dst(%dma_wait3A_206 : memref<80x128xf32, #tpu.memory_space<vmem>>)
      %dma_start3A_215 = arith.constant 1 : i32
      %dma_start3A_216 = arith.constant 0 : i32
      %dma_start3A_217 = arith.constant 0 : i32
      %dma_start3A_218 = tpu.memref_slice %arg7[%rem3A_172, %dma_start3A_216, %dma_start3A_217] : memref<3x80x128xf32, #tpu.memory_space<vmem>> -> memref<1x80x128xf32, #tpu.memory_space<vmem>>
      %dma_start3A_219 = tpu.memref_squeeze %dma_start3A_218 : memref<1x80x128xf32, #tpu.memory_space<vmem>> -> memref<80x128xf32, #tpu.memory_space<vmem>>
      %dma_start3A_220 = arith.constant 0 : i32
      %dma_start3A_221 = tpu.memref_slice %arg6[%rem3A_174, %dma_start3A_215, %dma_start3A_220] : memref<4x2x80xi32, #tpu.memory_space<vmem>> -> memref<1x1x80xi32, #tpu.memory_space<vmem>>
      %dma_start3A_222 = tpu.memref_squeeze %dma_start3A_221 : memref<1x1x80xi32, #tpu.memory_space<vmem>> -> memref<80xi32, #tpu.memory_space<vmem>>
      %dma_start3A_223 = arith.constant 0 : i32
      %dma_start3A_224 = arith.constant 0 : i32
      %dma_start3A_225 = tpu.memref_slice %arg8[%dma_start3A_223, %dma_start3A_224] : memref<10240x128xf32, #tpu.memory_space<vmem_shared>> -> memref<10240x128xf32, #tpu.memory_space<vmem_shared>>
      tpu.enqueue_indirect_dma source(%dma_start3A_219 : memref<80x128xf32, #tpu.memory_space<vmem>>) target(%dma_start3A_225 : memref<10240x128xf32, #tpu.memory_space<vmem_shared>>) offsets(%dma_start3A_222 : memref<80xi32, #tpu.memory_space<vmem>>) semaphore(%arg10 : memref<!tpu.dma_semaphore, #tpu.memory_space<semaphore_mem>>) {add = true}
    }
    %scan3A_144 = arith.constant 125 : i32
    %rem3A = arith.constant 124 : i32
    %rem3A_145 = arith.constant 3 : i32
    %rem3A_146 = arith.remsi %rem3A, %rem3A_145 : i32
    %rem3A_147 = arith.constant 124 : i32
    %rem3A_148 = arith.constant 4 : i32
    %rem3A_149 = arith.remsi %rem3A_147, %rem3A_148 : i32
    %dma_wait3A_150 = arith.constant 1 : i32
    %dma_wait3A_151 = arith.constant 0 : i32
    %dma_wait3A_152 = arith.constant 0 : i32
    %dma_wait3A_153 = tpu.memref_slice %arg7[%rem3A_146, %dma_wait3A_151, %dma_wait3A_152] : memref<3x80x128xf32, #tpu.memory_space<vmem>> -> memref<1x80x128xf32, #tpu.memory_space<vmem>>
    %dma_wait3A_154 = tpu.memref_squeeze %dma_wait3A_153 : memref<1x80x128xf32, #tpu.memory_space<vmem>> -> memref<80x128xf32, #tpu.memory_space<vmem>>
    %dma_wait3A_155 = arith.constant 0 : i32
    %dma_wait3A_156 = tpu.memref_slice %arg6[%rem3A_149, %dma_wait3A_150, %dma_wait3A_155] : memref<4x2x80xi32, #tpu.memory_space<vmem>> -> memref<1x1x80xi32, #tpu.memory_space<vmem>>
    %dma_wait3A_157 = tpu.memref_squeeze %dma_wait3A_156 : memref<1x1x80xi32, #tpu.memory_space<vmem>> -> memref<80xi32, #tpu.memory_space<vmem>>
    %dma_wait3A_158 = arith.constant 0 : i32
    %dma_wait3A_159 = arith.constant 0 : i32
    %dma_wait3A_160 = tpu.memref_slice %arg8[%dma_wait3A_158, %dma_wait3A_159] : memref<10240x128xf32, #tpu.memory_space<vmem_shared>> -> memref<10240x128xf32, #tpu.memory_space<vmem_shared>>
    tpu.wait_indirect_dma semaphore(%arg10 : memref<!tpu.dma_semaphore, #tpu.memory_space<semaphore_mem>>) src(%dma_wait3A_154 : memref<80x128xf32, #tpu.memory_space<vmem>>) dst(%dma_wait3A_160 : memref<10240x128xf32, #tpu.memory_space<vmem_shared>>)
    %barrier3A_161 = arith.constant 0 : index
    tpu.barrier barrier_id(%barrier3A_161)
    %mul3A_162 = arith.constant 640 : i32
    %mul3A_163 = arith.muli %arg1, %mul3A_162 : i32
    %mul3A_164 = arith.constant 640 : i32
    %mul3A_165 = arith.muli %arg1, %mul3A_164 : i32
    "tpu.region"() ({
      %run_scoped3A_166 = tpu.sem_alloc : memref<!tpu.dma_semaphore, #tpu.memory_space<semaphore_mem>>
      %dma_start3A_167 = arith.constant 0 : i32
      %dma_start3A_168 = tpu.memref_slice %arg5[%arg0, %mul3A_165, %dma_start3A_167] : memref<2x10240x128xf32, #tpu.memory_space<hbm>> -> memref<1x640x128xf32, #tpu.memory_space<hbm>>
      %dma_start3A_169 = tpu.memref_squeeze %dma_start3A_168 : memref<1x640x128xf32, #tpu.memory_space<hbm>> -> memref<640x128xf32, #tpu.memory_space<hbm>>
      %dma_start3A_170 = arith.constant 0 : i32
      %dma_start3A_171 = tpu.memref_slice %arg8[%mul3A_163, %dma_start3A_170] : memref<10240x128xf32, #tpu.memory_space<vmem_shared>> -> memref<640x128xf32, #tpu.memory_space<vmem_shared>>
      tpu.enqueue_dma source(%dma_start3A_171 : memref<640x128xf32, #tpu.memory_space<vmem_shared>>) target(%dma_start3A_169 : memref<640x128xf32, #tpu.memory_space<hbm>>) target_semaphore(%run_scoped3A_166 : memref<!tpu.dma_semaphore, #tpu.memory_space<semaphore_mem>>)
      %dma_wait3A_172 = arith.constant 0 : i32
      %dma_wait3A_173 = tpu.memref_slice %arg5[%arg0, %mul3A_165, %dma_wait3A_172] : memref<2x10240x128xf32, #tpu.memory_space<hbm>> -> memref<1x640x128xf32, #tpu.memory_space<hbm>>
      %dma_wait3A_174 = tpu.memref_squeeze %dma_wait3A_173 : memref<1x640x128xf32, #tpu.memory_space<hbm>> -> memref<640x128xf32, #tpu.memory_space<hbm>>
      %dma_wait3A_175 = arith.constant 0 : i32
      %dma_wait3A_176 = tpu.memref_slice %arg8[%mul3A_163, %dma_wait3A_175] : memref<10240x128xf32, #tpu.memory_space<vmem_shared>> -> memref<640x128xf32, #tpu.memory_space<vmem_shared>>
      tpu.wait_dma2 semaphore(%run_scoped3A_166 : memref<!tpu.dma_semaphore, #tpu.memory_space<semaphore_mem>>) src(%dma_wait3A_176 : memref<640x128xf32, #tpu.memory_space<vmem_shared>>) dst(%dma_wait3A_174 : memref<640x128xf32, #tpu.memory_space<hbm>>)
      tpu.yield
    }) : () -> ()
    return
  }
}

#map = affine_map<(d0, d1) -> (0, 0)>
#map1 = affine_map<(d0, d1) -> (0, 0, 0, 0)>
#map2 = affine_map<(d0, d1) -> (0, 0, 0)>
module attributes {stable_mosaic.version = 14 : i64} {
  func.func @k(%arg0: i32, %arg1: i32, %arg2: memref<10000x128xf32, #tpu.memory_space<hbm>>, %arg3: memref<32x125x2x80xi32, #tpu.memory_space<hbm>>, %arg4: memref<80x128xf32, #tpu.memory_space<hbm>>, %arg5: memref<2x10240x128xf32, #tpu.memory_space<hbm>>, %arg6: memref<4x2x80xi32, #tpu.memory_space<vmem>>, %arg7: memref<3x80x128xf32, #tpu.memory_space<vmem>>, %arg8: memref<10240x128xf32, #tpu.memory_space<vmem_shared>>, %arg9: memref<3x!tpu.dma_semaphore, #tpu.memory_space<semaphore_mem>>, %arg10: memref<!tpu.dma_semaphore, #tpu.memory_space<semaphore_mem>>, %arg11: memref<4x!tpu.dma_semaphore, #tpu.memory_space<semaphore_mem>>) attributes {dimension_semantics = [#tpu.dimension_semantics<core_parallel>, #tpu.dimension_semantics<subcore_parallel>], iteration_bounds = array<i64: 2, 16>, scalar_prefetch = 0 : i64, scratch_operands = 6 : i64, tpu.core_type = #tpu.core_type<sc_vector_subcore>, window_params = [{transform_indices = #map}, {transform_indices = #map1}, {transform_indices = #map}, {transform_indices = #map2}]} {
    %mul3A = arith.constant 16 : i32
    %mul3A_0 = arith.muli %arg0, %mul3A : i32
    %add3A = arith.addi %mul3A_0, %arg1 : i32
    %run_scoped3A = arith.constant 0 : i32
    "tpu.region"() ({
      %run_scoped3A_166 = tpu.sem_alloc : memref<!tpu.dma_semaphore, #tpu.memory_space<semaphore_mem>>
      %dma_start3A_167 = arith.constant 0 : i32
      %dma_start3A_168 = arith.constant 0 : i32
      %dma_start3A_169 = tpu.memref_slice %arg7[%run_scoped3A, %dma_start3A_167, %dma_start3A_168] : memref<3x80x128xf32, #tpu.memory_space<vmem>> -> memref<1x80x128xf32, #tpu.memory_space<vmem>>
      %dma_start3A_170 = tpu.memref_squeeze %dma_start3A_169 : memref<1x80x128xf32, #tpu.memory_space<vmem>> -> memref<80x128xf32, #tpu.memory_space<vmem>>
      %dma_start3A_171 = arith.constant 0 : i32
      %dma_start3A_172 = arith.constant 0 : i32
      %dma_start3A_173 = tpu.memref_slice %arg4[%dma_start3A_171, %dma_start3A_172] : memref<80x128xf32, #tpu.memory_space<hbm>> -> memref<80x128xf32, #tpu.memory_space<hbm>>
      %dma_start3A_174 = arith.constant 0 : i32
      %dma_start3A_175 = arith.constant 0 : i32
      %dma_start3A_176 = tpu.memref_slice %arg7[%run_scoped3A, %dma_start3A_174, %dma_start3A_175] : memref<3x80x128xf32, #tpu.memory_space<vmem>> -> memref<1x80x128xf32, #tpu.memory_space<vmem>>
      %dma_start3A_177 = tpu.memref_squeeze %dma_start3A_176 : memref<1x80x128xf32, #tpu.memory_space<vmem>> -> memref<80x128xf32, #tpu.memory_space<vmem>>
      %dma_start3A_178 = arith.constant 0 : i32
      %dma_start3A_179 = arith.constant 0 : i32
      %dma_start3A_180 = tpu.memref_slice %arg4[%dma_start3A_178, %dma_start3A_179] : memref<80x128xf32, #tpu.memory_space<hbm>> -> memref<80x128xf32, #tpu.memory_space<hbm>>
      tpu.enqueue_dma source(%dma_start3A_180 : memref<80x128xf32, #tpu.memory_space<hbm>>) target(%dma_start3A_177 : memref<80x128xf32, #tpu.memory_space<vmem>>) target_semaphore(%run_scoped3A_166 : memref<!tpu.dma_semaphore, #tpu.memory_space<semaphore_mem>>)
      %dma_wait3A_181 = arith.constant 0 : i32
      %dma_wait3A_182 = arith.constant 0 : i32
      %dma_wait3A_183 = tpu.memref_slice %arg7[%run_scoped3A, %dma_wait3A_181, %dma_wait3A_182] : memref<3x80x128xf32, #tpu.memory_space<vmem>> -> memref<1x80x128xf32, #tpu.memory_space<vmem>>
      %dma_wait3A_184 = tpu.memref_squeeze %dma_wait3A_183 : memref<1x80x128xf32, #tpu.memory_space<vmem>> -> memref<80x128xf32, #tpu.memory_space<vmem>>
      %dma_wait3A_185 = arith.constant 0 : i32
      %dma_wait3A_186 = arith.constant 0 : i32
      %dma_wait3A_187 = tpu.memref_slice %arg4[%dma_wait3A_185, %dma_wait3A_186] : memref<80x128xf32, #tpu.memory_space<hbm>> -> memref<80x128xf32, #tpu.memory_space<hbm>>
      %dma_wait3A_188 = arith.constant 0 : i32
      %dma_wait3A_189 = arith.constant 0 : i32
      %dma_wait3A_190 = tpu.memref_slice %arg7[%run_scoped3A, %dma_wait3A_188, %dma_wait3A_189] : memref<3x80x128xf32, #tpu.memory_space<vmem>> -> memref<1x80x128xf32, #tpu.memory_space<vmem>>
      %dma_wait3A_191 = tpu.memref_squeeze %dma_wait3A_190 : memref<1x80x128xf32, #tpu.memory_space<vmem>> -> memref<80x128xf32, #tpu.memory_space<vmem>>
      %dma_wait3A_192 = arith.constant 0 : i32
      %dma_wait3A_193 = arith.constant 0 : i32
      %dma_wait3A_194 = tpu.memref_slice %arg4[%dma_wait3A_192, %dma_wait3A_193] : memref<80x128xf32, #tpu.memory_space<hbm>> -> memref<80x128xf32, #tpu.memory_space<hbm>>
      tpu.wait_dma2 semaphore(%run_scoped3A_166 : memref<!tpu.dma_semaphore, #tpu.memory_space<semaphore_mem>>) src(%dma_wait3A_194 : memref<80x128xf32, #tpu.memory_space<hbm>>) dst(%dma_wait3A_191 : memref<80x128xf32, #tpu.memory_space<vmem>>)
      tpu.yield
    }) : () -> ()
    %scan3A = arith.constant 0 : i32
    %scan3A_1 = arith.constant 8 : i32
    %scan3A_2 = arith.addi %scan3A, %scan3A_1 : i32
    %scan3A_3 = arith.constant 1 : i32
    scf.for %scan3A_166 = %scan3A to %scan3A_2 step %scan3A_3  : i32 {
      %mul3A_167 = arith.constant 80 : i32
      %mul3A_168 = arith.muli %scan3A_166, %mul3A_167 : i32
      %add3A_169 = arith.constant 0 : i32
      %add3A_170 = arith.addi %add3A_169, %mul3A_168 : i32
      %mul3A_171 = arith.constant 640 : i32
      %mul3A_172 = arith.muli %arg1, %mul3A_171 : i32
      %add3A_173 = arith.addi %mul3A_172, %add3A_170 : i32
      %run_scoped3A_174 = arith.constant 0 : i32
      "tpu.region"() ({
        %run_scoped3A_175 = tpu.sem_alloc : memref<!tpu.dma_semaphore, #tpu.memory_space<semaphore_mem>>
        %dma_start3A_176 = arith.constant 0 : i32
        %dma_start3A_177 = arith.constant 0 : i32
        %dma_start3A_178 = tpu.memref_slice %arg7[%run_scoped3A_174, %dma_start3A_176, %dma_start3A_177] : memref<3x80x128xf32, #tpu.memory_space<vmem>> -> memref<1x80x128xf32, #tpu.memory_space<vmem>>
        %dma_start3A_179 = tpu.memref_squeeze %dma_start3A_178 : memref<1x80x128xf32, #tpu.memory_space<vmem>> -> memref<80x128xf32, #tpu.memory_space<vmem>>
        %dma_start3A_180 = arith.constant 0 : i32
        %dma_start3A_181 = tpu.memref_slice %arg8[%add3A_173, %dma_start3A_180] : memref<10240x128xf32, #tpu.memory_space<vmem_shared>> -> memref<80x128xf32, #tpu.memory_space<vmem_shared>>
        %dma_start3A_182 = arith.constant 0 : i32
        %dma_start3A_183 = tpu.memref_slice %arg8[%add3A_173, %dma_start3A_182] : memref<10240x128xf32, #tpu.memory_space<vmem_shared>> -> memref<80x128xf32, #tpu.memory_space<vmem_shared>>
        %dma_start3A_184 = arith.constant 0 : i32
        %dma_start3A_185 = arith.constant 0 : i32
        %dma_start3A_186 = tpu.memref_slice %arg7[%run_scoped3A_174, %dma_start3A_184, %dma_start3A_185] : memref<3x80x128xf32, #tpu.memory_space<vmem>> -> memref<1x80x128xf32, #tpu.memory_space<vmem>>
        %dma_start3A_187 = tpu.memref_squeeze %dma_start3A_186 : memref<1x80x128xf32, #tpu.memory_space<vmem>> -> memref<80x128xf32, #tpu.memory_space<vmem>>
        tpu.enqueue_dma source(%dma_start3A_187 : memref<80x128xf32, #tpu.memory_space<vmem>>) target(%dma_start3A_183 : memref<80x128xf32, #tpu.memory_space<vmem_shared>>) target_semaphore(%run_scoped3A_175 : memref<!tpu.dma_semaphore, #tpu.memory_space<semaphore_mem>>)
        %dma_wait3A_188 = arith.constant 0 : i32
        %dma_wait3A_189 = arith.constant 0 : i32
        %dma_wait3A_190 = tpu.memref_slice %arg7[%run_scoped3A_174, %dma_wait3A_188, %dma_wait3A_189] : memref<3x80x128xf32, #tpu.memory_space<vmem>> -> memref<1x80x128xf32, #tpu.memory_space<vmem>>
        %dma_wait3A_191 = tpu.memref_squeeze %dma_wait3A_190 : memref<1x80x128xf32, #tpu.memory_space<vmem>> -> memref<80x128xf32, #tpu.memory_space<vmem>>
        %dma_wait3A_192 = arith.constant 0 : i32
        %dma_wait3A_193 = tpu.memref_slice %arg8[%add3A_173, %dma_wait3A_192] : memref<10240x128xf32, #tpu.memory_space<vmem_shared>> -> memref<80x128xf32, #tpu.memory_space<vmem_shared>>
        %dma_wait3A_194 = arith.constant 0 : i32
        %dma_wait3A_195 = tpu.memref_slice %arg8[%add3A_173, %dma_wait3A_194] : memref<10240x128xf32, #tpu.memory_space<vmem_shared>> -> memref<80x128xf32, #tpu.memory_space<vmem_shared>>
        %dma_wait3A_196 = arith.constant 0 : i32
        %dma_wait3A_197 = arith.constant 0 : i32
        %dma_wait3A_198 = tpu.memref_slice %arg7[%run_scoped3A_174, %dma_wait3A_196, %dma_wait3A_197] : memref<3x80x128xf32, #tpu.memory_space<vmem>> -> memref<1x80x128xf32, #tpu.memory_space<vmem>>
        %dma_wait3A_199 = tpu.memref_squeeze %dma_wait3A_198 : memref<1x80x128xf32, #tpu.memory_space<vmem>> -> memref<80x128xf32, #tpu.memory_space<vmem>>
        tpu.wait_dma2 semaphore(%run_scoped3A_175 : memref<!tpu.dma_semaphore, #tpu.memory_space<semaphore_mem>>) src(%dma_wait3A_199 : memref<80x128xf32, #tpu.memory_space<vmem>>) dst(%dma_wait3A_195 : memref<80x128xf32, #tpu.memory_space<vmem_shared>>)
        tpu.yield
      }) : () -> ()
    }
    %scan3A_4 = arith.constant 8 : i32
    %barrier3A = arith.constant 0 : index
    tpu.barrier barrier_id(%barrier3A)
    %dma_start3A = arith.constant 0 : i32
    %dma_start3A_5 = arith.constant 0 : i32
    %dma_start3A_6 = arith.constant 0 : i32
    %dma_start3A_7 = arith.constant 0 : i32
    %dma_start3A_8 = arith.constant 0 : i32
    %dma_start3A_9 = tpu.memref_slice %arg6[%dma_start3A_5, %dma_start3A_7, %dma_start3A_8] : memref<4x2x80xi32, #tpu.memory_space<vmem>> -> memref<1x2x80xi32, #tpu.memory_space<vmem>>
    %dma_start3A_10 = tpu.memref_squeeze %dma_start3A_9 : memref<1x2x80xi32, #tpu.memory_space<vmem>> -> memref<2x80xi32, #tpu.memory_space<vmem>>
    %dma_start3A_11 = arith.constant 0 : i32
    %dma_start3A_12 = arith.constant 0 : i32
    %dma_start3A_13 = tpu.memref_slice %arg3[%add3A, %dma_start3A, %dma_start3A_11, %dma_start3A_12] : memref<32x125x2x80xi32, #tpu.memory_space<hbm>> -> memref<1x1x2x80xi32, #tpu.memory_space<hbm>>
    %dma_start3A_14 = tpu.memref_squeeze %dma_start3A_13 : memref<1x1x2x80xi32, #tpu.memory_space<hbm>> -> memref<2x80xi32, #tpu.memory_space<hbm>>
    %dma_start3A_15 = tpu.memref_slice %arg11[%dma_start3A_6] : memref<4x!tpu.dma_semaphore, #tpu.memory_space<semaphore_mem>> -> memref<1x!tpu.dma_semaphore, #tpu.memory_space<semaphore_mem>>
    %dma_start3A_16 = tpu.memref_squeeze %dma_start3A_15 : memref<1x!tpu.dma_semaphore, #tpu.memory_space<semaphore_mem>> -> memref<!tpu.dma_semaphore, #tpu.memory_space<semaphore_mem>>
    %dma_start3A_17 = arith.constant 0 : i32
    %dma_start3A_18 = arith.constant 0 : i32
    %dma_start3A_19 = tpu.memref_slice %arg6[%dma_start3A_5, %dma_start3A_17, %dma_start3A_18] : memref<4x2x80xi32, #tpu.memory_space<vmem>> -> memref<1x2x80xi32, #tpu.memory_space<vmem>>
    %dma_start3A_20 = tpu.memref_squeeze %dma_start3A_19 : memref<1x2x80xi32, #tpu.memory_space<vmem>> -> memref<2x80xi32, #tpu.memory_space<vmem>>
    %dma_start3A_21 = arith.constant 0 : i32
    %dma_start3A_22 = arith.constant 0 : i32
    %dma_start3A_23 = tpu.memref_slice %arg3[%add3A, %dma_start3A, %dma_start3A_21, %dma_start3A_22] : memref<32x125x2x80xi32, #tpu.memory_space<hbm>> -> memref<1x1x2x80xi32, #tpu.memory_space<hbm>>
    %dma_start3A_24 = tpu.memref_squeeze %dma_start3A_23 : memref<1x1x2x80xi32, #tpu.memory_space<hbm>> -> memref<2x80xi32, #tpu.memory_space<hbm>>
    tpu.enqueue_dma source(%dma_start3A_24 : memref<2x80xi32, #tpu.memory_space<hbm>>) target(%dma_start3A_20 : memref<2x80xi32, #tpu.memory_space<vmem>>) target_semaphore(%dma_start3A_16 : memref<!tpu.dma_semaphore, #tpu.memory_space<semaphore_mem>>)
    %dma_start3A_25 = arith.constant 1 : i32
    %dma_start3A_26 = arith.constant 1 : i32
    %dma_start3A_27 = arith.constant 1 : i32
    %dma_start3A_28 = arith.constant 0 : i32
    %dma_start3A_29 = arith.constant 0 : i32
    %dma_start3A_30 = tpu.memref_slice %arg6[%dma_start3A_26, %dma_start3A_28, %dma_start3A_29] : memref<4x2x80xi32, #tpu.memory_space<vmem>> -> memref<1x2x80xi32, #tpu.memory_space<vmem>>
    %dma_start3A_31 = tpu.memref_squeeze %dma_start3A_30 : memref<1x2x80xi32, #tpu.memory_space<vmem>> -> memref<2x80xi32, #tpu.memory_space<vmem>>
    %dma_start3A_32 = arith.constant 0 : i32
    %dma_start3A_33 = arith.constant 0 : i32
    %dma_start3A_34 = tpu.memref_slice %arg3[%add3A, %dma_start3A_25, %dma_start3A_32, %dma_start3A_33] : memref<32x125x2x80xi32, #tpu.memory_space<hbm>> -> memref<1x1x2x80xi32, #tpu.memory_space<hbm>>
    %dma_start3A_35 = tpu.memref_squeeze %dma_start3A_34 : memref<1x1x2x80xi32, #tpu.memory_space<hbm>> -> memref<2x80xi32, #tpu.memory_space<hbm>>
    %dma_start3A_36 = tpu.memref_slice %arg11[%dma_start3A_27] : memref<4x!tpu.dma_semaphore, #tpu.memory_space<semaphore_mem>> -> memref<1x!tpu.dma_semaphore, #tpu.memory_space<semaphore_mem>>
    %dma_start3A_37 = tpu.memref_squeeze %dma_start3A_36 : memref<1x!tpu.dma_semaphore, #tpu.memory_space<semaphore_mem>> -> memref<!tpu.dma_semaphore, #tpu.memory_space<semaphore_mem>>
    %dma_start3A_38 = arith.constant 0 : i32
    %dma_start3A_39 = arith.constant 0 : i32
    %dma_start3A_40 = tpu.memref_slice %arg6[%dma_start3A_26, %dma_start3A_38, %dma_start3A_39] : memref<4x2x80xi32, #tpu.memory_space<vmem>> -> memref<1x2x80xi32, #tpu.memory_space<vmem>>
    %dma_start3A_41 = tpu.memref_squeeze %dma_start3A_40 : memref<1x2x80xi32, #tpu.memory_space<vmem>> -> memref<2x80xi32, #tpu.memory_space<vmem>>
    %dma_start3A_42 = arith.constant 0 : i32
    %dma_start3A_43 = arith.constant 0 : i32
    %dma_start3A_44 = tpu.memref_slice %arg3[%add3A, %dma_start3A_25, %dma_start3A_42, %dma_start3A_43] : memref<32x125x2x80xi32, #tpu.memory_space<hbm>> -> memref<1x1x2x80xi32, #tpu.memory_space<hbm>>
    %dma_start3A_45 = tpu.memref_squeeze %dma_start3A_44 : memref<1x1x2x80xi32, #tpu.memory_space<hbm>> -> memref<2x80xi32, #tpu.memory_space<hbm>>
    tpu.enqueue_dma source(%dma_start3A_45 : memref<2x80xi32, #tpu.memory_space<hbm>>) target(%dma_start3A_41 : memref<2x80xi32, #tpu.memory_space<vmem>>) target_semaphore(%dma_start3A_37 : memref<!tpu.dma_semaphore, #tpu.memory_space<semaphore_mem>>)
    %dma_start3A_46 = arith.constant 2 : i32
    %dma_start3A_47 = arith.constant 2 : i32
    %dma_start3A_48 = arith.constant 2 : i32
    %dma_start3A_49 = arith.constant 0 : i32
    %dma_start3A_50 = arith.constant 0 : i32
    %dma_start3A_51 = tpu.memref_slice %arg6[%dma_start3A_47, %dma_start3A_49, %dma_start3A_50] : memref<4x2x80xi32, #tpu.memory_space<vmem>> -> memref<1x2x80xi32, #tpu.memory_space<vmem>>
    %dma_start3A_52 = tpu.memref_squeeze %dma_start3A_51 : memref<1x2x80xi32, #tpu.memory_space<vmem>> -> memref<2x80xi32, #tpu.memory_space<vmem>>
    %dma_start3A_53 = arith.constant 0 : i32
    %dma_start3A_54 = arith.constant 0 : i32
    %dma_start3A_55 = tpu.memref_slice %arg3[%add3A, %dma_start3A_46, %dma_start3A_53, %dma_start3A_54] : memref<32x125x2x80xi32, #tpu.memory_space<hbm>> -> memref<1x1x2x80xi32, #tpu.memory_space<hbm>>
    %dma_start3A_56 = tpu.memref_squeeze %dma_start3A_55 : memref<1x1x2x80xi32, #tpu.memory_space<hbm>> -> memref<2x80xi32, #tpu.memory_space<hbm>>
    %dma_start3A_57 = tpu.memref_slice %arg11[%dma_start3A_48] : memref<4x!tpu.dma_semaphore, #tpu.memory_space<semaphore_mem>> -> memref<1x!tpu.dma_semaphore, #tpu.memory_space<semaphore_mem>>
    %dma_start3A_58 = tpu.memref_squeeze %dma_start3A_57 : memref<1x!tpu.dma_semaphore, #tpu.memory_space<semaphore_mem>> -> memref<!tpu.dma_semaphore, #tpu.memory_space<semaphore_mem>>
    %dma_start3A_59 = arith.constant 0 : i32
    %dma_start3A_60 = arith.constant 0 : i32
    %dma_start3A_61 = tpu.memref_slice %arg6[%dma_start3A_47, %dma_start3A_59, %dma_start3A_60] : memref<4x2x80xi32, #tpu.memory_space<vmem>> -> memref<1x2x80xi32, #tpu.memory_space<vmem>>
    %dma_start3A_62 = tpu.memref_squeeze %dma_start3A_61 : memref<1x2x80xi32, #tpu.memory_space<vmem>> -> memref<2x80xi32, #tpu.memory_space<vmem>>
    %dma_start3A_63 = arith.constant 0 : i32
    %dma_start3A_64 = arith.constant 0 : i32
    %dma_start3A_65 = tpu.memref_slice %arg3[%add3A, %dma_start3A_46, %dma_start3A_63, %dma_start3A_64] : memref<32x125x2x80xi32, #tpu.memory_space<hbm>> -> memref<1x1x2x80xi32, #tpu.memory_space<hbm>>
    %dma_start3A_66 = tpu.memref_squeeze %dma_start3A_65 : memref<1x1x2x80xi32, #tpu.memory_space<hbm>> -> memref<2x80xi32, #tpu.memory_space<hbm>>
    tpu.enqueue_dma source(%dma_start3A_66 : memref<2x80xi32, #tpu.memory_space<hbm>>) target(%dma_start3A_62 : memref<2x80xi32, #tpu.memory_space<vmem>>) target_semaphore(%dma_start3A_58 : memref<!tpu.dma_semaphore, #tpu.memory_space<semaphore_mem>>)
    %dma_wait3A = arith.constant 0 : i32
    %dma_wait3A_67 = arith.constant 0 : i32
    %dma_wait3A_68 = arith.constant 0 : i32
    %dma_wait3A_69 = arith.constant 0 : i32
    %dma_wait3A_70 = arith.constant 0 : i32
    %dma_wait3A_71 = tpu.memref_slice %arg6[%dma_wait3A_67, %dma_wait3A_69, %dma_wait3A_70] : memref<4x2x80xi32, #tpu.memory_space<vmem>> -> memref<1x2x80xi32, #tpu.memory_space<vmem>>
    %dma_wait3A_72 = tpu.memref_squeeze %dma_wait3A_71 : memref<1x2x80xi32, #tpu.memory_space<vmem>> -> memref<2x80xi32, #tpu.memory_space<vmem>>
    %dma_wait3A_73 = arith.constant 0 : i32
    %dma_wait3A_74 = arith.constant 0 : i32
    %dma_wait3A_75 = tpu.memref_slice %arg3[%add3A, %dma_wait3A, %dma_wait3A_73, %dma_wait3A_74] : memref<32x125x2x80xi32, #tpu.memory_space<hbm>> -> memref<1x1x2x80xi32, #tpu.memory_space<hbm>>
    %dma_wait3A_76 = tpu.memref_squeeze %dma_wait3A_75 : memref<1x1x2x80xi32, #tpu.memory_space<hbm>> -> memref<2x80xi32, #tpu.memory_space<hbm>>
    %dma_wait3A_77 = tpu.memref_slice %arg11[%dma_wait3A_68] : memref<4x!tpu.dma_semaphore, #tpu.memory_space<semaphore_mem>> -> memref<1x!tpu.dma_semaphore, #tpu.memory_space<semaphore_mem>>
    %dma_wait3A_78 = tpu.memref_squeeze %dma_wait3A_77 : memref<1x!tpu.dma_semaphore, #tpu.memory_space<semaphore_mem>> -> memref<!tpu.dma_semaphore, #tpu.memory_space<semaphore_mem>>
    %dma_wait3A_79 = arith.constant 0 : i32
    %dma_wait3A_80 = arith.constant 0 : i32
    %dma_wait3A_81 = tpu.memref_slice %arg6[%dma_wait3A_67, %dma_wait3A_79, %dma_wait3A_80] : memref<4x2x80xi32, #tpu.memory_space<vmem>> -> memref<1x2x80xi32, #tpu.memory_space<vmem>>
    %dma_wait3A_82 = tpu.memref_squeeze %dma_wait3A_81 : memref<1x2x80xi32, #tpu.memory_space<vmem>> -> memref<2x80xi32, #tpu.memory_space<vmem>>
    %dma_wait3A_83 = arith.constant 0 : i32
    %dma_wait3A_84 = arith.constant 0 : i32
    %dma_wait3A_85 = tpu.memref_slice %arg3[%add3A, %dma_wait3A, %dma_wait3A_83, %dma_wait3A_84] : memref<32x125x2x80xi32, #tpu.memory_space<hbm>> -> memref<1x1x2x80xi32, #tpu.memory_space<hbm>>
    %dma_wait3A_86 = tpu.memref_squeeze %dma_wait3A_85 : memref<1x1x2x80xi32, #tpu.memory_space<hbm>> -> memref<2x80xi32, #tpu.memory_space<hbm>>
    tpu.wait_dma2 semaphore(%dma_wait3A_78 : memref<!tpu.dma_semaphore, #tpu.memory_space<semaphore_mem>>) src(%dma_wait3A_86 : memref<2x80xi32, #tpu.memory_space<hbm>>) dst(%dma_wait3A_82 : memref<2x80xi32, #tpu.memory_space<vmem>>)
    %dma_start3A_87 = arith.constant 0 : i32
    %dma_start3A_88 = arith.constant 0 : i32
    %dma_start3A_89 = arith.constant 0 : i32
    %dma_start3A_90 = arith.constant 0 : i32
    %dma_start3A_91 = arith.constant 0 : i32
    %dma_start3A_92 = arith.constant 0 : i32
    %dma_start3A_93 = tpu.memref_slice %arg7[%dma_start3A_89, %dma_start3A_91, %dma_start3A_92] : memref<3x80x128xf32, #tpu.memory_space<vmem>> -> memref<1x80x128xf32, #tpu.memory_space<vmem>>
    %dma_start3A_94 = tpu.memref_squeeze %dma_start3A_93 : memref<1x80x128xf32, #tpu.memory_space<vmem>> -> memref<80x128xf32, #tpu.memory_space<vmem>>
    %dma_start3A_95 = arith.constant 0 : i32
    %dma_start3A_96 = tpu.memref_slice %arg6[%dma_start3A_87, %dma_start3A_88, %dma_start3A_95] : memref<4x2x80xi32, #tpu.memory_space<vmem>> -> memref<1x1x80xi32, #tpu.memory_space<vmem>>
    %dma_start3A_97 = tpu.memref_squeeze %dma_start3A_96 : memref<1x1x80xi32, #tpu.memory_space<vmem>> -> memref<80xi32, #tpu.memory_space<vmem>>
    %dma_start3A_98 = arith.constant 0 : i32
    %dma_start3A_99 = arith.constant 0 : i32
    %dma_start3A_100 = tpu.memref_slice %arg2[%dma_start3A_98, %dma_start3A_99] : memref<10000x128xf32, #tpu.memory_space<hbm>> -> memref<10000x128xf32, #tpu.memory_space<hbm>>
    %dma_start3A_101 = tpu.memref_slice %arg9[%dma_start3A_90] : memref<3x!tpu.dma_semaphore, #tpu.memory_space<semaphore_mem>> -> memref<1x!tpu.dma_semaphore, #tpu.memory_space<semaphore_mem>>
    %dma_start3A_102 = tpu.memref_squeeze %dma_start3A_101 : memref<1x!tpu.dma_semaphore, #tpu.memory_space<semaphore_mem>> -> memref<!tpu.dma_semaphore, #tpu.memory_space<semaphore_mem>>
    tpu.enqueue_indirect_dma source(%dma_start3A_100 : memref<10000x128xf32, #tpu.memory_space<hbm>>) target(%dma_start3A_94 : memref<80x128xf32, #tpu.memory_space<vmem>>) offsets(%dma_start3A_97 : memref<80xi32, #tpu.memory_space<vmem>>) semaphore(%dma_start3A_102 : memref<!tpu.dma_semaphore, #tpu.memory_space<semaphore_mem>>)
    %dma_wait3A_103 = arith.constant 1 : i32
    %dma_wait3A_104 = arith.constant 1 : i32
    %dma_wait3A_105 = arith.constant 1 : i32
    %dma_wait3A_106 = arith.constant 0 : i32
    %dma_wait3A_107 = arith.constant 0 : i32
    %dma_wait3A_108 = tpu.memref_slice %arg6[%dma_wait3A_104, %dma_wait3A_106, %dma_wait3A_107] : memref<4x2x80xi32, #tpu.memory_space<vmem>> -> memref<1x2x80xi32, #tpu.memory_space<vmem>>
    %dma_wait3A_109 = tpu.memref_squeeze %dma_wait3A_108 : memref<1x2x80xi32, #tpu.memory_space<vmem>> -> memref<2x80xi32, #tpu.memory_space<vmem>>
    %dma_wait3A_110 = arith.constant 0 : i32
    %dma_wait3A_111 = arith.constant 0 : i32
    %dma_wait3A_112 = tpu.memref_slice %arg3[%add3A, %dma_wait3A_103, %dma_wait3A_110, %dma_wait3A_111] : memref<32x125x2x80xi32, #tpu.memory_space<hbm>> -> memref<1x1x2x80xi32, #tpu.memory_space<hbm>>
    %dma_wait3A_113 = tpu.memref_squeeze %dma_wait3A_112 : memref<1x1x2x80xi32, #tpu.memory_space<hbm>> -> memref<2x80xi32, #tpu.memory_space<hbm>>
    %dma_wait3A_114 = tpu.memref_slice %arg11[%dma_wait3A_105] : memref<4x!tpu.dma_semaphore, #tpu.memory_space<semaphore_mem>> -> memref<1x!tpu.dma_semaphore, #tpu.memory_space<semaphore_mem>>
    %dma_wait3A_115 = tpu.memref_squeeze %dma_wait3A_114 : memref<1x!tpu.dma_semaphore, #tpu.memory_space<semaphore_mem>> -> memref<!tpu.dma_semaphore, #tpu.memory_space<semaphore_mem>>
    %dma_wait3A_116 = arith.constant 0 : i32
    %dma_wait3A_117 = arith.constant 0 : i32
    %dma_wait3A_118 = tpu.memref_slice %arg6[%dma_wait3A_104, %dma_wait3A_116, %dma_wait3A_117] : memref<4x2x80xi32, #tpu.memory_space<vmem>> -> memref<1x2x80xi32, #tpu.memory_space<vmem>>
    %dma_wait3A_119 = tpu.memref_squeeze %dma_wait3A_118 : memref<1x2x80xi32, #tpu.memory_space<vmem>> -> memref<2x80xi32, #tpu.memory_space<vmem>>
    %dma_wait3A_120 = arith.constant 0 : i32
    %dma_wait3A_121 = arith.constant 0 : i32
    %dma_wait3A_122 = tpu.memref_slice %arg3[%add3A, %dma_wait3A_103, %dma_wait3A_120, %dma_wait3A_121] : memref<32x125x2x80xi32, #tpu.memory_space<hbm>> -> memref<1x1x2x80xi32, #tpu.memory_space<hbm>>
    %dma_wait3A_123 = tpu.memref_squeeze %dma_wait3A_122 : memref<1x1x2x80xi32, #tpu.memory_space<hbm>> -> memref<2x80xi32, #tpu.memory_space<hbm>>
    tpu.wait_dma2 semaphore(%dma_wait3A_115 : memref<!tpu.dma_semaphore, #tpu.memory_space<semaphore_mem>>) src(%dma_wait3A_123 : memref<2x80xi32, #tpu.memory_space<hbm>>) dst(%dma_wait3A_119 : memref<2x80xi32, #tpu.memory_space<vmem>>)
    %dma_start3A_124 = arith.constant 1 : i32
    %dma_start3A_125 = arith.constant 0 : i32
    %dma_start3A_126 = arith.constant 1 : i32
    %dma_start3A_127 = arith.constant 1 : i32
    %dma_start3A_128 = arith.constant 0 : i32
    %dma_start3A_129 = arith.constant 0 : i32
    %dma_start3A_130 = tpu.memref_slice %arg7[%dma_start3A_126, %dma_start3A_128, %dma_start3A_129] : memref<3x80x128xf32, #tpu.memory_space<vmem>> -> memref<1x80x128xf32, #tpu.memory_space<vmem>>
    %dma_start3A_131 = tpu.memref_squeeze %dma_start3A_130 : memref<1x80x128xf32, #tpu.memory_space<vmem>> -> memref<80x128xf32, #tpu.memory_space<vmem>>
    %dma_start3A_132 = arith.constant 0 : i32
    %dma_start3A_133 = tpu.memref_slice %arg6[%dma_start3A_124, %dma_start3A_125, %dma_start3A_132] : memref<4x2x80xi32, #tpu.memory_space<vmem>> -> memref<1x1x80xi32, #tpu.memory_space<vmem>>
    %dma_start3A_134 = tpu.memref_squeeze %dma_start3A_133 : memref<1x1x80xi32, #tpu.memory_space<vmem>> -> memref<80xi32, #tpu.memory_space<vmem>>
    %dma_start3A_135 = arith.constant 0 : i32
    %dma_start3A_136 = arith.constant 0 : i32
    %dma_start3A_137 = tpu.memref_slice %arg2[%dma_start3A_135, %dma_start3A_136] : memref<10000x128xf32, #tpu.memory_space<hbm>> -> memref<10000x128xf32, #tpu.memory_space<hbm>>
    %dma_start3A_138 = tpu.memref_slice %arg9[%dma_start3A_127] : memref<3x!tpu.dma_semaphore, #tpu.memory_space<semaphore_mem>> -> memref<1x!tpu.dma_semaphore, #tpu.memory_space<semaphore_mem>>
    %dma_start3A_139 = tpu.memref_squeeze %dma_start3A_138 : memref<1x!tpu.dma_semaphore, #tpu.memory_space<semaphore_mem>> -> memref<!tpu.dma_semaphore, #tpu.memory_space<semaphore_mem>>
    tpu.enqueue_indirect_dma source(%dma_start3A_137 : memref<10000x128xf32, #tpu.memory_space<hbm>>) target(%dma_start3A_131 : memref<80x128xf32, #tpu.memory_space<vmem>>) offsets(%dma_start3A_134 : memref<80xi32, #tpu.memory_space<vmem>>) semaphore(%dma_start3A_139 : memref<!tpu.dma_semaphore, #tpu.memory_space<semaphore_mem>>)
    %scan3A_140 = arith.constant 0 : i32
    %scan3A_141 = arith.constant 125 : i32
    %scan3A_142 = arith.addi %scan3A_140, %scan3A_141 : i32
    %scan3A_143 = arith.constant 1 : i32
    scf.for %scan3A_166 = %scan3A_140 to %scan3A_142 step %scan3A_143  : i32 {
      %mul3A_167 = arith.constant 1 : i32
      %mul3A_168 = arith.muli %scan3A_166, %mul3A_167 : i32
      %add3A_169 = arith.constant 0 : i32
      %add3A_170 = arith.addi %add3A_169, %mul3A_168 : i32
      %rem3A_171 = arith.constant 3 : i32
      %rem3A_172 = arith.remsi %add3A_170, %rem3A_171 : i32
      %rem3A_173 = arith.constant 4 : i32
      %rem3A_174 = arith.remsi %add3A_170, %rem3A_173 : i32
      %add3A_175 = arith.constant 2 : i32
      %add3A_176 = arith.addi %add3A_170, %add3A_175 : i32
      %rem3A_177 = arith.constant 3 : i32
      %rem3A_178 = arith.remsi %add3A_176, %rem3A_177 : i32
      %add3A_179 = arith.constant 2 : i32
      %add3A_180 = arith.addi %add3A_170, %add3A_179 : i32
      %rem3A_181 = arith.constant 4 : i32
      %rem3A_182 = arith.remsi %add3A_180, %rem3A_181 : i32
      %add3A_183 = arith.constant 3 : i32
      %add3A_184 = arith.addi %add3A_170, %add3A_183 : i32
      %rem3A_185 = arith.constant 4 : i32
      %rem3A_186 = arith.remsi %add3A_184, %rem3A_185 : i32
      %ge3A = arith.constant 1 : i32
      %ge3A_187 = arith.cmpi sge, %add3A_170, %ge3A : i32
      %convert_element_type3A = arith.extui %ge3A_187 : i1 to i32
      %cond3A = arith.constant 0 : i32
      %cond3A_188 = arith.cmpi ne, %convert_element_type3A, %cond3A : i32
      scf.if %cond3A_188 {
        %sub3A = arith.constant 1 : i32
        %sub3A_226 = arith.subi %add3A_170, %sub3A : i32
        %sub3A_227 = arith.constant 1 : i32
        %sub3A_228 = arith.subi %add3A_170, %sub3A_227 : i32
        %rem3A_229 = arith.constant 3 : i32
        %rem3A_230 = arith.remsi %sub3A_228, %rem3A_229 : i32
        %sub3A_231 = arith.constant 1 : i32
        %sub3A_232 = arith.subi %add3A_170, %sub3A_231 : i32
        %rem3A_233 = arith.constant 4 : i32
        %rem3A_234 = arith.remsi %sub3A_232, %rem3A_233 : i32
        %dma_wait3A_235 = arith.constant 1 : i32
        %dma_wait3A_236 = arith.constant 0 : i32
        %dma_wait3A_237 = arith.constant 0 : i32
        %dma_wait3A_238 = tpu.memref_slice %arg7[%rem3A_230, %dma_wait3A_236, %dma_wait3A_237] : memref<3x80x128xf32, #tpu.memory_space<vmem>> -> memref<1x80x128xf32, #tpu.memory_space<vmem>>
        %dma_wait3A_239 = tpu.memref_squeeze %dma_wait3A_238 : memref<1x80x128xf32, #tpu.memory_space<vmem>> -> memref<80x128xf32, #tpu.memory_space<vmem>>
        %dma_wait3A_240 = arith.constant 0 : i32
        %dma_wait3A_241 = tpu.memref_slice %arg6[%rem3A_234, %dma_wait3A_235, %dma_wait3A_240] : memref<4x2x80xi32, #tpu.memory_space<vmem>> -> memref<1x1x80xi32, #tpu.memory_space<vmem>>
        %dma_wait3A_242 = tpu.memref_squeeze %dma_wait3A_241 : memref<1x1x80xi32, #tpu.memory_space<vmem>> -> memref<80xi32, #tpu.memory_space<vmem>>
        %dma_wait3A_243 = arith.constant 0 : i32
        %dma_wait3A_244 = arith.constant 0 : i32
        %dma_wait3A_245 = tpu.memref_slice %arg8[%dma_wait3A_243, %dma_wait3A_244] : memref<10240x128xf32, #tpu.memory_space<vmem_shared>> -> memref<10240x128xf32, #tpu.memory_space<vmem_shared>>
        tpu.wait_indirect_dma semaphore(%arg10 : memref<!tpu.dma_semaphore, #tpu.memory_space<semaphore_mem>>) src(%dma_wait3A_239 : memref<80x128xf32, #tpu.memory_space<vmem>>) dst(%dma_wait3A_245 : memref<10240x128xf32, #tpu.memory_space<vmem_shared>>)
      } else {
      }
      %add3A_189 = arith.constant 3 : i32
      %add3A_190 = arith.addi %add3A_170, %add3A_189 : i32
      %lt3A = arith.constant 125 : i32
      %lt3A_191 = arith.cmpi slt, %add3A_190, %lt3A : i32
      %convert_element_type3A_192 = arith.extui %lt3A_191 : i1 to i32
      %cond3A_193 = arith.constant 0 : i32
      %cond3A_194 = arith.cmpi ne, %convert_element_type3A_192, %cond3A_193 : i32
      scf.if %cond3A_194 {
        %add3A_226 = arith.constant 3 : i32
        %add3A_227 = arith.addi %add3A_170, %add3A_226 : i32
        %dma_start3A_228 = arith.constant 0 : i32
        %dma_start3A_229 = arith.constant 0 : i32
        %dma_start3A_230 = tpu.memref_slice %arg6[%rem3A_186, %dma_start3A_228, %dma_start3A_229] : memref<4x2x80xi32, #tpu.memory_space<vmem>> -> memref<1x2x80xi32, #tpu.memory_space<vmem>>
        %dma_start3A_231 = tpu.memref_squeeze %dma_start3A_230 : memref<1x2x80xi32, #tpu.memory_space<vmem>> -> memref<2x80xi32, #tpu.memory_space<vmem>>
        %dma_start3A_232 = arith.constant 0 : i32
        %dma_start3A_233 = arith.constant 0 : i32
        %dma_start3A_234 = tpu.memref_slice %arg3[%add3A, %add3A_227, %dma_start3A_232, %dma_start3A_233] : memref<32x125x2x80xi32, #tpu.memory_space<hbm>> -> memref<1x1x2x80xi32, #tpu.memory_space<hbm>>
        %dma_start3A_235 = tpu.memref_squeeze %dma_start3A_234 : memref<1x1x2x80xi32, #tpu.memory_space<hbm>> -> memref<2x80xi32, #tpu.memory_space<hbm>>
        %dma_start3A_236 = tpu.memref_slice %arg11[%rem3A_186] : memref<4x!tpu.dma_semaphore, #tpu.memory_space<semaphore_mem>> -> memref<1x!tpu.dma_semaphore, #tpu.memory_space<semaphore_mem>>
        %dma_start3A_237 = tpu.memref_squeeze %dma_start3A_236 : memref<1x!tpu.dma_semaphore, #tpu.memory_space<semaphore_mem>> -> memref<!tpu.dma_semaphore, #tpu.memory_space<semaphore_mem>>
        %dma_start3A_238 = arith.constant 0 : i32
        %dma_start3A_239 = arith.constant 0 : i32
        %dma_start3A_240 = tpu.memref_slice %arg6[%rem3A_186, %dma_start3A_238, %dma_start3A_239] : memref<4x2x80xi32, #tpu.memory_space<vmem>> -> memref<1x2x80xi32, #tpu.memory_space<vmem>>
        %dma_start3A_241 = tpu.memref_squeeze %dma_start3A_240 : memref<1x2x80xi32, #tpu.memory_space<vmem>> -> memref<2x80xi32, #tpu.memory_space<vmem>>
        %dma_start3A_242 = arith.constant 0 : i32
        %dma_start3A_243 = arith.constant 0 : i32
        %dma_start3A_244 = tpu.memref_slice %arg3[%add3A, %add3A_227, %dma_start3A_242, %dma_start3A_243] : memref<32x125x2x80xi32, #tpu.memory_space<hbm>> -> memref<1x1x2x80xi32, #tpu.memory_space<hbm>>
        %dma_start3A_245 = tpu.memref_squeeze %dma_start3A_244 : memref<1x1x2x80xi32, #tpu.memory_space<hbm>> -> memref<2x80xi32, #tpu.memory_space<hbm>>
        tpu.enqueue_dma source(%dma_start3A_245 : memref<2x80xi32, #tpu.memory_space<hbm>>) target(%dma_start3A_241 : memref<2x80xi32, #tpu.memory_space<vmem>>) target_semaphore(%dma_start3A_237 : memref<!tpu.dma_semaphore, #tpu.memory_space<semaphore_mem>>)
      } else {
      }
      %add3A_195 = arith.constant 2 : i32
      %add3A_196 = arith.addi %add3A_170, %add3A_195 : i32
      %lt3A_197 = arith.constant 125 : i32
      %lt3A_198 = arith.cmpi slt, %add3A_196, %lt3A_197 : i32
      %convert_element_type3A_199 = arith.extui %lt3A_198 : i1 to i32
      %cond3A_200 = arith.constant 0 : i32
      %cond3A_201 = arith.cmpi ne, %convert_element_type3A_199, %cond3A_200 : i32
      scf.if %cond3A_201 {
        %add3A_226 = arith.constant 2 : i32
        %add3A_227 = arith.addi %add3A_170, %add3A_226 : i32
        %dma_wait3A_228 = arith.constant 0 : i32
        %dma_wait3A_229 = arith.constant 0 : i32
        %dma_wait3A_230 = tpu.memref_slice %arg6[%rem3A_182, %dma_wait3A_228, %dma_wait3A_229] : memref<4x2x80xi32, #tpu.memory_space<vmem>> -> memref<1x2x80xi32, #tpu.memory_space<vmem>>
        %dma_wait3A_231 = tpu.memref_squeeze %dma_wait3A_230 : memref<1x2x80xi32, #tpu.memory_space<vmem>> -> memref<2x80xi32, #tpu.memory_space<vmem>>
        %dma_wait3A_232 = arith.constant 0 : i32
        %dma_wait3A_233 = arith.constant 0 : i32
        %dma_wait3A_234 = tpu.memref_slice %arg3[%add3A, %add3A_227, %dma_wait3A_232, %dma_wait3A_233] : memref<32x125x2x80xi32, #tpu.memory_space<hbm>> -> memref<1x1x2x80xi32, #tpu.memory_space<hbm>>
        %dma_wait3A_235 = tpu.memref_squeeze %dma_wait3A_234 : memref<1x1x2x80xi32, #tpu.memory_space<hbm>> -> memref<2x80xi32, #tpu.memory_space<hbm>>
        %dma_wait3A_236 = tpu.memref_slice %arg11[%rem3A_182] : memref<4x!tpu.dma_semaphore, #tpu.memory_space<semaphore_mem>> -> memref<1x!tpu.dma_semaphore, #tpu.memory_space<semaphore_mem>>
        %dma_wait3A_237 = tpu.memref_squeeze %dma_wait3A_236 : memref<1x!tpu.dma_semaphore, #tpu.memory_space<semaphore_mem>> -> memref<!tpu.dma_semaphore, #tpu.memory_space<semaphore_mem>>
        %dma_wait3A_238 = arith.constant 0 : i32
        %dma_wait3A_239 = arith.constant 0 : i32
        %dma_wait3A_240 = tpu.memref_slice %arg6[%rem3A_182, %dma_wait3A_238, %dma_wait3A_239] : memref<4x2x80xi32, #tpu.memory_space<vmem>> -> memref<1x2x80xi32, #tpu.memory_space<vmem>>
        %dma_wait3A_241 = tpu.memref_squeeze %dma_wait3A_240 : memref<1x2x80xi32, #tpu.memory_space<vmem>> -> memref<2x80xi32, #tpu.memory_space<vmem>>
        %dma_wait3A_242 = arith.constant 0 : i32
        %dma_wait3A_243 = arith.constant 0 : i32
        %dma_wait3A_244 = tpu.memref_slice %arg3[%add3A, %add3A_227, %dma_wait3A_242, %dma_wait3A_243] : memref<32x125x2x80xi32, #tpu.memory_space<hbm>> -> memref<1x1x2x80xi32, #tpu.memory_space<hbm>>
        %dma_wait3A_245 = tpu.memref_squeeze %dma_wait3A_244 : memref<1x1x2x80xi32, #tpu.memory_space<hbm>> -> memref<2x80xi32, #tpu.memory_space<hbm>>
        tpu.wait_dma2 semaphore(%dma_wait3A_237 : memref<!tpu.dma_semaphore, #tpu.memory_space<semaphore_mem>>) src(%dma_wait3A_245 : memref<2x80xi32, #tpu.memory_space<hbm>>) dst(%dma_wait3A_241 : memref<2x80xi32, #tpu.memory_space<vmem>>)
        %add3A_246 = arith.constant 2 : i32
        %add3A_247 = arith.addi %add3A_170, %add3A_246 : i32
        %dma_start3A_248 = arith.constant 0 : i32
        %dma_start3A_249 = arith.constant 0 : i32
        %dma_start3A_250 = arith.constant 0 : i32
        %dma_start3A_251 = tpu.memref_slice %arg7[%rem3A_178, %dma_start3A_249, %dma_start3A_250] : memref<3x80x128xf32, #tpu.memory_space<vmem>> -> memref<1x80x128xf32, #tpu.memory_space<vmem>>
        %dma_start3A_252 = tpu.memref_squeeze %dma_start3A_251 : memref<1x80x128xf32, #tpu.memory_space<vmem>> -> memref<80x128xf32, #tpu.memory_space<vmem>>
        %dma_start3A_253 = arith.constant 0 : i32
        %dma_start3A_254 = tpu.memref_slice %arg6[%rem3A_182, %dma_start3A_248, %dma_start3A_253] : memref<4x2x80xi32, #tpu.memory_space<vmem>> -> memref<1x1x80xi32, #tpu.memory_space<vmem>>
        %dma_start3A_255 = tpu.memref_squeeze %dma_start3A_254 : memref<1x1x80xi32, #tpu.memory_space<vmem>> -> memref<80xi32, #tpu.memory_space<vmem>>
        %dma_start3A_256 = arith.constant 0 : i32
        %dma_start3A_257 = arith.constant 0 : i32
        %dma_start3A_258 = tpu.memref_slice %arg2[%dma_start3A_256, %dma_start3A_257] : memref<10000x128xf32, #tpu.memory_space<hbm>> -> memref<10000x128xf32, #tpu.memory_space<hbm>>
        %dma_start3A_259 = tpu.memref_slice %arg9[%rem3A_178] : memref<3x!tpu.dma_semaphore, #tpu.memory_space<semaphore_mem>> -> memref<1x!tpu.dma_semaphore, #tpu.memory_space<semaphore_mem>>
        %dma_start3A_260 = tpu.memref_squeeze %dma_start3A_259 : memref<1x!tpu.dma_semaphore, #tpu.memory_space<semaphore_mem>> -> memref<!tpu.dma_semaphore, #tpu.memory_space<semaphore_mem>>
        tpu.enqueue_indirect_dma source(%dma_start3A_258 : memref<10000x128xf32, #tpu.memory_space<hbm>>) target(%dma_start3A_252 : memref<80x128xf32, #tpu.memory_space<vmem>>) offsets(%dma_start3A_255 : memref<80xi32, #tpu.memory_space<vmem>>) semaphore(%dma_start3A_260 : memref<!tpu.dma_semaphore, #tpu.memory_space<semaphore_mem>>)
      } else {
      }
      %dma_wait3A_202 = arith.constant 0 : i32
      %dma_wait3A_203 = arith.constant 0 : i32
      %dma_wait3A_204 = arith.constant 0 : i32
      %dma_wait3A_205 = tpu.memref_slice %arg7[%rem3A_172, %dma_wait3A_203, %dma_wait3A_204] : memref<3x80x128xf32, #tpu.memory_space<vmem>> -> memref<1x80x128xf32, #tpu.memory_space<vmem>>
      %dma_wait3A_206 = tpu.memref_squeeze %dma_wait3A_205 : memref<1x80x128xf32, #tpu.memory_space<vmem>> -> memref<80x128xf32, #tpu.memory_space<vmem>>
      %dma_wait3A_207 = arith.constant 0 : i32
      %dma_wait3A_208 = tpu.memref_slice %arg6[%rem3A_174, %dma_wait3A_202, %dma_wait3A_207] : memref<4x2x80xi32, #tpu.memory_space<vmem>> -> memref<1x1x80xi32, #tpu.memory_space<vmem>>
      %dma_wait3A_209 = tpu.memref_squeeze %dma_wait3A_208 : memref<1x1x80xi32, #tpu.memory_space<vmem>> -> memref<80xi32, #tpu.memory_space<vmem>>
      %dma_wait3A_210 = arith.constant 0 : i32
      %dma_wait3A_211 = arith.constant 0 : i32
      %dma_wait3A_212 = tpu.memref_slice %arg2[%dma_wait3A_210, %dma_wait3A_211] : memref<10000x128xf32, #tpu.memory_space<hbm>> -> memref<10000x128xf32, #tpu.memory_space<hbm>>
      %dma_wait3A_213 = tpu.memref_slice %arg9[%rem3A_172] : memref<3x!tpu.dma_semaphore, #tpu.memory_space<semaphore_mem>> -> memref<1x!tpu.dma_semaphore, #tpu.memory_space<semaphore_mem>>
      %dma_wait3A_214 = tpu.memref_squeeze %dma_wait3A_213 : memref<1x!tpu.dma_semaphore, #tpu.memory_space<semaphore_mem>> -> memref<!tpu.dma_semaphore, #tpu.memory_space<semaphore_mem>>
      tpu.wait_indirect_dma semaphore(%dma_wait3A_214 : memref<!tpu.dma_semaphore, #tpu.memory_space<semaphore_mem>>) src(%dma_wait3A_212 : memref<10000x128xf32, #tpu.memory_space<hbm>>) dst(%dma_wait3A_206 : memref<80x128xf32, #tpu.memory_space<vmem>>)
      %dma_start3A_215 = arith.constant 1 : i32
      %dma_start3A_216 = arith.constant 0 : i32
      %dma_start3A_217 = arith.constant 0 : i32
      %dma_start3A_218 = tpu.memref_slice %arg7[%rem3A_172, %dma_start3A_216, %dma_start3A_217] : memref<3x80x128xf32, #tpu.memory_space<vmem>> -> memref<1x80x128xf32, #tpu.memory_space<vmem>>
      %dma_start3A_219 = tpu.memref_squeeze %dma_start3A_218 : memref<1x80x128xf32, #tpu.memory_space<vmem>> -> memref<80x128xf32, #tpu.memory_space<vmem>>
      %dma_start3A_220 = arith.constant 0 : i32
      %dma_start3A_221 = tpu.memref_slice %arg6[%rem3A_174, %dma_start3A_215, %dma_start3A_220] : memref<4x2x80xi32, #tpu.memory_space<vmem>> -> memref<1x1x80xi32, #tpu.memory_space<vmem>>
      %dma_start3A_222 = tpu.memref_squeeze %dma_start3A_221 : memref<1x1x80xi32, #tpu.memory_space<vmem>> -> memref<80xi32, #tpu.memory_space<vmem>>
      %dma_start3A_223 = arith.constant 0 : i32
      %dma_start3A_224 = arith.constant 0 : i32
      %dma_start3A_225 = tpu.memref_slice %arg8[%dma_start3A_223, %dma_start3A_224] : memref<10240x128xf32, #tpu.memory_space<vmem_shared>> -> memref<10240x128xf32, #tpu.memory_space<vmem_shared>>
      tpu.enqueue_indirect_dma source(%dma_start3A_219 : memref<80x128xf32, #tpu.memory_space<vmem>>) target(%dma_start3A_225 : memref<10240x128xf32, #tpu.memory_space<vmem_shared>>) offsets(%dma_start3A_222 : memref<80xi32, #tpu.memory_space<vmem>>) semaphore(%arg10 : memref<!tpu.dma_semaphore, #tpu.memory_space<semaphore_mem>>) {add = true}
    }
    %scan3A_144 = arith.constant 125 : i32
    %rem3A = arith.constant 124 : i32
    %rem3A_145 = arith.constant 3 : i32
    %rem3A_146 = arith.remsi %rem3A, %rem3A_145 : i32
    %rem3A_147 = arith.constant 124 : i32
    %rem3A_148 = arith.constant 4 : i32
    %rem3A_149 = arith.remsi %rem3A_147, %rem3A_148 : i32
    %dma_wait3A_150 = arith.constant 1 : i32
    %dma_wait3A_151 = arith.constant 0 : i32
    %dma_wait3A_152 = arith.constant 0 : i32
    %dma_wait3A_153 = tpu.memref_slice %arg7[%rem3A_146, %dma_wait3A_151, %dma_wait3A_152] : memref<3x80x128xf32, #tpu.memory_space<vmem>> -> memref<1x80x128xf32, #tpu.memory_space<vmem>>
    %dma_wait3A_154 = tpu.memref_squeeze %dma_wait3A_153 : memref<1x80x128xf32, #tpu.memory_space<vmem>> -> memref<80x128xf32, #tpu.memory_space<vmem>>
    %dma_wait3A_155 = arith.constant 0 : i32
    %dma_wait3A_156 = tpu.memref_slice %arg6[%rem3A_149, %dma_wait3A_150, %dma_wait3A_155] : memref<4x2x80xi32, #tpu.memory_space<vmem>> -> memref<1x1x80xi32, #tpu.memory_space<vmem>>
    %dma_wait3A_157 = tpu.memref_squeeze %dma_wait3A_156 : memref<1x1x80xi32, #tpu.memory_space<vmem>> -> memref<80xi32, #tpu.memory_space<vmem>>
    %dma_wait3A_158 = arith.constant 0 : i32
    %dma_wait3A_159 = arith.constant 0 : i32
    %dma_wait3A_160 = tpu.memref_slice %arg8[%dma_wait3A_158, %dma_wait3A_159] : memref<10240x128xf32, #tpu.memory_space<vmem_shared>> -> memref<10240x128xf32, #tpu.memory_space<vmem_shared>>
    tpu.wait_indirect_dma semaphore(%arg10 : memref<!tpu.dma_semaphore, #tpu.memory_space<semaphore_mem>>) src(%dma_wait3A_154 : memref<80x128xf32, #tpu.memory_space<vmem>>) dst(%dma_wait3A_160 : memref<10240x128xf32, #tpu.memory_space<vmem_shared>>)
    %barrier3A_161 = arith.constant 0 : index
    tpu.barrier barrier_id(%barrier3A_161)
    %mul3A_162 = arith.constant 640 : i32
    %mul3A_163 = arith.muli %arg1, %mul3A_162 : i32
    %mul3A_164 = arith.constant 640 : i32
    %mul3A_165 = arith.muli %arg1, %mul3A_164 : i32
    "tpu.region"() ({
      %run_scoped3A_166 = tpu.sem_alloc : memref<!tpu.dma_semaphore, #tpu.memory_space<semaphore_mem>>
      %dma_start3A_167 = arith.constant 0 : i32
      %dma_start3A_168 = tpu.memref_slice %arg5[%arg0, %mul3A_165, %dma_start3A_167] : memref<2x10240x128xf32, #tpu.memory_space<hbm>> -> memref<1x640x128xf32, #tpu.memory_space<hbm>>
      %dma_start3A_169 = tpu.memref_squeeze %dma_start3A_168 : memref<1x640x128xf32, #tpu.memory_space<hbm>> -> memref<640x128xf32, #tpu.memory_space<hbm>>
      %dma_start3A_170 = arith.constant 0 : i32
      %dma_start3A_171 = tpu.memref_slice %arg8[%mul3A_163, %dma_start3A_170] : memref<10240x128xf32, #tpu.memory_space<vmem_shared>> -> memref<640x128xf32, #tpu.memory_space<vmem_shared>>
      tpu.enqueue_dma source(%dma_start3A_171 : memref<640x128xf32, #tpu.memory_space<vmem_shared>>) target(%dma_start3A_169 : memref<640x128xf32, #tpu.memory_space<hbm>>) target_semaphore(%run_scoped3A_166 : memref<!tpu.dma_semaphore, #tpu.memory_space<semaphore_mem>>)
      %dma_wait3A_172 = arith.constant 0 : i32
      %dma_wait3A_173 = tpu.memref_slice %arg5[%arg0, %mul3A_165, %dma_wait3A_172] : memref<2x10240x128xf32, #tpu.memory_space<hbm>> -> memref<1x640x128xf32, #tpu.memory_space<hbm>>
      %dma_wait3A_174 = tpu.memref_squeeze %dma_wait3A_173 : memref<1x640x128xf32, #tpu.memory_space<hbm>> -> memref<640x128xf32, #tpu.memory_space<hbm>>
      %dma_wait3A_175 = arith.constant 0 : i32
      %dma_wait3A_176 = tpu.memref_slice %arg8[%mul3A_163, %dma_wait3A_175] : memref<10240x128xf32, #tpu.memory_space<vmem_shared>> -> memref<640x128xf32, #tpu.memory_space<vmem_shared>>
      tpu.wait_dma2 semaphore(%run_scoped3A_166 : memref<!tpu.dma_semaphore, #tpu.memory_space<semaphore_mem>>) src(%dma_wait3A_176 : memref<640x128xf32, #tpu.memory_space<vmem_shared>>) dst(%dma_wait3A_174 : memref<640x128xf32, #tpu.memory_space<hbm>>)
      tpu.yield
    }) : () -> ()
    return
  }
}

#map = affine_map<(d0, d1) -> (0, 0, 0, 0)>
#map1 = affine_map<(d0, d1) -> (0)>
#map2 = affine_map<(d0, d1) -> (0, 0)>
#map3 = affine_map<(d0, d1) -> (0, 0, 0)>
module attributes {stable_mosaic.version = 14 : i64} {
  func.func @k(%arg0: i32, %arg1: i32, %arg2: memref<32x125x2x80xi32, #tpu.memory_space<hbm>>, %arg3: memref<10000xi32, #tpu.memory_space<hbm>>, %arg4: memref<80x128xf32, #tpu.memory_space<hbm>>, %arg5: memref<2x10240x128xf32, #tpu.memory_space<hbm>>, %arg6: memref<4x2x80xi32, #tpu.memory_space<vmem>>, %arg7: memref<10000xi32, #tpu.memory_space<vmem>>, %arg8: memref<2x80x128xf32, #tpu.memory_space<vmem>>, %arg9: memref<2x80xi32, #tpu.memory_space<vmem>>, %arg10: memref<10240x128xf32, #tpu.memory_space<vmem_shared>>, %arg11: memref<2x!tpu.dma_semaphore, #tpu.memory_space<semaphore_mem>>, %arg12: memref<4x!tpu.dma_semaphore, #tpu.memory_space<semaphore_mem>>) attributes {dimension_semantics = [#tpu.dimension_semantics<core_parallel>, #tpu.dimension_semantics<subcore_parallel>], iteration_bounds = array<i64: 2, 16>, scalar_prefetch = 0 : i64, scratch_operands = 7 : i64, tpu.core_type = #tpu.core_type<sc_vector_subcore>, window_params = [{transform_indices = #map}, {transform_indices = #map1}, {transform_indices = #map2}, {transform_indices = #map3}]} {
    %mul3A = arith.constant 16 : i32
    %mul3A_0 = arith.muli %arg0, %mul3A : i32
    %add3A = arith.addi %mul3A_0, %arg1 : i32
    %run_scoped3A = arith.constant 0 : i32
    "tpu.region"() ({
      %run_scoped3A_138 = tpu.sem_alloc : memref<!tpu.dma_semaphore, #tpu.memory_space<semaphore_mem>>
      %dma_start3A_139 = arith.constant 0 : i32
      %dma_start3A_140 = arith.constant 0 : i32
      %dma_start3A_141 = tpu.memref_slice %arg8[%run_scoped3A, %dma_start3A_139, %dma_start3A_140] : memref<2x80x128xf32, #tpu.memory_space<vmem>> -> memref<1x80x128xf32, #tpu.memory_space<vmem>>
      %dma_start3A_142 = tpu.memref_squeeze %dma_start3A_141 : memref<1x80x128xf32, #tpu.memory_space<vmem>> -> memref<80x128xf32, #tpu.memory_space<vmem>>
      %dma_start3A_143 = arith.constant 0 : i32
      %dma_start3A_144 = arith.constant 0 : i32
      %dma_start3A_145 = tpu.memref_slice %arg8[%run_scoped3A, %dma_start3A_143, %dma_start3A_144] : memref<2x80x128xf32, #tpu.memory_space<vmem>> -> memref<1x80x128xf32, #tpu.memory_space<vmem>>
      %dma_start3A_146 = tpu.memref_squeeze %dma_start3A_145 : memref<1x80x128xf32, #tpu.memory_space<vmem>> -> memref<80x128xf32, #tpu.memory_space<vmem>>
      tpu.enqueue_dma source(%arg4 : memref<80x128xf32, #tpu.memory_space<hbm>>) target(%dma_start3A_146 : memref<80x128xf32, #tpu.memory_space<vmem>>) target_semaphore(%run_scoped3A_138 : memref<!tpu.dma_semaphore, #tpu.memory_space<semaphore_mem>>)
      %dma_wait3A_147 = arith.constant 0 : i32
      %dma_wait3A_148 = arith.constant 0 : i32
      %dma_wait3A_149 = tpu.memref_slice %arg8[%run_scoped3A, %dma_wait3A_147, %dma_wait3A_148] : memref<2x80x128xf32, #tpu.memory_space<vmem>> -> memref<1x80x128xf32, #tpu.memory_space<vmem>>
      %dma_wait3A_150 = tpu.memref_squeeze %dma_wait3A_149 : memref<1x80x128xf32, #tpu.memory_space<vmem>> -> memref<80x128xf32, #tpu.memory_space<vmem>>
      %dma_wait3A_151 = arith.constant 0 : i32
      %dma_wait3A_152 = arith.constant 0 : i32
      %dma_wait3A_153 = tpu.memref_slice %arg8[%run_scoped3A, %dma_wait3A_151, %dma_wait3A_152] : memref<2x80x128xf32, #tpu.memory_space<vmem>> -> memref<1x80x128xf32, #tpu.memory_space<vmem>>
      %dma_wait3A_154 = tpu.memref_squeeze %dma_wait3A_153 : memref<1x80x128xf32, #tpu.memory_space<vmem>> -> memref<80x128xf32, #tpu.memory_space<vmem>>
      tpu.wait_dma2 semaphore(%run_scoped3A_138 : memref<!tpu.dma_semaphore, #tpu.memory_space<semaphore_mem>>) src(%arg4 : memref<80x128xf32, #tpu.memory_space<hbm>>) dst(%dma_wait3A_154 : memref<80x128xf32, #tpu.memory_space<vmem>>)
      tpu.yield
    }) : () -> ()
    %run_scoped3A_1 = arith.constant 1 : i32
    "tpu.region"() ({
      %run_scoped3A_138 = tpu.sem_alloc : memref<!tpu.dma_semaphore, #tpu.memory_space<semaphore_mem>>
      %dma_start3A_139 = arith.constant 0 : i32
      %dma_start3A_140 = arith.constant 0 : i32
      %dma_start3A_141 = tpu.memref_slice %arg8[%run_scoped3A_1, %dma_start3A_139, %dma_start3A_140] : memref<2x80x128xf32, #tpu.memory_space<vmem>> -> memref<1x80x128xf32, #tpu.memory_space<vmem>>
      %dma_start3A_142 = tpu.memref_squeeze %dma_start3A_141 : memref<1x80x128xf32, #tpu.memory_space<vmem>> -> memref<80x128xf32, #tpu.memory_space<vmem>>
      %dma_start3A_143 = arith.constant 0 : i32
      %dma_start3A_144 = arith.constant 0 : i32
      %dma_start3A_145 = tpu.memref_slice %arg8[%run_scoped3A_1, %dma_start3A_143, %dma_start3A_144] : memref<2x80x128xf32, #tpu.memory_space<vmem>> -> memref<1x80x128xf32, #tpu.memory_space<vmem>>
      %dma_start3A_146 = tpu.memref_squeeze %dma_start3A_145 : memref<1x80x128xf32, #tpu.memory_space<vmem>> -> memref<80x128xf32, #tpu.memory_space<vmem>>
      tpu.enqueue_dma source(%arg4 : memref<80x128xf32, #tpu.memory_space<hbm>>) target(%dma_start3A_146 : memref<80x128xf32, #tpu.memory_space<vmem>>) target_semaphore(%run_scoped3A_138 : memref<!tpu.dma_semaphore, #tpu.memory_space<semaphore_mem>>)
      %dma_wait3A_147 = arith.constant 0 : i32
      %dma_wait3A_148 = arith.constant 0 : i32
      %dma_wait3A_149 = tpu.memref_slice %arg8[%run_scoped3A_1, %dma_wait3A_147, %dma_wait3A_148] : memref<2x80x128xf32, #tpu.memory_space<vmem>> -> memref<1x80x128xf32, #tpu.memory_space<vmem>>
      %dma_wait3A_150 = tpu.memref_squeeze %dma_wait3A_149 : memref<1x80x128xf32, #tpu.memory_space<vmem>> -> memref<80x128xf32, #tpu.memory_space<vmem>>
      %dma_wait3A_151 = arith.constant 0 : i32
      %dma_wait3A_152 = arith.constant 0 : i32
      %dma_wait3A_153 = tpu.memref_slice %arg8[%run_scoped3A_1, %dma_wait3A_151, %dma_wait3A_152] : memref<2x80x128xf32, #tpu.memory_space<vmem>> -> memref<1x80x128xf32, #tpu.memory_space<vmem>>
      %dma_wait3A_154 = tpu.memref_squeeze %dma_wait3A_153 : memref<1x80x128xf32, #tpu.memory_space<vmem>> -> memref<80x128xf32, #tpu.memory_space<vmem>>
      tpu.wait_dma2 semaphore(%run_scoped3A_138 : memref<!tpu.dma_semaphore, #tpu.memory_space<semaphore_mem>>) src(%arg4 : memref<80x128xf32, #tpu.memory_space<hbm>>) dst(%dma_wait3A_154 : memref<80x128xf32, #tpu.memory_space<vmem>>)
      tpu.yield
    }) : () -> ()
    %scan3A = arith.constant 0 : i32
    %scan3A_2 = arith.constant 8 : i32
    %scan3A_3 = arith.addi %scan3A, %scan3A_2 : i32
    %scan3A_4 = arith.constant 1 : i32
    scf.for %scan3A_138 = %scan3A to %scan3A_3 step %scan3A_4  : i32 {
      %mul3A_139 = arith.constant 80 : i32
      %mul3A_140 = arith.muli %scan3A_138, %mul3A_139 : i32
      %add3A_141 = arith.constant 0 : i32
      %add3A_142 = arith.addi %add3A_141, %mul3A_140 : i32
      %mul3A_143 = arith.constant 640 : i32
      %mul3A_144 = arith.muli %arg1, %mul3A_143 : i32
      %add3A_145 = arith.addi %mul3A_144, %add3A_142 : i32
      %run_scoped3A_146 = arith.constant 0 : i32
      "tpu.region"() ({
        %run_scoped3A_147 = tpu.sem_alloc : memref<!tpu.dma_semaphore, #tpu.memory_space<semaphore_mem>>
        %dma_start3A_148 = arith.constant 0 : i32
        %dma_start3A_149 = arith.constant 0 : i32
        %dma_start3A_150 = tpu.memref_slice %arg8[%run_scoped3A_146, %dma_start3A_148, %dma_start3A_149] : memref<2x80x128xf32, #tpu.memory_space<vmem>> -> memref<1x80x128xf32, #tpu.memory_space<vmem>>
        %dma_start3A_151 = tpu.memref_squeeze %dma_start3A_150 : memref<1x80x128xf32, #tpu.memory_space<vmem>> -> memref<80x128xf32, #tpu.memory_space<vmem>>
        %dma_start3A_152 = arith.constant 0 : i32
        %dma_start3A_153 = tpu.memref_slice %arg10[%add3A_145, %dma_start3A_152] : memref<10240x128xf32, #tpu.memory_space<vmem_shared>> -> memref<80x128xf32, #tpu.memory_space<vmem_shared>>
        %dma_start3A_154 = arith.constant 0 : i32
        %dma_start3A_155 = tpu.memref_slice %arg10[%add3A_145, %dma_start3A_154] : memref<10240x128xf32, #tpu.memory_space<vmem_shared>> -> memref<80x128xf32, #tpu.memory_space<vmem_shared>>
        %dma_start3A_156 = arith.constant 0 : i32
        %dma_start3A_157 = arith.constant 0 : i32
        %dma_start3A_158 = tpu.memref_slice %arg8[%run_scoped3A_146, %dma_start3A_156, %dma_start3A_157] : memref<2x80x128xf32, #tpu.memory_space<vmem>> -> memref<1x80x128xf32, #tpu.memory_space<vmem>>
        %dma_start3A_159 = tpu.memref_squeeze %dma_start3A_158 : memref<1x80x128xf32, #tpu.memory_space<vmem>> -> memref<80x128xf32, #tpu.memory_space<vmem>>
        tpu.enqueue_dma source(%dma_start3A_159 : memref<80x128xf32, #tpu.memory_space<vmem>>) target(%dma_start3A_155 : memref<80x128xf32, #tpu.memory_space<vmem_shared>>) target_semaphore(%run_scoped3A_147 : memref<!tpu.dma_semaphore, #tpu.memory_space<semaphore_mem>>)
        %dma_wait3A_160 = arith.constant 0 : i32
        %dma_wait3A_161 = arith.constant 0 : i32
        %dma_wait3A_162 = tpu.memref_slice %arg8[%run_scoped3A_146, %dma_wait3A_160, %dma_wait3A_161] : memref<2x80x128xf32, #tpu.memory_space<vmem>> -> memref<1x80x128xf32, #tpu.memory_space<vmem>>
        %dma_wait3A_163 = tpu.memref_squeeze %dma_wait3A_162 : memref<1x80x128xf32, #tpu.memory_space<vmem>> -> memref<80x128xf32, #tpu.memory_space<vmem>>
        %dma_wait3A_164 = arith.constant 0 : i32
        %dma_wait3A_165 = tpu.memref_slice %arg10[%add3A_145, %dma_wait3A_164] : memref<10240x128xf32, #tpu.memory_space<vmem_shared>> -> memref<80x128xf32, #tpu.memory_space<vmem_shared>>
        %dma_wait3A_166 = arith.constant 0 : i32
        %dma_wait3A_167 = tpu.memref_slice %arg10[%add3A_145, %dma_wait3A_166] : memref<10240x128xf32, #tpu.memory_space<vmem_shared>> -> memref<80x128xf32, #tpu.memory_space<vmem_shared>>
        %dma_wait3A_168 = arith.constant 0 : i32
        %dma_wait3A_169 = arith.constant 0 : i32
        %dma_wait3A_170 = tpu.memref_slice %arg8[%run_scoped3A_146, %dma_wait3A_168, %dma_wait3A_169] : memref<2x80x128xf32, #tpu.memory_space<vmem>> -> memref<1x80x128xf32, #tpu.memory_space<vmem>>
        %dma_wait3A_171 = tpu.memref_squeeze %dma_wait3A_170 : memref<1x80x128xf32, #tpu.memory_space<vmem>> -> memref<80x128xf32, #tpu.memory_space<vmem>>
        tpu.wait_dma2 semaphore(%run_scoped3A_147 : memref<!tpu.dma_semaphore, #tpu.memory_space<semaphore_mem>>) src(%dma_wait3A_171 : memref<80x128xf32, #tpu.memory_space<vmem>>) dst(%dma_wait3A_167 : memref<80x128xf32, #tpu.memory_space<vmem_shared>>)
        tpu.yield
      }) : () -> ()
    }
    %scan3A_5 = arith.constant 8 : i32
    "tpu.region"() ({
      %run_scoped3A_138 = tpu.sem_alloc : memref<!tpu.dma_semaphore, #tpu.memory_space<semaphore_mem>>
      tpu.enqueue_dma source(%arg3 : memref<10000xi32, #tpu.memory_space<hbm>>) target(%arg7 : memref<10000xi32, #tpu.memory_space<vmem>>) target_semaphore(%run_scoped3A_138 : memref<!tpu.dma_semaphore, #tpu.memory_space<semaphore_mem>>)
      tpu.wait_dma2 semaphore(%run_scoped3A_138 : memref<!tpu.dma_semaphore, #tpu.memory_space<semaphore_mem>>) src(%arg3 : memref<10000xi32, #tpu.memory_space<hbm>>) dst(%arg7 : memref<10000xi32, #tpu.memory_space<vmem>>)
      tpu.yield
    }) : () -> ()
    %barrier3A = arith.constant 0 : index
    tpu.barrier barrier_id(%barrier3A)
    %dma_start3A = arith.constant 0 : i32
    %dma_start3A_6 = arith.constant 0 : i32
    %dma_start3A_7 = arith.constant 0 : i32
    %dma_start3A_8 = arith.constant 0 : i32
    %dma_start3A_9 = arith.constant 0 : i32
    %dma_start3A_10 = tpu.memref_slice %arg6[%dma_start3A_6, %dma_start3A_8, %dma_start3A_9] : memref<4x2x80xi32, #tpu.memory_space<vmem>> -> memref<1x2x80xi32, #tpu.memory_space<vmem>>
    %dma_start3A_11 = tpu.memref_squeeze %dma_start3A_10 : memref<1x2x80xi32, #tpu.memory_space<vmem>> -> memref<2x80xi32, #tpu.memory_space<vmem>>
    %dma_start3A_12 = arith.constant 0 : i32
    %dma_start3A_13 = arith.constant 0 : i32
    %dma_start3A_14 = tpu.memref_slice %arg2[%add3A, %dma_start3A, %dma_start3A_12, %dma_start3A_13] : memref<32x125x2x80xi32, #tpu.memory_space<hbm>> -> memref<1x1x2x80xi32, #tpu.memory_space<hbm>>
    %dma_start3A_15 = tpu.memref_squeeze %dma_start3A_14 : memref<1x1x2x80xi32, #tpu.memory_space<hbm>> -> memref<2x80xi32, #tpu.memory_space<hbm>>
    %dma_start3A_16 = tpu.memref_slice %arg12[%dma_start3A_7] : memref<4x!tpu.dma_semaphore, #tpu.memory_space<semaphore_mem>> -> memref<1x!tpu.dma_semaphore, #tpu.memory_space<semaphore_mem>>
    %dma_start3A_17 = tpu.memref_squeeze %dma_start3A_16 : memref<1x!tpu.dma_semaphore, #tpu.memory_space<semaphore_mem>> -> memref<!tpu.dma_semaphore, #tpu.memory_space<semaphore_mem>>
    %dma_start3A_18 = arith.constant 0 : i32
    %dma_start3A_19 = arith.constant 0 : i32
    %dma_start3A_20 = tpu.memref_slice %arg6[%dma_start3A_6, %dma_start3A_18, %dma_start3A_19] : memref<4x2x80xi32, #tpu.memory_space<vmem>> -> memref<1x2x80xi32, #tpu.memory_space<vmem>>
    %dma_start3A_21 = tpu.memref_squeeze %dma_start3A_20 : memref<1x2x80xi32, #tpu.memory_space<vmem>> -> memref<2x80xi32, #tpu.memory_space<vmem>>
    %dma_start3A_22 = arith.constant 0 : i32
    %dma_start3A_23 = arith.constant 0 : i32
    %dma_start3A_24 = tpu.memref_slice %arg2[%add3A, %dma_start3A, %dma_start3A_22, %dma_start3A_23] : memref<32x125x2x80xi32, #tpu.memory_space<hbm>> -> memref<1x1x2x80xi32, #tpu.memory_space<hbm>>
    %dma_start3A_25 = tpu.memref_squeeze %dma_start3A_24 : memref<1x1x2x80xi32, #tpu.memory_space<hbm>> -> memref<2x80xi32, #tpu.memory_space<hbm>>
    tpu.enqueue_dma source(%dma_start3A_25 : memref<2x80xi32, #tpu.memory_space<hbm>>) target(%dma_start3A_21 : memref<2x80xi32, #tpu.memory_space<vmem>>) target_semaphore(%dma_start3A_17 : memref<!tpu.dma_semaphore, #tpu.memory_space<semaphore_mem>>)
    %dma_start3A_26 = arith.constant 1 : i32
    %dma_start3A_27 = arith.constant 1 : i32
    %dma_start3A_28 = arith.constant 1 : i32
    %dma_start3A_29 = arith.constant 0 : i32
    %dma_start3A_30 = arith.constant 0 : i32
    %dma_start3A_31 = tpu.memref_slice %arg6[%dma_start3A_27, %dma_start3A_29, %dma_start3A_30] : memref<4x2x80xi32, #tpu.memory_space<vmem>> -> memref<1x2x80xi32, #tpu.memory_space<vmem>>
    %dma_start3A_32 = tpu.memref_squeeze %dma_start3A_31 : memref<1x2x80xi32, #tpu.memory_space<vmem>> -> memref<2x80xi32, #tpu.memory_space<vmem>>
    %dma_start3A_33 = arith.constant 0 : i32
    %dma_start3A_34 = arith.constant 0 : i32
    %dma_start3A_35 = tpu.memref_slice %arg2[%add3A, %dma_start3A_26, %dma_start3A_33, %dma_start3A_34] : memref<32x125x2x80xi32, #tpu.memory_space<hbm>> -> memref<1x1x2x80xi32, #tpu.memory_space<hbm>>
    %dma_start3A_36 = tpu.memref_squeeze %dma_start3A_35 : memref<1x1x2x80xi32, #tpu.memory_space<hbm>> -> memref<2x80xi32, #tpu.memory_space<hbm>>
    %dma_start3A_37 = tpu.memref_slice %arg12[%dma_start3A_28] : memref<4x!tpu.dma_semaphore, #tpu.memory_space<semaphore_mem>> -> memref<1x!tpu.dma_semaphore, #tpu.memory_space<semaphore_mem>>
    %dma_start3A_38 = tpu.memref_squeeze %dma_start3A_37 : memref<1x!tpu.dma_semaphore, #tpu.memory_space<semaphore_mem>> -> memref<!tpu.dma_semaphore, #tpu.memory_space<semaphore_mem>>
    %dma_start3A_39 = arith.constant 0 : i32
    %dma_start3A_40 = arith.constant 0 : i32
    %dma_start3A_41 = tpu.memref_slice %arg6[%dma_start3A_27, %dma_start3A_39, %dma_start3A_40] : memref<4x2x80xi32, #tpu.memory_space<vmem>> -> memref<1x2x80xi32, #tpu.memory_space<vmem>>
    %dma_start3A_42 = tpu.memref_squeeze %dma_start3A_41 : memref<1x2x80xi32, #tpu.memory_space<vmem>> -> memref<2x80xi32, #tpu.memory_space<vmem>>
    %dma_start3A_43 = arith.constant 0 : i32
    %dma_start3A_44 = arith.constant 0 : i32
    %dma_start3A_45 = tpu.memref_slice %arg2[%add3A, %dma_start3A_26, %dma_start3A_43, %dma_start3A_44] : memref<32x125x2x80xi32, #tpu.memory_space<hbm>> -> memref<1x1x2x80xi32, #tpu.memory_space<hbm>>
    %dma_start3A_46 = tpu.memref_squeeze %dma_start3A_45 : memref<1x1x2x80xi32, #tpu.memory_space<hbm>> -> memref<2x80xi32, #tpu.memory_space<hbm>>
    tpu.enqueue_dma source(%dma_start3A_46 : memref<2x80xi32, #tpu.memory_space<hbm>>) target(%dma_start3A_42 : memref<2x80xi32, #tpu.memory_space<vmem>>) target_semaphore(%dma_start3A_38 : memref<!tpu.dma_semaphore, #tpu.memory_space<semaphore_mem>>)
    %dma_start3A_47 = arith.constant 2 : i32
    %dma_start3A_48 = arith.constant 2 : i32
    %dma_start3A_49 = arith.constant 2 : i32
    %dma_start3A_50 = arith.constant 0 : i32
    %dma_start3A_51 = arith.constant 0 : i32
    %dma_start3A_52 = tpu.memref_slice %arg6[%dma_start3A_48, %dma_start3A_50, %dma_start3A_51] : memref<4x2x80xi32, #tpu.memory_space<vmem>> -> memref<1x2x80xi32, #tpu.memory_space<vmem>>
    %dma_start3A_53 = tpu.memref_squeeze %dma_start3A_52 : memref<1x2x80xi32, #tpu.memory_space<vmem>> -> memref<2x80xi32, #tpu.memory_space<vmem>>
    %dma_start3A_54 = arith.constant 0 : i32
    %dma_start3A_55 = arith.constant 0 : i32
    %dma_start3A_56 = tpu.memref_slice %arg2[%add3A, %dma_start3A_47, %dma_start3A_54, %dma_start3A_55] : memref<32x125x2x80xi32, #tpu.memory_space<hbm>> -> memref<1x1x2x80xi32, #tpu.memory_space<hbm>>
    %dma_start3A_57 = tpu.memref_squeeze %dma_start3A_56 : memref<1x1x2x80xi32, #tpu.memory_space<hbm>> -> memref<2x80xi32, #tpu.memory_space<hbm>>
    %dma_start3A_58 = tpu.memref_slice %arg12[%dma_start3A_49] : memref<4x!tpu.dma_semaphore, #tpu.memory_space<semaphore_mem>> -> memref<1x!tpu.dma_semaphore, #tpu.memory_space<semaphore_mem>>
    %dma_start3A_59 = tpu.memref_squeeze %dma_start3A_58 : memref<1x!tpu.dma_semaphore, #tpu.memory_space<semaphore_mem>> -> memref<!tpu.dma_semaphore, #tpu.memory_space<semaphore_mem>>
    %dma_start3A_60 = arith.constant 0 : i32
    %dma_start3A_61 = arith.constant 0 : i32
    %dma_start3A_62 = tpu.memref_slice %arg6[%dma_start3A_48, %dma_start3A_60, %dma_start3A_61] : memref<4x2x80xi32, #tpu.memory_space<vmem>> -> memref<1x2x80xi32, #tpu.memory_space<vmem>>
    %dma_start3A_63 = tpu.memref_squeeze %dma_start3A_62 : memref<1x2x80xi32, #tpu.memory_space<vmem>> -> memref<2x80xi32, #tpu.memory_space<vmem>>
    %dma_start3A_64 = arith.constant 0 : i32
    %dma_start3A_65 = arith.constant 0 : i32
    %dma_start3A_66 = tpu.memref_slice %arg2[%add3A, %dma_start3A_47, %dma_start3A_64, %dma_start3A_65] : memref<32x125x2x80xi32, #tpu.memory_space<hbm>> -> memref<1x1x2x80xi32, #tpu.memory_space<hbm>>
    %dma_start3A_67 = tpu.memref_squeeze %dma_start3A_66 : memref<1x1x2x80xi32, #tpu.memory_space<hbm>> -> memref<2x80xi32, #tpu.memory_space<hbm>>
    tpu.enqueue_dma source(%dma_start3A_67 : memref<2x80xi32, #tpu.memory_space<hbm>>) target(%dma_start3A_63 : memref<2x80xi32, #tpu.memory_space<vmem>>) target_semaphore(%dma_start3A_59 : memref<!tpu.dma_semaphore, #tpu.memory_space<semaphore_mem>>)
    %dma_start3A_68 = arith.constant 3 : i32
    %dma_start3A_69 = arith.constant 3 : i32
    %dma_start3A_70 = arith.constant 3 : i32
    %dma_start3A_71 = arith.constant 0 : i32
    %dma_start3A_72 = arith.constant 0 : i32
    %dma_start3A_73 = tpu.memref_slice %arg6[%dma_start3A_69, %dma_start3A_71, %dma_start3A_72] : memref<4x2x80xi32, #tpu.memory_space<vmem>> -> memref<1x2x80xi32, #tpu.memory_space<vmem>>
    %dma_start3A_74 = tpu.memref_squeeze %dma_start3A_73 : memref<1x2x80xi32, #tpu.memory_space<vmem>> -> memref<2x80xi32, #tpu.memory_space<vmem>>
    %dma_start3A_75 = arith.constant 0 : i32
    %dma_start3A_76 = arith.constant 0 : i32
    %dma_start3A_77 = tpu.memref_slice %arg2[%add3A, %dma_start3A_68, %dma_start3A_75, %dma_start3A_76] : memref<32x125x2x80xi32, #tpu.memory_space<hbm>> -> memref<1x1x2x80xi32, #tpu.memory_space<hbm>>
    %dma_start3A_78 = tpu.memref_squeeze %dma_start3A_77 : memref<1x1x2x80xi32, #tpu.memory_space<hbm>> -> memref<2x80xi32, #tpu.memory_space<hbm>>
    %dma_start3A_79 = tpu.memref_slice %arg12[%dma_start3A_70] : memref<4x!tpu.dma_semaphore, #tpu.memory_space<semaphore_mem>> -> memref<1x!tpu.dma_semaphore, #tpu.memory_space<semaphore_mem>>
    %dma_start3A_80 = tpu.memref_squeeze %dma_start3A_79 : memref<1x!tpu.dma_semaphore, #tpu.memory_space<semaphore_mem>> -> memref<!tpu.dma_semaphore, #tpu.memory_space<semaphore_mem>>
    %dma_start3A_81 = arith.constant 0 : i32
    %dma_start3A_82 = arith.constant 0 : i32
    %dma_start3A_83 = tpu.memref_slice %arg6[%dma_start3A_69, %dma_start3A_81, %dma_start3A_82] : memref<4x2x80xi32, #tpu.memory_space<vmem>> -> memref<1x2x80xi32, #tpu.memory_space<vmem>>
    %dma_start3A_84 = tpu.memref_squeeze %dma_start3A_83 : memref<1x2x80xi32, #tpu.memory_space<vmem>> -> memref<2x80xi32, #tpu.memory_space<vmem>>
    %dma_start3A_85 = arith.constant 0 : i32
    %dma_start3A_86 = arith.constant 0 : i32
    %dma_start3A_87 = tpu.memref_slice %arg2[%add3A, %dma_start3A_68, %dma_start3A_85, %dma_start3A_86] : memref<32x125x2x80xi32, #tpu.memory_space<hbm>> -> memref<1x1x2x80xi32, #tpu.memory_space<hbm>>
    %dma_start3A_88 = tpu.memref_squeeze %dma_start3A_87 : memref<1x1x2x80xi32, #tpu.memory_space<hbm>> -> memref<2x80xi32, #tpu.memory_space<hbm>>
    tpu.enqueue_dma source(%dma_start3A_88 : memref<2x80xi32, #tpu.memory_space<hbm>>) target(%dma_start3A_84 : memref<2x80xi32, #tpu.memory_space<vmem>>) target_semaphore(%dma_start3A_80 : memref<!tpu.dma_semaphore, #tpu.memory_space<semaphore_mem>>)
    %broadcast_in_dim3A = arith.constant 1.000000e+00 : f32
    %broadcast_in_dim3A_89 = vector.broadcast %broadcast_in_dim3A : f32 to vector<16xf32>
    %broadcast_in_dim3A_90 = arith.constant 0.000000e+00 : f32
    %broadcast_in_dim3A_91 = vector.broadcast %broadcast_in_dim3A_90 : f32 to vector<16xf32>
    %iota3A = tpu.iota {dimensions = array<i32: 0>} : vector<16xi32>
    %scan3A_92 = arith.constant 0 : i32
    %scan3A_93 = arith.constant 125 : i32
    %scan3A_94 = arith.addi %scan3A_92, %scan3A_93 : i32
    %scan3A_95 = arith.constant 1 : i32
    scf.for %scan3A_138 = %scan3A_92 to %scan3A_94 step %scan3A_95  : i32 {
      %mul3A_139 = arith.constant 1 : i32
      %mul3A_140 = arith.muli %scan3A_138, %mul3A_139 : i32
      %add3A_141 = arith.constant 0 : i32
      %add3A_142 = arith.addi %add3A_141, %mul3A_140 : i32
      %rem3A_143 = arith.constant 2 : i32
      %rem3A_144 = arith.remsi %add3A_142, %rem3A_143 : i32
      %rem3A_145 = arith.constant 4 : i32
      %rem3A_146 = arith.remsi %add3A_142, %rem3A_145 : i32
      %ge3A = arith.constant 2 : i32
      %ge3A_147 = arith.cmpi sge, %add3A_142, %ge3A : i32
      %convert_element_type3A = arith.extui %ge3A_147 : i1 to i32
      %cond3A = arith.constant 0 : i32
      %cond3A_148 = arith.cmpi ne, %convert_element_type3A, %cond3A : i32
      scf.if %cond3A_148 {
        %sub3A = arith.constant 2 : i32
        %sub3A_256 = arith.subi %add3A_142, %sub3A : i32
        %sub3A_257 = arith.constant 2 : i32
        %sub3A_258 = arith.subi %add3A_142, %sub3A_257 : i32
        %rem3A_259 = arith.constant 4 : i32
        %rem3A_260 = arith.remsi %sub3A_258, %rem3A_259 : i32
        %dma_wait3A_261 = arith.constant 0 : i32
        %dma_wait3A_262 = arith.constant 0 : i32
        %dma_wait3A_263 = arith.constant 0 : i32
        %dma_wait3A_264 = tpu.memref_slice %arg8[%rem3A_144, %dma_wait3A_262, %dma_wait3A_263] : memref<2x80x128xf32, #tpu.memory_space<vmem>> -> memref<1x80x128xf32, #tpu.memory_space<vmem>>
        %dma_wait3A_265 = tpu.memref_squeeze %dma_wait3A_264 : memref<1x80x128xf32, #tpu.memory_space<vmem>> -> memref<80x128xf32, #tpu.memory_space<vmem>>
        %dma_wait3A_266 = arith.constant 0 : i32
        %dma_wait3A_267 = tpu.memref_slice %arg6[%rem3A_260, %dma_wait3A_261, %dma_wait3A_266] : memref<4x2x80xi32, #tpu.memory_space<vmem>> -> memref<1x1x80xi32, #tpu.memory_space<vmem>>
        %dma_wait3A_268 = tpu.memref_squeeze %dma_wait3A_267 : memref<1x1x80xi32, #tpu.memory_space<vmem>> -> memref<80xi32, #tpu.memory_space<vmem>>
        %dma_wait3A_269 = arith.constant 0 : i32
        %dma_wait3A_270 = arith.constant 0 : i32
        %dma_wait3A_271 = tpu.memref_slice %arg10[%dma_wait3A_269, %dma_wait3A_270] : memref<10240x128xf32, #tpu.memory_space<vmem_shared>> -> memref<10240x128xf32, #tpu.memory_space<vmem_shared>>
        %dma_wait3A_272 = tpu.memref_slice %arg11[%rem3A_144] : memref<2x!tpu.dma_semaphore, #tpu.memory_space<semaphore_mem>> -> memref<1x!tpu.dma_semaphore, #tpu.memory_space<semaphore_mem>>
        %dma_wait3A_273 = tpu.memref_squeeze %dma_wait3A_272 : memref<1x!tpu.dma_semaphore, #tpu.memory_space<semaphore_mem>> -> memref<!tpu.dma_semaphore, #tpu.memory_space<semaphore_mem>>
        tpu.wait_indirect_dma semaphore(%dma_wait3A_273 : memref<!tpu.dma_semaphore, #tpu.memory_space<semaphore_mem>>) src(%dma_wait3A_265 : memref<80x128xf32, #tpu.memory_space<vmem>>) dst(%dma_wait3A_271 : memref<10240x128xf32, #tpu.memory_space<vmem_shared>>)
        %get3A_274 = arith.index_cast %rem3A_144 : i32 to index
        %get3A_275 = arith.constant 0 : index
        %get3A_276 = tpu.vector_load %arg9[%get3A_274, %get3A_275] {strides = array<i32>} : memref<2x80xi32, #tpu.memory_space<vmem>>, vector<16xi32>,
        %add3A_277 = arith.constant 0 : i32
        %add3A_278 = vector.broadcast %add3A_277 : i32 to vector<16xi32>
        %add3A_279 = arith.addi %iota3A, %add3A_278 : vector<16xi32>
        %scatter3A_280 = arith.constant 0 : i32
        %scatter3A_281 = arith.constant 0 : i32
        %scatter3A_282 = tpu.memref_slice %arg8[%rem3A_144, %scatter3A_280, %scatter3A_281] : memref<2x80x128xf32, #tpu.memory_space<vmem>> -> memref<1x80x128xf32, #tpu.memory_space<vmem>>
        %scatter3A_283 = tpu.memref_squeeze %scatter3A_282 : memref<1x80x128xf32, #tpu.memory_space<vmem>> -> memref<80x128xf32, #tpu.memory_space<vmem>>
        tpu.vector_store_idx %scatter3A_283[%add3A_279, %get3A_276], %broadcast_in_dim3A_91 : memref<80x128xf32, #tpu.memory_space<vmem>>[vector<16xi32>, vector<16xi32>], vector<16xf32>,
        %get3A_284 = arith.index_cast %rem3A_144 : i32 to index
        %get3A_285 = arith.constant 16 : index
        %get3A_286 = tpu.vector_load %arg9[%get3A_284, %get3A_285] {strides = array<i32>} : memref<2x80xi32, #tpu.memory_space<vmem>>, vector<16xi32>,
        %add3A_287 = arith.constant 16 : i32
        %add3A_288 = vector.broadcast %add3A_287 : i32 to vector<16xi32>
        %add3A_289 = arith.addi %iota3A, %add3A_288 : vector<16xi32>
        %scatter3A_290 = arith.constant 0 : i32
        %scatter3A_291 = arith.constant 0 : i32
        %scatter3A_292 = tpu.memref_slice %arg8[%rem3A_144, %scatter3A_290, %scatter3A_291] : memref<2x80x128xf32, #tpu.memory_space<vmem>> -> memref<1x80x128xf32, #tpu.memory_space<vmem>>
        %scatter3A_293 = tpu.memref_squeeze %scatter3A_292 : memref<1x80x128xf32, #tpu.memory_space<vmem>> -> memref<80x128xf32, #tpu.memory_space<vmem>>
        tpu.vector_store_idx %scatter3A_293[%add3A_289, %get3A_286], %broadcast_in_dim3A_91 : memref<80x128xf32, #tpu.memory_space<vmem>>[vector<16xi32>, vector<16xi32>], vector<16xf32>,
        %get3A_294 = arith.index_cast %rem3A_144 : i32 to index
        %get3A_295 = arith.constant 32 : index
        %get3A_296 = tpu.vector_load %arg9[%get3A_294, %get3A_295] {strides = array<i32>} : memref<2x80xi32, #tpu.memory_space<vmem>>, vector<16xi32>,
        %add3A_297 = arith.constant 32 : i32
        %add3A_298 = vector.broadcast %add3A_297 : i32 to vector<16xi32>
        %add3A_299 = arith.addi %iota3A, %add3A_298 : vector<16xi32>
        %scatter3A_300 = arith.constant 0 : i32
        %scatter3A_301 = arith.constant 0 : i32
        %scatter3A_302 = tpu.memref_slice %arg8[%rem3A_144, %scatter3A_300, %scatter3A_301] : memref<2x80x128xf32, #tpu.memory_space<vmem>> -> memref<1x80x128xf32, #tpu.memory_space<vmem>>
        %scatter3A_303 = tpu.memref_squeeze %scatter3A_302 : memref<1x80x128xf32, #tpu.memory_space<vmem>> -> memref<80x128xf32, #tpu.memory_space<vmem>>
        tpu.vector_store_idx %scatter3A_303[%add3A_299, %get3A_296], %broadcast_in_dim3A_91 : memref<80x128xf32, #tpu.memory_space<vmem>>[vector<16xi32>, vector<16xi32>], vector<16xf32>,
        %get3A_304 = arith.index_cast %rem3A_144 : i32 to index
        %get3A_305 = arith.constant 48 : index
        %get3A_306 = tpu.vector_load %arg9[%get3A_304, %get3A_305] {strides = array<i32>} : memref<2x80xi32, #tpu.memory_space<vmem>>, vector<16xi32>,
        %add3A_307 = arith.constant 48 : i32
        %add3A_308 = vector.broadcast %add3A_307 : i32 to vector<16xi32>
        %add3A_309 = arith.addi %iota3A, %add3A_308 : vector<16xi32>
        %scatter3A_310 = arith.constant 0 : i32
        %scatter3A_311 = arith.constant 0 : i32
        %scatter3A_312 = tpu.memref_slice %arg8[%rem3A_144, %scatter3A_310, %scatter3A_311] : memref<2x80x128xf32, #tpu.memory_space<vmem>> -> memref<1x80x128xf32, #tpu.memory_space<vmem>>
        %scatter3A_313 = tpu.memref_squeeze %scatter3A_312 : memref<1x80x128xf32, #tpu.memory_space<vmem>> -> memref<80x128xf32, #tpu.memory_space<vmem>>
        tpu.vector_store_idx %scatter3A_313[%add3A_309, %get3A_306], %broadcast_in_dim3A_91 : memref<80x128xf32, #tpu.memory_space<vmem>>[vector<16xi32>, vector<16xi32>], vector<16xf32>,
        %get3A_314 = arith.index_cast %rem3A_144 : i32 to index
        %get3A_315 = arith.constant 64 : index
        %get3A_316 = tpu.vector_load %arg9[%get3A_314, %get3A_315] {strides = array<i32>} : memref<2x80xi32, #tpu.memory_space<vmem>>, vector<16xi32>,
        %add3A_317 = arith.constant 64 : i32
        %add3A_318 = vector.broadcast %add3A_317 : i32 to vector<16xi32>
        %add3A_319 = arith.addi %iota3A, %add3A_318 : vector<16xi32>
        %scatter3A_320 = arith.constant 0 : i32
        %scatter3A_321 = arith.constant 0 : i32
        %scatter3A_322 = tpu.memref_slice %arg8[%rem3A_144, %scatter3A_320, %scatter3A_321] : memref<2x80x128xf32, #tpu.memory_space<vmem>> -> memref<1x80x128xf32, #tpu.memory_space<vmem>>
        %scatter3A_323 = tpu.memref_squeeze %scatter3A_322 : memref<1x80x128xf32, #tpu.memory_space<vmem>> -> memref<80x128xf32, #tpu.memory_space<vmem>>
        tpu.vector_store_idx %scatter3A_323[%add3A_319, %get3A_316], %broadcast_in_dim3A_91 : memref<80x128xf32, #tpu.memory_space<vmem>>[vector<16xi32>, vector<16xi32>], vector<16xf32>,
        %add3A_324 = arith.constant 2 : i32
        %add3A_325 = arith.addi %add3A_142, %add3A_324 : i32
        %lt3A = arith.constant 125 : i32
        %lt3A_326 = arith.cmpi slt, %add3A_325, %lt3A : i32
        %convert_element_type3A_327 = arith.extui %lt3A_326 : i1 to i32
        %cond3A_328 = arith.constant 0 : i32
        %cond3A_329 = arith.cmpi ne, %convert_element_type3A_327, %cond3A_328 : i32
        scf.if %cond3A_329 {
          %add3A_330 = arith.constant 2 : i32
          %add3A_331 = arith.addi %add3A_142, %add3A_330 : i32
          %add3A_332 = arith.constant 2 : i32
          %add3A_333 = arith.addi %add3A_142, %add3A_332 : i32
          %rem3A_334 = arith.constant 4 : i32
          %rem3A_335 = arith.remsi %add3A_333, %rem3A_334 : i32
          %dma_start3A_336 = arith.constant 0 : i32
          %dma_start3A_337 = arith.constant 0 : i32
          %dma_start3A_338 = tpu.memref_slice %arg6[%rem3A_335, %dma_start3A_336, %dma_start3A_337] : memref<4x2x80xi32, #tpu.memory_space<vmem>> -> memref<1x2x80xi32, #tpu.memory_space<vmem>>
          %dma_start3A_339 = tpu.memref_squeeze %dma_start3A_338 : memref<1x2x80xi32, #tpu.memory_space<vmem>> -> memref<2x80xi32, #tpu.memory_space<vmem>>
          %dma_start3A_340 = arith.constant 0 : i32
          %dma_start3A_341 = arith.constant 0 : i32
          %dma_start3A_342 = tpu.memref_slice %arg2[%add3A, %add3A_331, %dma_start3A_340, %dma_start3A_341] : memref<32x125x2x80xi32, #tpu.memory_space<hbm>> -> memref<1x1x2x80xi32, #tpu.memory_space<hbm>>
          %dma_start3A_343 = tpu.memref_squeeze %dma_start3A_342 : memref<1x1x2x80xi32, #tpu.memory_space<hbm>> -> memref<2x80xi32, #tpu.memory_space<hbm>>
          %dma_start3A_344 = tpu.memref_slice %arg12[%rem3A_335] : memref<4x!tpu.dma_semaphore, #tpu.memory_space<semaphore_mem>> -> memref<1x!tpu.dma_semaphore, #tpu.memory_space<semaphore_mem>>
          %dma_start3A_345 = tpu.memref_squeeze %dma_start3A_344 : memref<1x!tpu.dma_semaphore, #tpu.memory_space<semaphore_mem>> -> memref<!tpu.dma_semaphore, #tpu.memory_space<semaphore_mem>>
          %dma_start3A_346 = arith.constant 0 : i32
          %dma_start3A_347 = arith.constant 0 : i32
          %dma_start3A_348 = tpu.memref_slice %arg6[%rem3A_335, %dma_start3A_346, %dma_start3A_347] : memref<4x2x80xi32, #tpu.memory_space<vmem>> -> memref<1x2x80xi32, #tpu.memory_space<vmem>>
          %dma_start3A_349 = tpu.memref_squeeze %dma_start3A_348 : memref<1x2x80xi32, #tpu.memory_space<vmem>> -> memref<2x80xi32, #tpu.memory_space<vmem>>
          %dma_start3A_350 = arith.constant 0 : i32
          %dma_start3A_351 = arith.constant 0 : i32
          %dma_start3A_352 = tpu.memref_slice %arg2[%add3A, %add3A_331, %dma_start3A_350, %dma_start3A_351] : memref<32x125x2x80xi32, #tpu.memory_space<hbm>> -> memref<1x1x2x80xi32, #tpu.memory_space<hbm>>
          %dma_start3A_353 = tpu.memref_squeeze %dma_start3A_352 : memref<1x1x2x80xi32, #tpu.memory_space<hbm>> -> memref<2x80xi32, #tpu.memory_space<hbm>>
          tpu.enqueue_dma source(%dma_start3A_353 : memref<2x80xi32, #tpu.memory_space<hbm>>) target(%dma_start3A_349 : memref<2x80xi32, #tpu.memory_space<vmem>>) target_semaphore(%dma_start3A_345 : memref<!tpu.dma_semaphore, #tpu.memory_space<semaphore_mem>>)
        } else {
        }
      } else {
      }
      %dma_wait3A_149 = arith.constant 0 : i32
      %dma_wait3A_150 = arith.constant 0 : i32
      %dma_wait3A_151 = tpu.memref_slice %arg6[%rem3A_146, %dma_wait3A_149, %dma_wait3A_150] : memref<4x2x80xi32, #tpu.memory_space<vmem>> -> memref<1x2x80xi32, #tpu.memory_space<vmem>>
      %dma_wait3A_152 = tpu.memref_squeeze %dma_wait3A_151 : memref<1x2x80xi32, #tpu.memory_space<vmem>> -> memref<2x80xi32, #tpu.memory_space<vmem>>
      %dma_wait3A_153 = arith.constant 0 : i32
      %dma_wait3A_154 = arith.constant 0 : i32
      %dma_wait3A_155 = tpu.memref_slice %arg2[%add3A, %add3A_142, %dma_wait3A_153, %dma_wait3A_154] : memref<32x125x2x80xi32, #tpu.memory_space<hbm>> -> memref<1x1x2x80xi32, #tpu.memory_space<hbm>>
      %dma_wait3A_156 = tpu.memref_squeeze %dma_wait3A_155 : memref<1x1x2x80xi32, #tpu.memory_space<hbm>> -> memref<2x80xi32, #tpu.memory_space<hbm>>
      %dma_wait3A_157 = tpu.memref_slice %arg12[%rem3A_146] : memref<4x!tpu.dma_semaphore, #tpu.memory_space<semaphore_mem>> -> memref<1x!tpu.dma_semaphore, #tpu.memory_space<semaphore_mem>>
      %dma_wait3A_158 = tpu.memref_squeeze %dma_wait3A_157 : memref<1x!tpu.dma_semaphore, #tpu.memory_space<semaphore_mem>> -> memref<!tpu.dma_semaphore, #tpu.memory_space<semaphore_mem>>
      %dma_wait3A_159 = arith.constant 0 : i32
      %dma_wait3A_160 = arith.constant 0 : i32
      %dma_wait3A_161 = tpu.memref_slice %arg6[%rem3A_146, %dma_wait3A_159, %dma_wait3A_160] : memref<4x2x80xi32, #tpu.memory_space<vmem>> -> memref<1x2x80xi32, #tpu.memory_space<vmem>>
      %dma_wait3A_162 = tpu.memref_squeeze %dma_wait3A_161 : memref<1x2x80xi32, #tpu.memory_space<vmem>> -> memref<2x80xi32, #tpu.memory_space<vmem>>
      %dma_wait3A_163 = arith.constant 0 : i32
      %dma_wait3A_164 = arith.constant 0 : i32
      %dma_wait3A_165 = tpu.memref_slice %arg2[%add3A, %add3A_142, %dma_wait3A_163, %dma_wait3A_164] : memref<32x125x2x80xi32, #tpu.memory_space<hbm>> -> memref<1x1x2x80xi32, #tpu.memory_space<hbm>>
      %dma_wait3A_166 = tpu.memref_squeeze %dma_wait3A_165 : memref<1x1x2x80xi32, #tpu.memory_space<hbm>> -> memref<2x80xi32, #tpu.memory_space<hbm>>
      tpu.wait_dma2 semaphore(%dma_wait3A_158 : memref<!tpu.dma_semaphore, #tpu.memory_space<semaphore_mem>>) src(%dma_wait3A_166 : memref<2x80xi32, #tpu.memory_space<hbm>>) dst(%dma_wait3A_162 : memref<2x80xi32, #tpu.memory_space<vmem>>)
      %get3A = arith.constant 1 : i32
      %get3A_167 = arith.index_cast %rem3A_146 : i32 to index
      %get3A_168 = arith.index_cast %get3A : i32 to index
      %get3A_169 = arith.constant 0 : index
      %get3A_170 = tpu.vector_load %arg6[%get3A_167, %get3A_168, %get3A_169] {strides = array<i32>} : memref<4x2x80xi32, #tpu.memory_space<vmem>>, vector<16xi32>,
      %gather3A = tpu.vector_load_idx %arg7[%get3A_170] : memref<10000xi32, #tpu.memory_space<vmem>>[vector<16xi32>], vector<16xi32>,
      %add3A_171 = arith.constant 0 : i32
      %add3A_172 = vector.broadcast %add3A_171 : i32 to vector<16xi32>
      %add3A_173 = arith.addi %iota3A, %add3A_172 : vector<16xi32>
      %scatter3A = arith.constant 0 : i32
      %scatter3A_174 = arith.constant 0 : i32
      %scatter3A_175 = tpu.memref_slice %arg8[%rem3A_144, %scatter3A, %scatter3A_174] : memref<2x80x128xf32, #tpu.memory_space<vmem>> -> memref<1x80x128xf32, #tpu.memory_space<vmem>>
      %scatter3A_176 = tpu.memref_squeeze %scatter3A_175 : memref<1x80x128xf32, #tpu.memory_space<vmem>> -> memref<80x128xf32, #tpu.memory_space<vmem>>
      tpu.vector_store_idx %scatter3A_176[%add3A_173, %gather3A], %broadcast_in_dim3A_89 {add = true} : memref<80x128xf32, #tpu.memory_space<vmem>>[vector<16xi32>, vector<16xi32>], vector<16xf32>,
      %swap3A = arith.index_cast %rem3A_144 : i32 to index
      %swap3A_177 = arith.constant 0 : index
      %swap3A_178 = tpu.vector_load %arg9[%swap3A, %swap3A_177] {strides = array<i32>} : memref<2x80xi32, #tpu.memory_space<vmem>>, vector<16xi32>,
      tpu.vector_store %arg9[%swap3A, %swap3A_177], %gather3A {strides = array<i32>} : memref<2x80xi32, #tpu.memory_space<vmem>>, vector<16xi32>,
      %get3A_179 = arith.constant 1 : i32
      %get3A_180 = arith.index_cast %rem3A_146 : i32 to index
      %get3A_181 = arith.index_cast %get3A_179 : i32 to index
      %get3A_182 = arith.constant 16 : index
      %get3A_183 = tpu.vector_load %arg6[%get3A_180, %get3A_181, %get3A_182] {strides = array<i32>} : memref<4x2x80xi32, #tpu.memory_space<vmem>>, vector<16xi32>,
      %gather3A_184 = tpu.vector_load_idx %arg7[%get3A_183] : memref<10000xi32, #tpu.memory_space<vmem>>[vector<16xi32>], vector<16xi32>,
      %add3A_185 = arith.constant 16 : i32
      %add3A_186 = vector.broadcast %add3A_185 : i32 to vector<16xi32>
      %add3A_187 = arith.addi %iota3A, %add3A_186 : vector<16xi32>
      %scatter3A_188 = arith.constant 0 : i32
      %scatter3A_189 = arith.constant 0 : i32
      %scatter3A_190 = tpu.memref_slice %arg8[%rem3A_144, %scatter3A_188, %scatter3A_189] : memref<2x80x128xf32, #tpu.memory_space<vmem>> -> memref<1x80x128xf32, #tpu.memory_space<vmem>>
      %scatter3A_191 = tpu.memref_squeeze %scatter3A_190 : memref<1x80x128xf32, #tpu.memory_space<vmem>> -> memref<80x128xf32, #tpu.memory_space<vmem>>
      tpu.vector_store_idx %scatter3A_191[%add3A_187, %gather3A_184], %broadcast_in_dim3A_89 {add = true} : memref<80x128xf32, #tpu.memory_space<vmem>>[vector<16xi32>, vector<16xi32>], vector<16xf32>,
      %swap3A_192 = arith.index_cast %rem3A_144 : i32 to index
      %swap3A_193 = arith.constant 16 : index
      %swap3A_194 = tpu.vector_load %arg9[%swap3A_192, %swap3A_193] {strides = array<i32>} : memref<2x80xi32, #tpu.memory_space<vmem>>, vector<16xi32>,
      tpu.vector_store %arg9[%swap3A_192, %swap3A_193], %gather3A_184 {strides = array<i32>} : memref<2x80xi32, #tpu.memory_space<vmem>>, vector<16xi32>,
      %get3A_195 = arith.constant 1 : i32
      %get3A_196 = arith.index_cast %rem3A_146 : i32 to index
      %get3A_197 = arith.index_cast %get3A_195 : i32 to index
      %get3A_198 = arith.constant 32 : index
      %get3A_199 = tpu.vector_load %arg6[%get3A_196, %get3A_197, %get3A_198] {strides = array<i32>} : memref<4x2x80xi32, #tpu.memory_space<vmem>>, vector<16xi32>,
      %gather3A_200 = tpu.vector_load_idx %arg7[%get3A_199] : memref<10000xi32, #tpu.memory_space<vmem>>[vector<16xi32>], vector<16xi32>,
      %add3A_201 = arith.constant 32 : i32
      %add3A_202 = vector.broadcast %add3A_201 : i32 to vector<16xi32>
      %add3A_203 = arith.addi %iota3A, %add3A_202 : vector<16xi32>
      %scatter3A_204 = arith.constant 0 : i32
      %scatter3A_205 = arith.constant 0 : i32
      %scatter3A_206 = tpu.memref_slice %arg8[%rem3A_144, %scatter3A_204, %scatter3A_205] : memref<2x80x128xf32, #tpu.memory_space<vmem>> -> memref<1x80x128xf32, #tpu.memory_space<vmem>>
      %scatter3A_207 = tpu.memref_squeeze %scatter3A_206 : memref<1x80x128xf32, #tpu.memory_space<vmem>> -> memref<80x128xf32, #tpu.memory_space<vmem>>
      tpu.vector_store_idx %scatter3A_207[%add3A_203, %gather3A_200], %broadcast_in_dim3A_89 {add = true} : memref<80x128xf32, #tpu.memory_space<vmem>>[vector<16xi32>, vector<16xi32>], vector<16xf32>,
      %swap3A_208 = arith.index_cast %rem3A_144 : i32 to index
      %swap3A_209 = arith.constant 32 : index
      %swap3A_210 = tpu.vector_load %arg9[%swap3A_208, %swap3A_209] {strides = array<i32>} : memref<2x80xi32, #tpu.memory_space<vmem>>, vector<16xi32>,
      tpu.vector_store %arg9[%swap3A_208, %swap3A_209], %gather3A_200 {strides = array<i32>} : memref<2x80xi32, #tpu.memory_space<vmem>>, vector<16xi32>,
      %get3A_211 = arith.constant 1 : i32
      %get3A_212 = arith.index_cast %rem3A_146 : i32 to index
      %get3A_213 = arith.index_cast %get3A_211 : i32 to index
      %get3A_214 = arith.constant 48 : index
      %get3A_215 = tpu.vector_load %arg6[%get3A_212, %get3A_213, %get3A_214] {strides = array<i32>} : memref<4x2x80xi32, #tpu.memory_space<vmem>>, vector<16xi32>,
      %gather3A_216 = tpu.vector_load_idx %arg7[%get3A_215] : memref<10000xi32, #tpu.memory_space<vmem>>[vector<16xi32>], vector<16xi32>,
      %add3A_217 = arith.constant 48 : i32
      %add3A_218 = vector.broadcast %add3A_217 : i32 to vector<16xi32>
      %add3A_219 = arith.addi %iota3A, %add3A_218 : vector<16xi32>
      %scatter3A_220 = arith.constant 0 : i32
      %scatter3A_221 = arith.constant 0 : i32
      %scatter3A_222 = tpu.memref_slice %arg8[%rem3A_144, %scatter3A_220, %scatter3A_221] : memref<2x80x128xf32, #tpu.memory_space<vmem>> -> memref<1x80x128xf32, #tpu.memory_space<vmem>>
      %scatter3A_223 = tpu.memref_squeeze %scatter3A_222 : memref<1x80x128xf32, #tpu.memory_space<vmem>> -> memref<80x128xf32, #tpu.memory_space<vmem>>
      tpu.vector_store_idx %scatter3A_223[%add3A_219, %gather3A_216], %broadcast_in_dim3A_89 {add = true} : memref<80x128xf32, #tpu.memory_space<vmem>>[vector<16xi32>, vector<16xi32>], vector<16xf32>,
      %swap3A_224 = arith.index_cast %rem3A_144 : i32 to index
      %swap3A_225 = arith.constant 48 : index
      %swap3A_226 = tpu.vector_load %arg9[%swap3A_224, %swap3A_225] {strides = array<i32>} : memref<2x80xi32, #tpu.memory_space<vmem>>, vector<16xi32>,
      tpu.vector_store %arg9[%swap3A_224, %swap3A_225], %gather3A_216 {strides = array<i32>} : memref<2x80xi32, #tpu.memory_space<vmem>>, vector<16xi32>,
      %get3A_227 = arith.constant 1 : i32
      %get3A_228 = arith.index_cast %rem3A_146 : i32 to index
      %get3A_229 = arith.index_cast %get3A_227 : i32 to index
      %get3A_230 = arith.constant 64 : index
      %get3A_231 = tpu.vector_load %arg6[%get3A_228, %get3A_229, %get3A_230] {strides = array<i32>} : memref<4x2x80xi32, #tpu.memory_space<vmem>>, vector<16xi32>,
      %gather3A_232 = tpu.vector_load_idx %arg7[%get3A_231] : memref<10000xi32, #tpu.memory_space<vmem>>[vector<16xi32>], vector<16xi32>,
      %add3A_233 = arith.constant 64 : i32
      %add3A_234 = vector.broadcast %add3A_233 : i32 to vector<16xi32>
      %add3A_235 = arith.addi %iota3A, %add3A_234 : vector<16xi32>
      %scatter3A_236 = arith.constant 0 : i32
      %scatter3A_237 = arith.constant 0 : i32
      %scatter3A_238 = tpu.memref_slice %arg8[%rem3A_144, %scatter3A_236, %scatter3A_237] : memref<2x80x128xf32, #tpu.memory_space<vmem>> -> memref<1x80x128xf32, #tpu.memory_space<vmem>>
      %scatter3A_239 = tpu.memref_squeeze %scatter3A_238 : memref<1x80x128xf32, #tpu.memory_space<vmem>> -> memref<80x128xf32, #tpu.memory_space<vmem>>
      tpu.vector_store_idx %scatter3A_239[%add3A_235, %gather3A_232], %broadcast_in_dim3A_89 {add = true} : memref<80x128xf32, #tpu.memory_space<vmem>>[vector<16xi32>, vector<16xi32>], vector<16xf32>,
      %swap3A_240 = arith.index_cast %rem3A_144 : i32 to index
      %swap3A_241 = arith.constant 64 : index
      %swap3A_242 = tpu.vector_load %arg9[%swap3A_240, %swap3A_241] {strides = array<i32>} : memref<2x80xi32, #tpu.memory_space<vmem>>, vector<16xi32>,
      tpu.vector_store %arg9[%swap3A_240, %swap3A_241], %gather3A_232 {strides = array<i32>} : memref<2x80xi32, #tpu.memory_space<vmem>>, vector<16xi32>,
      %dma_start3A_243 = arith.constant 0 : i32
      %dma_start3A_244 = arith.constant 0 : i32
      %dma_start3A_245 = arith.constant 0 : i32
      %dma_start3A_246 = tpu.memref_slice %arg8[%rem3A_144, %dma_start3A_244, %dma_start3A_245] : memref<2x80x128xf32, #tpu.memory_space<vmem>> -> memref<1x80x128xf32, #tpu.memory_space<vmem>>
      %dma_start3A_247 = tpu.memref_squeeze %dma_start3A_246 : memref<1x80x128xf32, #tpu.memory_space<vmem>> -> memref<80x128xf32, #tpu.memory_space<vmem>>
      %dma_start3A_248 = arith.constant 0 : i32
      %dma_start3A_249 = tpu.memref_slice %arg6[%rem3A_146, %dma_start3A_243, %dma_start3A_248] : memref<4x2x80xi32, #tpu.memory_space<vmem>> -> memref<1x1x80xi32, #tpu.memory_space<vmem>>
      %dma_start3A_250 = tpu.memref_squeeze %dma_start3A_249 : memref<1x1x80xi32, #tpu.memory_space<vmem>> -> memref<80xi32, #tpu.memory_space<vmem>>
      %dma_start3A_251 = arith.constant 0 : i32
      %dma_start3A_252 = arith.constant 0 : i32
      %dma_start3A_253 = tpu.memref_slice %arg10[%dma_start3A_251, %dma_start3A_252] : memref<10240x128xf32, #tpu.memory_space<vmem_shared>> -> memref<10240x128xf32, #tpu.memory_space<vmem_shared>>
      %dma_start3A_254 = tpu.memref_slice %arg11[%rem3A_144] : memref<2x!tpu.dma_semaphore, #tpu.memory_space<semaphore_mem>> -> memref<1x!tpu.dma_semaphore, #tpu.memory_space<semaphore_mem>>
      %dma_start3A_255 = tpu.memref_squeeze %dma_start3A_254 : memref<1x!tpu.dma_semaphore, #tpu.memory_space<semaphore_mem>> -> memref<!tpu.dma_semaphore, #tpu.memory_space<semaphore_mem>>
      tpu.enqueue_indirect_dma source(%dma_start3A_247 : memref<80x128xf32, #tpu.memory_space<vmem>>) target(%dma_start3A_253 : memref<10240x128xf32, #tpu.memory_space<vmem_shared>>) offsets(%dma_start3A_250 : memref<80xi32, #tpu.memory_space<vmem>>) semaphore(%dma_start3A_255 : memref<!tpu.dma_semaphore, #tpu.memory_space<semaphore_mem>>) {add = true}
    }
    %scan3A_96 = arith.constant 125 : i32
    %rem3A = arith.constant 123 : i32
    %rem3A_97 = arith.constant 2 : i32
    %rem3A_98 = arith.remsi %rem3A, %rem3A_97 : i32
    %rem3A_99 = arith.constant 123 : i32
    %rem3A_100 = arith.constant 4 : i32
    %rem3A_101 = arith.remsi %rem3A_99, %rem3A_100 : i32
    %dma_wait3A = arith.constant 0 : i32
    %dma_wait3A_102 = arith.constant 0 : i32
    %dma_wait3A_103 = arith.constant 0 : i32
    %dma_wait3A_104 = tpu.memref_slice %arg8[%rem3A_98, %dma_wait3A_102, %dma_wait3A_103] : memref<2x80x128xf32, #tpu.memory_space<vmem>> -> memref<1x80x128xf32, #tpu.memory_space<vmem>>
    %dma_wait3A_105 = tpu.memref_squeeze %dma_wait3A_104 : memref<1x80x128xf32, #tpu.memory_space<vmem>> -> memref<80x128xf32, #tpu.memory_space<vmem>>
    %dma_wait3A_106 = arith.constant 0 : i32
    %dma_wait3A_107 = tpu.memref_slice %arg6[%rem3A_101, %dma_wait3A, %dma_wait3A_106] : memref<4x2x80xi32, #tpu.memory_space<vmem>> -> memref<1x1x80xi32, #tpu.memory_space<vmem>>
    %dma_wait3A_108 = tpu.memref_squeeze %dma_wait3A_107 : memref<1x1x80xi32, #tpu.memory_space<vmem>> -> memref<80xi32, #tpu.memory_space<vmem>>
    %dma_wait3A_109 = arith.constant 0 : i32
    %dma_wait3A_110 = arith.constant 0 : i32
    %dma_wait3A_111 = tpu.memref_slice %arg10[%dma_wait3A_109, %dma_wait3A_110] : memref<10240x128xf32, #tpu.memory_space<vmem_shared>> -> memref<10240x128xf32, #tpu.memory_space<vmem_shared>>
    %dma_wait3A_112 = tpu.memref_slice %arg11[%rem3A_98] : memref<2x!tpu.dma_semaphore, #tpu.memory_space<semaphore_mem>> -> memref<1x!tpu.dma_semaphore, #tpu.memory_space<semaphore_mem>>
    %dma_wait3A_113 = tpu.memref_squeeze %dma_wait3A_112 : memref<1x!tpu.dma_semaphore, #tpu.memory_space<semaphore_mem>> -> memref<!tpu.dma_semaphore, #tpu.memory_space<semaphore_mem>>
    tpu.wait_indirect_dma semaphore(%dma_wait3A_113 : memref<!tpu.dma_semaphore, #tpu.memory_space<semaphore_mem>>) src(%dma_wait3A_105 : memref<80x128xf32, #tpu.memory_space<vmem>>) dst(%dma_wait3A_111 : memref<10240x128xf32, #tpu.memory_space<vmem_shared>>)
    %rem3A_114 = arith.constant 124 : i32
    %rem3A_115 = arith.constant 2 : i32
    %rem3A_116 = arith.remsi %rem3A_114, %rem3A_115 : i32
    %rem3A_117 = arith.constant 124 : i32
    %rem3A_118 = arith.constant 4 : i32
    %rem3A_119 = arith.remsi %rem3A_117, %rem3A_118 : i32
    %dma_wait3A_120 = arith.constant 0 : i32
    %dma_wait3A_121 = arith.constant 0 : i32
    %dma_wait3A_122 = arith.constant 0 : i32
    %dma_wait3A_123 = tpu.memref_slice %arg8[%rem3A_116, %dma_wait3A_121, %dma_wait3A_122] : memref<2x80x128xf32, #tpu.memory_space<vmem>> -> memref<1x80x128xf32, #tpu.memory_space<vmem>>
    %dma_wait3A_124 = tpu.memref_squeeze %dma_wait3A_123 : memref<1x80x128xf32, #tpu.memory_space<vmem>> -> memref<80x128xf32, #tpu.memory_space<vmem>>
    %dma_wait3A_125 = arith.constant 0 : i32
    %dma_wait3A_126 = tpu.memref_slice %arg6[%rem3A_119, %dma_wait3A_120, %dma_wait3A_125] : memref<4x2x80xi32, #tpu.memory_space<vmem>> -> memref<1x1x80xi32, #tpu.memory_space<vmem>>
    %dma_wait3A_127 = tpu.memref_squeeze %dma_wait3A_126 : memref<1x1x80xi32, #tpu.memory_space<vmem>> -> memref<80xi32, #tpu.memory_space<vmem>>
    %dma_wait3A_128 = arith.constant 0 : i32
    %dma_wait3A_129 = arith.constant 0 : i32
    %dma_wait3A_130 = tpu.memref_slice %arg10[%dma_wait3A_128, %dma_wait3A_129] : memref<10240x128xf32, #tpu.memory_space<vmem_shared>> -> memref<10240x128xf32, #tpu.memory_space<vmem_shared>>
    %dma_wait3A_131 = tpu.memref_slice %arg11[%rem3A_116] : memref<2x!tpu.dma_semaphore, #tpu.memory_space<semaphore_mem>> -> memref<1x!tpu.dma_semaphore, #tpu.memory_space<semaphore_mem>>
    %dma_wait3A_132 = tpu.memref_squeeze %dma_wait3A_131 : memref<1x!tpu.dma_semaphore, #tpu.memory_space<semaphore_mem>> -> memref<!tpu.dma_semaphore, #tpu.memory_space<semaphore_mem>>
    tpu.wait_indirect_dma semaphore(%dma_wait3A_132 : memref<!tpu.dma_semaphore, #tpu.memory_space<semaphore_mem>>) src(%dma_wait3A_124 : memref<80x128xf32, #tpu.memory_space<vmem>>) dst(%dma_wait3A_130 : memref<10240x128xf32, #tpu.memory_space<vmem_shared>>)
    %barrier3A_133 = arith.constant 0 : index
    tpu.barrier barrier_id(%barrier3A_133)
    %mul3A_134 = arith.constant 640 : i32
    %mul3A_135 = arith.muli %arg1, %mul3A_134 : i32
    %mul3A_136 = arith.constant 640 : i32
    %mul3A_137 = arith.muli %arg1, %mul3A_136 : i32
    "tpu.region"() ({
      %run_scoped3A_138 = tpu.sem_alloc : memref<!tpu.dma_semaphore, #tpu.memory_space<semaphore_mem>>
      %dma_start3A_139 = arith.constant 0 : i32
      %dma_start3A_140 = tpu.memref_slice %arg5[%arg0, %mul3A_137, %dma_start3A_139] : memref<2x10240x128xf32, #tpu.memory_space<hbm>> -> memref<1x640x128xf32, #tpu.memory_space<hbm>>
      %dma_start3A_141 = tpu.memref_squeeze %dma_start3A_140 : memref<1x640x128xf32, #tpu.memory_space<hbm>> -> memref<640x128xf32, #tpu.memory_space<hbm>>
      %dma_start3A_142 = arith.constant 0 : i32
      %dma_start3A_143 = tpu.memref_slice %arg10[%mul3A_135, %dma_start3A_142] : memref<10240x128xf32, #tpu.memory_space<vmem_shared>> -> memref<640x128xf32, #tpu.memory_space<vmem_shared>>
      tpu.enqueue_dma source(%dma_start3A_143 : memref<640x128xf32, #tpu.memory_space<vmem_shared>>) target(%dma_start3A_141 : memref<640x128xf32, #tpu.memory_space<hbm>>) target_semaphore(%run_scoped3A_138 : memref<!tpu.dma_semaphore, #tpu.memory_space<semaphore_mem>>)
      %dma_wait3A_144 = arith.constant 0 : i32
      %dma_wait3A_145 = tpu.memref_slice %arg5[%arg0, %mul3A_137, %dma_wait3A_144] : memref<2x10240x128xf32, #tpu.memory_space<hbm>> -> memref<1x640x128xf32, #tpu.memory_space<hbm>>
      %dma_wait3A_146 = tpu.memref_squeeze %dma_wait3A_145 : memref<1x640x128xf32, #tpu.memory_space<hbm>> -> memref<640x128xf32, #tpu.memory_space<hbm>>
      %dma_wait3A_147 = arith.constant 0 : i32
      %dma_wait3A_148 = tpu.memref_slice %arg10[%mul3A_135, %dma_wait3A_147] : memref<10240x128xf32, #tpu.memory_space<vmem_shared>> -> memref<640x128xf32, #tpu.memory_space<vmem_shared>>
      tpu.wait_dma2 semaphore(%run_scoped3A_138 : memref<!tpu.dma_semaphore, #tpu.memory_space<semaphore_mem>>) src(%dma_wait3A_148 : memref<640x128xf32, #tpu.memory_space<vmem_shared>>) dst(%dma_wait3A_146 : memref<640x128xf32, #tpu.memory_space<hbm>>)
      tpu.yield
    }) : () -> ()
    return
  }
}

module attributes {stable_mosaic.version = 14 : i64} {
  func.func @body(%arg0: i32, %arg1: memref<1000x128xf32, #tpu.memory_space<vmem>>, %arg2: memref<128x128xf32, #tpu.memory_space<vmem>>, %arg3: memref<1000x128xf32, #tpu.memory_space<vmem>>, %arg4: memref<128x128xf32, #tpu.memory_space<vmem>>, %arg5: memref<1000x128xf32, #tpu.memory_space<vmem>>, %arg6: memref<128x128xf32, #tpu.memory_space<vmem>>, %arg7: memref<1x128xf32, #tpu.memory_space<vmem>>, %arg8: memref<1000x128xf32, #tpu.memory_space<vmem>>) attributes {dimension_semantics = [#tpu.dimension_semantics<arbitrary>], iteration_bounds = array<i64: 10>, scalar_prefetch = 0 : i64, scratch_operands = 0 : i64, tpu.core_type = #tpu.core_type<tc>, window_params = [{transform_indices = @transform_0, window_bounds = array<i64: 1000, 128>}, {pipeline_mode = #tpu.pipeline_mode<synchronous>, transform_indices = @transform_1, window_bounds = array<i64: 128, 128>}, {transform_indices = @transform_2, window_bounds = array<i64: 1000, 128>}, {pipeline_mode = #tpu.pipeline_mode<synchronous>, transform_indices = @transform_3, window_bounds = array<i64: 128, 128>}, {transform_indices = @transform_4, window_bounds = array<i64: 1000, 128>}, {pipeline_mode = #tpu.pipeline_mode<synchronous>, transform_indices = @transform_5, window_bounds = array<i64: 128, 128>}, {pipeline_mode = #tpu.pipeline_mode<synchronous>, transform_indices = @transform_6, window_bounds = array<i64: 1, 128>}, {transform_indices = @transform_7, window_bounds = array<i64: 1000, 128>}]} {
    %get3A = arith.constant 0 : index
    %get3A_0 = arith.constant 0 : index
    %get3A_1 = vector.load %arg7[%get3A, %get3A_0] : memref<1x128xf32, #tpu.memory_space<vmem>>, vector<1x128xf32>
    %broadcast_in_dim3A = vector.shape_cast %get3A_1 : vector<1x128xf32> to vector<1x128xf32>
    %broadcast_in_dim3A_2 = vector.broadcast %broadcast_in_dim3A : vector<1x128xf32> to vector<1000x128xf32>
    %get3A_3 = arith.constant 0 : index
    %get3A_4 = arith.constant 0 : index
    %get3A_5 = vector.load %arg1[%get3A_3, %get3A_4] : memref<1000x128xf32, #tpu.memory_space<vmem>>, vector<1000x128xf32>
    %get3A_6 = arith.constant 0 : index
    %get3A_7 = arith.constant 0 : index
    %get3A_8 = vector.load %arg2[%get3A_6, %get3A_7] : memref<128x128xf32, #tpu.memory_space<vmem>>, vector<128x128xf32>
    %dot_general3A = arith.constant dense<0.000000e+00> : vector<1000x128xf32>
    %dot_general3A_9 = tpu.matmul %get3A_5, %get3A_8, %dot_general3A {dimension_numbers = #tpu.dot_dimension_numbers<[1], [0], [0], [1], [0, 0, 1, 1], [], []>, precision = #tpu.contract_precision<fp32>, transpose_lhs_hint = false} : vector<1000x128xf32>, vector<128x128xf32>, vector<1000x128xf32> -> vector<1000x128xf32>
    %add3A = arith.addf %broadcast_in_dim3A_2, %dot_general3A_9 : vector<1000x128xf32>
    %get3A_10 = arith.constant 0 : index
    %get3A_11 = arith.constant 0 : index
    %get3A_12 = vector.load %arg3[%get3A_10, %get3A_11] : memref<1000x128xf32, #tpu.memory_space<vmem>>, vector<1000x128xf32>
    %get3A_13 = arith.constant 0 : index
    %get3A_14 = arith.constant 0 : index
    %get3A_15 = vector.load %arg4[%get3A_13, %get3A_14] : memref<128x128xf32, #tpu.memory_space<vmem>>, vector<128x128xf32>
    %dot_general3A_16 = arith.constant dense<0.000000e+00> : vector<1000x128xf32>
    %dot_general3A_17 = tpu.matmul %get3A_12, %get3A_15, %dot_general3A_16 {dimension_numbers = #tpu.dot_dimension_numbers<[1], [0], [0], [1], [0, 0, 1, 1], [], []>, precision = #tpu.contract_precision<fp32>, transpose_lhs_hint = false} : vector<1000x128xf32>, vector<128x128xf32>, vector<1000x128xf32> -> vector<1000x128xf32>
    %add3A_18 = arith.addf %add3A, %dot_general3A_17 : vector<1000x128xf32>
    %get3A_19 = arith.constant 0 : index
    %get3A_20 = arith.constant 0 : index
    %get3A_21 = vector.load %arg5[%get3A_19, %get3A_20] : memref<1000x128xf32, #tpu.memory_space<vmem>>, vector<1000x128xf32>
    %get3A_22 = arith.constant 0 : index
    %get3A_23 = arith.constant 0 : index
    %get3A_24 = vector.load %arg6[%get3A_22, %get3A_23] : memref<128x128xf32, #tpu.memory_space<vmem>>, vector<128x128xf32>
    %dot_general3A_25 = arith.constant dense<0.000000e+00> : vector<1000x128xf32>
    %dot_general3A_26 = tpu.matmul %get3A_21, %get3A_24, %dot_general3A_25 {dimension_numbers = #tpu.dot_dimension_numbers<[1], [0], [0], [1], [0, 0, 1, 1], [], []>, precision = #tpu.contract_precision<fp32>, transpose_lhs_hint = false} : vector<1000x128xf32>, vector<128x128xf32>, vector<1000x128xf32> -> vector<1000x128xf32>
    %add3A_27 = arith.addf %add3A_18, %dot_general3A_26 : vector<1000x128xf32>
    %max3A = arith.constant 0.000000e+00 : f32
    %max3A_28 = vector.broadcast %max3A : f32 to vector<1000x128xf32>
    %max3A_29 = arith.maximumf %add3A_27, %max3A_28 : vector<1000x128xf32>
    %swap3A = arith.constant 0 : index
    %swap3A_30 = arith.constant 0 : index
    %swap3A_31 = vector.load %arg8[%swap3A, %swap3A_30] : memref<1000x128xf32, #tpu.memory_space<vmem>>, vector<1000x128xf32>
    tpu.vector_store %arg8[%swap3A, %swap3A_30], %max3A_29 {strides = array<i32>} : memref<1000x128xf32, #tpu.memory_space<vmem>>, vector<1000x128xf32>,
    return
  }
  func.func @transform_0(%arg0: i32) -> (i32, i32) {
    %c0_i32 = arith.constant 0 : i32
    %c0_i32_0 = arith.constant 0 : i32
    return %arg0, %c0_i32 : i32, i32
  }
  func.func @transform_1(%arg0: i32) -> (i32, i32) {
    %c0_i32 = arith.constant 0 : i32
    %c0_i32_0 = arith.constant 0 : i32
    %c0_i32_1 = arith.constant 0 : i32
    return %c0_i32, %c0_i32_0 : i32, i32
  }
  func.func @transform_2(%arg0: i32) -> (i32, i32) {
    %c0_i32 = arith.constant 0 : i32
    %c0_i32_0 = arith.constant 0 : i32
    return %arg0, %c0_i32 : i32, i32
  }
  func.func @transform_3(%arg0: i32) -> (i32, i32) {
    %c0_i32 = arith.constant 0 : i32
    %c0_i32_0 = arith.constant 0 : i32
    %c0_i32_1 = arith.constant 0 : i32
    return %c0_i32, %c0_i32_0 : i32, i32
  }
  func.func @transform_4(%arg0: i32) -> (i32, i32) {
    %c0_i32 = arith.constant 0 : i32
    %c0_i32_0 = arith.constant 0 : i32
    return %arg0, %c0_i32 : i32, i32
  }
  func.func @transform_5(%arg0: i32) -> (i32, i32) {
    %c0_i32 = arith.constant 0 : i32
    %c0_i32_0 = arith.constant 0 : i32
    %c0_i32_1 = arith.constant 0 : i32
    return %c0_i32, %c0_i32_0 : i32, i32
  }
  func.func @transform_6(%arg0: i32) -> (i32, i32) {
    %c0_i32 = arith.constant 0 : i32
    %c0_i32_0 = arith.constant 0 : i32
    %c0_i32_1 = arith.constant 0 : i32
    return %c0_i32, %c0_i32_0 : i32, i32
  }
  func.func @transform_7(%arg0: i32) -> (i32, i32) {
    %c0_i32 = arith.constant 0 : i32
    %c0_i32_0 = arith.constant 0 : i32
    return %arg0, %c0_i32 : i32, i32
  }
}

module attributes {stable_mosaic.version = 14 : i64} {
  func.func @body(%arg0: i32, %arg1: memref<1000x128xf32, #tpu.memory_space<vmem>>, %arg2: memref<1000x128xf32, #tpu.memory_space<vmem>>, %arg3: memref<1000x128xf32, #tpu.memory_space<vmem>>, %arg4: memref<1000x128xf32, #tpu.memory_space<vmem>>, %arg5: memref<1000x128xf32, #tpu.memory_space<vmem>>, %arg6: memref<1x1x1000xi32, #tpu.memory_space<vmem>>, %arg7: memref<128x256xf32, #tpu.memory_space<vmem>>, %arg8: memref<1x256xf32, #tpu.memory_space<vmem>>, %arg9: memref<128x256xf32, #tpu.memory_space<vmem>>, %arg10: memref<256x512xf32, #tpu.memory_space<vmem>>, %arg11: memref<1x512xf32, #tpu.memory_space<vmem>>, %arg12: memref<256x512xf32, #tpu.memory_space<vmem>>, %arg13: memref<64x512xf32, #tpu.memory_space<vmem>>, %arg14: memref<64x256xf32, #tpu.memory_space<vmem>>, %arg15: memref<64x256xf32, #tpu.memory_space<vmem>>, %arg16: memref<1x64xf32, #tpu.memory_space<vmem>>) attributes {dimension_semantics = [#tpu.dimension_semantics<arbitrary>], iteration_bounds = array<i64: 10>, scalar_prefetch = 0 : i64, scratch_operands = 3 : i64, tpu.core_type = #tpu.core_type<tc>, window_params = [{transform_indices = @transform_0, window_bounds = array<i64: 1000, 128>}, {transform_indices = @transform_1, window_bounds = array<i64: 1000, 128>}, {transform_indices = @transform_2, window_bounds = array<i64: 1000, 128>}, {transform_indices = @transform_3, window_bounds = array<i64: 1000, 128>}, {transform_indices = @transform_4, window_bounds = array<i64: 1000, 128>}, {transform_indices = @transform_5, window_bounds = array<i64: 1, 1, 1000>}, {pipeline_mode = #tpu.pipeline_mode<synchronous>, transform_indices = @transform_6, window_bounds = array<i64: 128, 256>}, {pipeline_mode = #tpu.pipeline_mode<synchronous>, transform_indices = @transform_7, window_bounds = array<i64: 1, 256>}, {pipeline_mode = #tpu.pipeline_mode<synchronous>, transform_indices = @transform_8, window_bounds = array<i64: 128, 256>}, {pipeline_mode = #tpu.pipeline_mode<synchronous>, transform_indices = @transform_9, window_bounds = array<i64: 256, 512>}, {pipeline_mode = #tpu.pipeline_mode<synchronous>, transform_indices = @transform_10, window_bounds = array<i64: 1, 512>}, {pipeline_mode = #tpu.pipeline_mode<synchronous>, transform_indices = @transform_11, window_bounds = array<i64: 256, 512>}, {pipeline_mode = #tpu.pipeline_mode<synchronous>, transform_indices = @transform_12, window_bounds = array<i64: 64, 512>}]} {
    %get3A = arith.constant 0 : index
    %get3A_0 = arith.constant 0 : index
    %get3A_1 = vector.load %arg1[%get3A, %get3A_0] : memref<1000x128xf32, #tpu.memory_space<vmem>>, vector<1000x128xf32>
    %get3A_2 = arith.constant 0 : index
    %get3A_3 = arith.constant 0 : index
    %get3A_4 = vector.load %arg2[%get3A_2, %get3A_3] : memref<1000x128xf32, #tpu.memory_space<vmem>>, vector<1000x128xf32>
    %add3A = arith.addf %get3A_1, %get3A_4 : vector<1000x128xf32>
    %get3A_5 = arith.constant 0 : index
    %get3A_6 = arith.constant 0 : index
    %get3A_7 = vector.load %arg7[%get3A_5, %get3A_6] : memref<128x256xf32, #tpu.memory_space<vmem>>, vector<128x256xf32>
    %dot_general3A = arith.constant dense<0.000000e+00> : vector<1000x256xf32>
    %dot_general3A_8 = tpu.matmul %add3A, %get3A_7, %dot_general3A {dimension_numbers = #tpu.dot_dimension_numbers<[1], [0], [0], [1], [0, 0, 1, 1], [], []>, precision = #tpu.contract_precision<fp32>, transpose_lhs_hint = false} : vector<1000x128xf32>, vector<128x256xf32>, vector<1000x256xf32> -> vector<1000x256xf32>
    %get3A_9 = arith.constant 0 : index
    %get3A_10 = arith.constant 0 : index
    %get3A_11 = vector.load %arg3[%get3A_9, %get3A_10] : memref<1000x128xf32, #tpu.memory_space<vmem>>, vector<1000x128xf32>
    %get3A_12 = arith.constant 0 : index
    %get3A_13 = arith.constant 0 : index
    %get3A_14 = vector.load %arg9[%get3A_12, %get3A_13] : memref<128x256xf32, #tpu.memory_space<vmem>>, vector<128x256xf32>
    %dot_general3A_15 = arith.constant dense<0.000000e+00> : vector<1000x256xf32>
    %dot_general3A_16 = tpu.matmul %get3A_11, %get3A_14, %dot_general3A_15 {dimension_numbers = #tpu.dot_dimension_numbers<[1], [0], [0], [1], [0, 0, 1, 1], [], []>, precision = #tpu.contract_precision<fp32>, transpose_lhs_hint = false} : vector<1000x128xf32>, vector<128x256xf32>, vector<1000x256xf32> -> vector<1000x256xf32>
    %add3A_17 = arith.addf %dot_general3A_8, %dot_general3A_16 : vector<1000x256xf32>
    %get3A_18 = arith.constant 0 : index
    %get3A_19 = arith.constant 0 : index
    %get3A_20 = vector.load %arg8[%get3A_18, %get3A_19] : memref<1x256xf32, #tpu.memory_space<vmem>>, vector<1x256xf32>
    %add3A_21 = vector.broadcast %get3A_20 : vector<1x256xf32> to vector<1000x256xf32>
    %add3A_22 = arith.addf %add3A_17, %add3A_21 : vector<1000x256xf32>
    %max3A = arith.constant 0.000000e+00 : f32
    %max3A_23 = vector.broadcast %max3A : f32 to vector<1000x256xf32>
    %max3A_24 = arith.maximumf %add3A_22, %max3A_23 : vector<1000x256xf32>
    %get3A_25 = arith.constant 0 : index
    %get3A_26 = arith.constant 0 : index
    %get3A_27 = arith.constant 0 : index
    %get3A_28 = vector.load %arg6[%get3A_25, %get3A_26, %get3A_27] : memref<1x1x1000xi32, #tpu.memory_space<vmem>>, vector<1x1x1000xi32>
    %get3A_29 = vector.shape_cast %get3A_28 : vector<1x1x1000xi32> to vector<1000xi32>
    %broadcast_in_dim3A = vector.shape_cast %get3A_29 : vector<1000xi32> to vector<1000x1xi32>
    %iota3A = tpu.iota {dimensions = array<i32: 1>} : vector<1000x64xi32>
    %eq3A = vector.broadcast %broadcast_in_dim3A : vector<1000x1xi32> to vector<1000x64xi32>
    %eq3A_30 = arith.cmpi eq, %eq3A, %iota3A : vector<1000x64xi32>
    %convert_element_type3A = arith.extui %eq3A_30 : vector<1000x64xi1> to vector<1000x64xi32>
    %convert_element_type3A_31 = arith.sitofp %convert_element_type3A : vector<1000x64xi32> to vector<1000x64xf32>
    %get3A_32 = arith.constant 0 : index
    %get3A_33 = arith.constant 0 : index
    %get3A_34 = vector.load %arg4[%get3A_32, %get3A_33] : memref<1000x128xf32, #tpu.memory_space<vmem>>, vector<1000x128xf32>
    %slice3A = vector.extract_strided_slice %get3A_34 {offsets = [0, 0], sizes = [1000, 64], strides = [1, 1]} : vector<1000x128xf32> to vector<1000x64xf32>
    %get3A_35 = arith.constant 0 : index
    %get3A_36 = arith.constant 0 : index
    %get3A_37 = vector.load %arg5[%get3A_35, %get3A_36] : memref<1000x128xf32, #tpu.memory_space<vmem>>, vector<1000x128xf32>
    %slice3A_38 = vector.extract_strided_slice %get3A_37 {offsets = [0, 0], sizes = [1000, 64], strides = [1, 1]} : vector<1000x128xf32> to vector<1000x64xf32>
    %add3A_39 = arith.addf %slice3A, %slice3A_38 : vector<1000x64xf32>
    %dot_general3A_40 = arith.constant dense<0.000000e+00> : vector<64x256xf32>
    %dot_general3A_41 = tpu.matmul %convert_element_type3A_31, %max3A_24, %dot_general3A_40 {dimension_numbers = #tpu.dot_dimension_numbers<[0], [0], [1], [1], [0, 1, 1, 1], [], []>, precision = #tpu.contract_precision<fp32>, transpose_lhs_hint = false} : vector<1000x64xf32>, vector<1000x256xf32>, vector<64x256xf32> -> vector<64x256xf32>
    %dot_general3A_42 = arith.constant dense<0.000000e+00> : vector<64x256xf32>
    %dot_general3A_43 = tpu.matmul %add3A_39, %max3A_24, %dot_general3A_42 {dimension_numbers = #tpu.dot_dimension_numbers<[0], [0], [1], [1], [0, 1, 1, 1], [], []>, precision = #tpu.contract_precision<fp32>, transpose_lhs_hint = false} : vector<1000x64xf32>, vector<1000x256xf32>, vector<64x256xf32> -> vector<64x256xf32>
    %reduce_sum3A = arith.constant dense<0.000000e+00> : vector<64xf32>
    %reduce_sum3A_44 = vector.multi_reduction <add>, %convert_element_type3A_31, %reduce_sum3A [0] : vector<1000x64xf32> to vector<64xf32>
    %reshape3A = vector.shape_cast %reduce_sum3A_44 : vector<64xf32> to vector<1x64xf32>
    %eq3A_45 = arith.constant 0 : i32
    %eq3A_46 = arith.cmpi eq, %arg0, %eq3A_45 : i32
    %convert_element_type3A_47 = arith.extui %eq3A_46 : i1 to i32
    %cond3A = arith.constant 0 : i32
    %cond3A_48 = arith.cmpi ne, %convert_element_type3A_47, %cond3A : i32
    scf.if %cond3A_48 {
      %swap3A = arith.constant 0 : index
      %swap3A_58 = arith.constant 0 : index
      %swap3A_59 = vector.load %arg14[%swap3A, %swap3A_58] : memref<64x256xf32, #tpu.memory_space<vmem>>, vector<64x256xf32>
      tpu.vector_store %arg14[%swap3A, %swap3A_58], %dot_general3A_41 {strides = array<i32>} : memref<64x256xf32, #tpu.memory_space<vmem>>, vector<64x256xf32>,
      %swap3A_60 = arith.constant 0 : index
      %swap3A_61 = arith.constant 0 : index
      %swap3A_62 = vector.load %arg15[%swap3A_60, %swap3A_61] : memref<64x256xf32, #tpu.memory_space<vmem>>, vector<64x256xf32>
      tpu.vector_store %arg15[%swap3A_60, %swap3A_61], %dot_general3A_43 {strides = array<i32>} : memref<64x256xf32, #tpu.memory_space<vmem>>, vector<64x256xf32>,
      %swap3A_63 = arith.constant 0 : index
      %swap3A_64 = arith.constant 0 : index
      %swap3A_65 = vector.load %arg16[%swap3A_63, %swap3A_64] : memref<1x64xf32, #tpu.memory_space<vmem>>, vector<1x64xf32>
      tpu.vector_store %arg16[%swap3A_63, %swap3A_64], %reshape3A {strides = array<i32>} : memref<1x64xf32, #tpu.memory_space<vmem>>, vector<1x64xf32>,
    } else {
    }
    %gt3A = arith.constant 0 : i32
    %gt3A_49 = arith.cmpi sgt, %arg0, %gt3A : i32
    %convert_element_type3A_50 = arith.extui %gt3A_49 : i1 to i32
    %cond3A_51 = arith.constant 0 : i32
    %cond3A_52 = arith.cmpi ne, %convert_element_type3A_50, %cond3A_51 : i32
    scf.if %cond3A_52 {
      %get3A_58 = arith.constant 0 : index
      %get3A_59 = arith.constant 0 : index
      %get3A_60 = vector.load %arg14[%get3A_58, %get3A_59] : memref<64x256xf32, #tpu.memory_space<vmem>>, vector<64x256xf32>
      %add3A_61 = arith.addf %get3A_60, %dot_general3A_41 : vector<64x256xf32>
      %swap3A = arith.constant 0 : index
      %swap3A_62 = arith.constant 0 : index
      %swap3A_63 = vector.load %arg14[%swap3A, %swap3A_62] : memref<64x256xf32, #tpu.memory_space<vmem>>, vector<64x256xf32>
      tpu.vector_store %arg14[%swap3A, %swap3A_62], %add3A_61 {strides = array<i32>} : memref<64x256xf32, #tpu.memory_space<vmem>>, vector<64x256xf32>,
      %get3A_64 = arith.constant 0 : index
      %get3A_65 = arith.constant 0 : index
      %get3A_66 = vector.load %arg15[%get3A_64, %get3A_65] : memref<64x256xf32, #tpu.memory_space<vmem>>, vector<64x256xf32>
      %add3A_67 = arith.addf %get3A_66, %dot_general3A_43 : vector<64x256xf32>
      %swap3A_68 = arith.constant 0 : index
      %swap3A_69 = arith.constant 0 : index
      %swap3A_70 = vector.load %arg15[%swap3A_68, %swap3A_69] : memref<64x256xf32, #tpu.memory_space<vmem>>, vector<64x256xf32>
      tpu.vector_store %arg15[%swap3A_68, %swap3A_69], %add3A_67 {strides = array<i32>} : memref<64x256xf32, #tpu.memory_space<vmem>>, vector<64x256xf32>,
      %get3A_71 = arith.constant 0 : index
      %get3A_72 = arith.constant 0 : index
      %get3A_73 = vector.load %arg16[%get3A_71, %get3A_72] : memref<1x64xf32, #tpu.memory_space<vmem>>, vector<1x64xf32>
      %add3A_74 = arith.addf %get3A_73, %reshape3A : vector<1x64xf32>
      %swap3A_75 = arith.constant 0 : index
      %swap3A_76 = arith.constant 0 : index
      %swap3A_77 = vector.load %arg16[%swap3A_75, %swap3A_76] : memref<1x64xf32, #tpu.memory_space<vmem>>, vector<1x64xf32>
      tpu.vector_store %arg16[%swap3A_75, %swap3A_76], %add3A_74 {strides = array<i32>} : memref<1x64xf32, #tpu.memory_space<vmem>>, vector<1x64xf32>,
    } else {
    }
    %eq3A_53 = arith.constant 9 : i32
    %eq3A_54 = arith.cmpi eq, %arg0, %eq3A_53 : i32
    %convert_element_type3A_55 = arith.extui %eq3A_54 : i1 to i32
    %cond3A_56 = arith.constant 0 : i32
    %cond3A_57 = arith.cmpi ne, %convert_element_type3A_55, %cond3A_56 : i32
    scf.if %cond3A_57 {
      %get3A_58 = arith.constant 0 : index
      %get3A_59 = arith.constant 0 : index
      %get3A_60 = vector.load %arg16[%get3A_58, %get3A_59] : memref<1x64xf32, #tpu.memory_space<vmem>>, vector<1x64xf32>
      %reshape3A_61 = vector.shape_cast %get3A_60 : vector<1x64xf32> to vector<64x1xf32>
      %get3A_62 = arith.constant 0 : index
      %get3A_63 = arith.constant 0 : index
      %get3A_64 = vector.load %arg15[%get3A_62, %get3A_63] : memref<64x256xf32, #tpu.memory_space<vmem>>, vector<64x256xf32>
      %get3A_65 = arith.constant 0 : index
      %get3A_66 = arith.constant 0 : index
      %get3A_67 = vector.load %arg10[%get3A_65, %get3A_66] : memref<256x512xf32, #tpu.memory_space<vmem>>, vector<256x512xf32>
      %dot_general3A_68 = arith.constant dense<0.000000e+00> : vector<64x512xf32>
      %dot_general3A_69 = tpu.matmul %get3A_64, %get3A_67, %dot_general3A_68 {dimension_numbers = #tpu.dot_dimension_numbers<[1], [0], [0], [1], [0, 0, 1, 1], [], []>, precision = #tpu.contract_precision<fp32>, transpose_lhs_hint = false} : vector<64x256xf32>, vector<256x512xf32>, vector<64x512xf32> -> vector<64x512xf32>
      %get3A_70 = arith.constant 0 : index
      %get3A_71 = arith.constant 0 : index
      %get3A_72 = vector.load %arg14[%get3A_70, %get3A_71] : memref<64x256xf32, #tpu.memory_space<vmem>>, vector<64x256xf32>
      %get3A_73 = arith.constant 0 : index
      %get3A_74 = arith.constant 0 : index
      %get3A_75 = vector.load %arg12[%get3A_73, %get3A_74] : memref<256x512xf32, #tpu.memory_space<vmem>>, vector<256x512xf32>
      %dot_general3A_76 = arith.constant dense<0.000000e+00> : vector<64x512xf32>
      %dot_general3A_77 = tpu.matmul %get3A_72, %get3A_75, %dot_general3A_76 {dimension_numbers = #tpu.dot_dimension_numbers<[1], [0], [0], [1], [0, 0, 1, 1], [], []>, precision = #tpu.contract_precision<fp32>, transpose_lhs_hint = false} : vector<64x256xf32>, vector<256x512xf32>, vector<64x512xf32> -> vector<64x512xf32>
      %add3A_78 = arith.addf %dot_general3A_69, %dot_general3A_77 : vector<64x512xf32>
      %get3A_79 = arith.constant 0 : index
      %get3A_80 = arith.constant 0 : index
      %get3A_81 = vector.load %arg11[%get3A_79, %get3A_80] : memref<1x512xf32, #tpu.memory_space<vmem>>, vector<1x512xf32>
      %mul3A = vector.broadcast %reshape3A_61 : vector<64x1xf32> to vector<64x512xf32>
      %mul3A_82 = vector.broadcast %get3A_81 : vector<1x512xf32> to vector<64x512xf32>
      %mul3A_83 = arith.mulf %mul3A, %mul3A_82 : vector<64x512xf32>
      %add3A_84 = arith.addf %add3A_78, %mul3A_83 : vector<64x512xf32>
      %max3A_85 = arith.constant 1.000000e+00 : f32
      %max3A_86 = vector.broadcast %max3A_85 : f32 to vector<64x1xf32>
      %max3A_87 = arith.maximumf %reshape3A_61, %max3A_86 : vector<64x1xf32>
      %div3A = vector.broadcast %max3A_87 : vector<64x1xf32> to vector<64x512xf32>
      %div3A_88 = arith.divf %add3A_84, %div3A : vector<64x512xf32>
      %mul3A_89 = arith.mulf %div3A_88, %div3A_88 : vector<64x512xf32>
      %reduce_sum3A_90 = arith.constant dense<0.000000e+00> : vector<64xf32>
      %reduce_sum3A_91 = vector.multi_reduction <add>, %mul3A_89, %reduce_sum3A_90 [1] : vector<64x512xf32> to vector<64xf32>
      %broadcast_in_dim3A_92 = vector.shape_cast %reduce_sum3A_91 : vector<64xf32> to vector<64x1xf32>
      %sqrt3A = math.sqrt %broadcast_in_dim3A_92 : vector<64x1xf32>
      %max3A_93 = arith.constant 9.99999996E-13 : f32
      %max3A_94 = vector.broadcast %max3A_93 : f32 to vector<64x1xf32>
      %max3A_95 = arith.maximumf %sqrt3A, %max3A_94 : vector<64x1xf32>
      %div3A_96 = vector.broadcast %max3A_95 : vector<64x1xf32> to vector<64x512xf32>
      %div3A_97 = arith.divf %div3A_88, %div3A_96 : vector<64x512xf32>
      %swap3A = arith.constant 0 : index
      %swap3A_98 = arith.constant 0 : index
      %swap3A_99 = vector.load %arg13[%swap3A, %swap3A_98] : memref<64x512xf32, #tpu.memory_space<vmem>>, vector<64x512xf32>
      tpu.vector_store %arg13[%swap3A, %swap3A_98], %div3A_97 {strides = array<i32>} : memref<64x512xf32, #tpu.memory_space<vmem>>, vector<64x512xf32>,
    } else {
    }
    return
  }
  func.func @transform_0(%arg0: i32) -> (i32, i32) {
    %c0_i32 = arith.constant 0 : i32
    %c0_i32_0 = arith.constant 0 : i32
    return %arg0, %c0_i32 : i32, i32
  }
  func.func @transform_1(%arg0: i32) -> (i32, i32) {
    %c0_i32 = arith.constant 0 : i32
    %c0_i32_0 = arith.constant 0 : i32
    return %arg0, %c0_i32 : i32, i32
  }
  func.func @transform_2(%arg0: i32) -> (i32, i32) {
    %c0_i32 = arith.constant 0 : i32
    %c0_i32_0 = arith.constant 0 : i32
    return %arg0, %c0_i32 : i32, i32
  }
  func.func @transform_3(%arg0: i32) -> (i32, i32) {
    %c0_i32 = arith.constant 0 : i32
    %c0_i32_0 = arith.constant 0 : i32
    return %arg0, %c0_i32 : i32, i32
  }
  func.func @transform_4(%arg0: i32) -> (i32, i32) {
    %c0_i32 = arith.constant 0 : i32
    %c0_i32_0 = arith.constant 0 : i32
    return %arg0, %c0_i32 : i32, i32
  }
  func.func @transform_5(%arg0: i32) -> (i32, i32, i32) {
    %c0_i32 = arith.constant 0 : i32
    %c0_i32_0 = arith.constant 0 : i32
    %c0_i32_1 = arith.constant 0 : i32
    return %arg0, %c0_i32, %c0_i32_0 : i32, i32, i32
  }
  func.func @transform_6(%arg0: i32) -> (i32, i32) {
    %c0_i32 = arith.constant 0 : i32
    %c0_i32_0 = arith.constant 0 : i32
    %c0_i32_1 = arith.constant 0 : i32
    return %c0_i32, %c0_i32_0 : i32, i32
  }
  func.func @transform_7(%arg0: i32) -> (i32, i32) {
    %c0_i32 = arith.constant 0 : i32
    %c0_i32_0 = arith.constant 0 : i32
    %c0_i32_1 = arith.constant 0 : i32
    return %c0_i32, %c0_i32_0 : i32, i32
  }
  func.func @transform_8(%arg0: i32) -> (i32, i32) {
    %c0_i32 = arith.constant 0 : i32
    %c0_i32_0 = arith.constant 0 : i32
    %c0_i32_1 = arith.constant 0 : i32
    return %c0_i32, %c0_i32_0 : i32, i32
  }
  func.func @transform_9(%arg0: i32) -> (i32, i32) {
    %c0_i32 = arith.constant 0 : i32
    %c0_i32_0 = arith.constant 0 : i32
    %c0_i32_1 = arith.constant 0 : i32
    return %c0_i32, %c0_i32_0 : i32, i32
  }
  func.func @transform_10(%arg0: i32) -> (i32, i32) {
    %c0_i32 = arith.constant 0 : i32
    %c0_i32_0 = arith.constant 0 : i32
    %c0_i32_1 = arith.constant 0 : i32
    return %c0_i32, %c0_i32_0 : i32, i32
  }
  func.func @transform_11(%arg0: i32) -> (i32, i32) {
    %c0_i32 = arith.constant 0 : i32
    %c0_i32_0 = arith.constant 0 : i32
    %c0_i32_1 = arith.constant 0 : i32
    return %c0_i32, %c0_i32_0 : i32, i32
  }
  func.func @transform_12(%arg0: i32) -> (i32, i32) {
    %c0_i32 = arith.constant 0 : i32
    %c0_i32_0 = arith.constant 0 : i32
    %c0_i32_1 = arith.constant 0 : i32
    return %c0_i32, %c0_i32_0 : i32, i32
  }
}

</mosaic_0001>

<sc_bundles>
// kernel: kernel.10.cloned.1.call-start
scs
__scs_entry_jumppad:
0x0: {  	(pc) =	sbr.rel $0x88, $3  }
0x1: {  	(tag) =	ssettag $0x0;
	lr =	simm.s32 $0x1  }
0x2: {  	[smem:$0x3F95] =	sst lr;
	_ =	strace $0xD0000000  }
0x3: {  	_ = 	snop  }
0x4: {  	_ = 	snop  }
0x5: {  	_ = 	snop  }
0x6: {  	_ = 	snop  }
0x7: {  	_ = 	snop  }
__scs_overlays_trampoline_lowered:
0x8: {  	[smem:$0x3FA4] =	sst s0  }
0x9: {  	[smem:$0x3FA5] =	sst s1  }
0xa: {  	[smem:$0x3FA6] =	sst s2  }
0xb: {  	[smem:$0x3FA7] =	sst s3  }
0xc: {  	[smem:$0x3FA8] =	sst s4  }
0xd: {  	[smem:$0x3FA9] =	sst s5  }
0xe: {  	[smem:$0x3FAA] =	sst s6  }
0xf: {  	[smem:$0x3FAB] =	sst s7  }
0x10: {  	[smem:$0x3FAC] =	sst s8  }
0x11: {  	[smem:$0x3FAD] =	sst s9;
	s0 =	simm.s32 @!p0 $0x0  }
0x12: {  	s1 =	sld [smem:$0x3F93];
	s0 =	simm.s32 @p0 $0x1  }
0x13: {  	[smem:$0x3FAE] =	sst s0;
	s0 =	simm.s32 @!p1 $0x0  }
0x14: {  	s2 =	sld [smem:$0x3F92];
	s0 =	simm.s32 @p1 $0x1  }
0x15: {  	[smem:$0x3FAF] =	sst s0;
	s0 =	simm.s32 @!p2 $0x0  }
0x16: {  	s3 =	sld [smem:$0x3FDB];
	s0 =	simm.s32 @p2 $0x1  }
0x17: {  	s4 =	simm.s32 $0x1BF5;
	[smem:$0x3FB1] =	sst s0  }
0x18: {  	s0 =	sld [smem:$0x3F94];
	_ =	swait.ge [sflag:s4], $0x0  }
0x19: {  	s7 =	sld [smem:$0x3F95]  }
0x1a: {  	s8 =	sadd.s32 $0xFFFFE003, lr  }
0x1b: {  	s9 =	sadd.s32 $0xFFFFFEF7, lr;
	s5 =	simm.s32 $0xFFFFFFFF;
	p2 =	slt.u32 s8, $0xFFFFF086  }
0x1c: {  	p1 =	slt.u32 s9, $0xF7A;
	s5 =	simm.s32 @!p2 $0x0  }
0x1d: {  	s5 =	simm.s32 @p1 $0x1;
	p0 =	seq.s32 s7, s2  }
0x1e: {  	s7 =	smul.u32 @!p0 $0xF7A, s2;
	p2 =	seq.s32 @!p0 s5, $0x0  }
0x1f: {  	s9 =	smul.u32 $0xF7A, s1;
	s8 =	simm.s32 @!p0 $0x1BF5;
	p2 =	por !p2, p0  }
0x20: {  	[sflag:s8] =	ssyncset.s32 @!p0 $0xFFFFF086;
	s6 =	sadd.s32 @!p0 s3, s7;
	s7 =	simm.s32 @!p0 $0x108  }
0x21: {  	s3 =	sadd.s32 s3, s9;
	s6 =	sadd.s32 @!p0 $0x88, s6;
	s7 =	simm.s32 @p2 $0x1082  }
0x22: {  	[simem:s7], [sflag:s8] =	dma.local @!p0 [hbm:s6], $0xF7A  }
0x23: {  	s9 =	sor.u32 $0xD0000000, s2;
	s6 =	simm.s32 $0x108;
	_ =	swait.ge @!p0 [sflag:s8], $0x0  }
0x24: {  	s3 =	sadd.s32 $0x88, s3;
	s6 =	simm.s32 @!p1 $0x1082;
	[sflag:s4] =	ssyncset.s32 $0xFFFFF086  }
0x25: {  	[simem:s6], [sflag:s4] =	dma.local [hbm:s3], $0xF7A  }
0x26: {  	[smem:$0x3F95] =	sst s1;
	(tag) =	ssettag s2;
	_ =	strace s9  }
0x27: {  	s1 =	sld [smem:$0x3FA5]  }
0x28: {  	s2 =	sld [smem:$0x3FA6]  }
0x29: {  	s4 =	sld [smem:$0x3FA8]  }
0x2a: {  	p0 =	seq.s32 s5, $0x0;
	s5 =	sld [smem:$0x3FA9]  }
0x2b: {  	s6 =	sld [smem:$0x3FAA]  }
0x2c: {  	s7 =	sld [smem:$0x3FAB]  }
0x2d: {  	s3 =	simm.s32 $0x108;
	s8 =	sld [smem:$0x3FAC]  }
0x2e: {  	s3 =	simm.s32 @!p0 $0x1082;
	s9 =	sld [smem:$0x3FAD]  }
0x2f: {  	lr =	sadd.s32 s0, s3;
	s0 =	sld [smem:$0x3FA4]  }
0x30: {  	s3 =	sld [smem:$0x3FA7]  }
0x31: {  	[smem:$0x3FB0] =	sst s10  }
0x32: {  	s10 =	sld [smem:$0x3FAE];
	_ =	sdelay $0x3  }
0x33: {  	p0 =	seq.s32 s10, $0x1;
	s10 =	sld [smem:$0x3FB0];
	_ =	sdelay $0x3  }
0x34: {  	[smem:$0x3FB0] =	sst s10  }
0x35: {  	s10 =	sld [smem:$0x3FAF];
	_ =	sdelay $0x3  }
0x36: {  	p1 =	seq.s32 s10, $0x1;
	s10 =	sld [smem:$0x3FB0];
	_ =	sdelay $0x3  }
0x37: {  	[smem:$0x3FB0] =	sst s10  }
0x38: {  	s10 =	sld [smem:$0x3FB1]  }
0x39: {  	_ = 	snop;
	(pc) =	sbr.ind lr, $3  }
0x3a: {  	_ = 	snop  }
0x3b: {  	_ = 	snop  }
0x3c: {  	p2 =	seq.s32 s10, $0x1;
	s10 =	sld [smem:$0x3FB0]  }
0x3d: {  	_ =	shalt  }
0x3e: {  	_ =	shalt  }
0x3f: {  	_ =	shalt  }
0x40: {  	_ =	shalt  }
0x41: {  	_ =	shalt  }
0x42: {  	_ =	shalt  }
0x43: {  	_ =	shalt  }
0x44: {  	_ =	shalt  }
0x45: {  	_ =	shalt  }
0x46: {  	_ =	shalt  }
0x47: {  	_ =	shalt  }
0x48: {  	_ =	shalt  }
0x49: {  	_ =	shalt  }
0x4a: {  	_ =	shalt  }
0x4b: {  	_ =	shalt  }
0x4c: {  	_ =	shalt  }
0x4d: {  	_ =	shalt  }
0x4e: {  	_ =	shalt  }
0x4f: {  	_ =	shalt  }
0x50: {  	_ =	shalt  }
0x51: {  	_ =	shalt  }
0x52: {  	_ =	shalt  }
0x53: {  	_ =	shalt  }
0x54: {  	_ =	shalt  }
0x55: {  	_ =	shalt  }
0x56: {  	_ =	shalt  }
0x57: {  	_ =	shalt  }
0x58: {  	_ =	shalt  }
0x59: {  	_ =	shalt  }
0x5a: {  	_ =	shalt  }
0x5b: {  	_ =	shalt  }
0x5c: {  	_ =	shalt  }
0x5d: {  	_ =	shalt  }
0x5e: {  	_ =	shalt  }
0x5f: {  	_ =	shalt  }
0x60: {  	_ =	shalt  }
0x61: {  	_ =	shalt  }
0x62: {  	_ =	shalt  }
0x63: {  	_ =	shalt  }
0x64: {  	_ =	shalt  }
0x65: {  	_ =	shalt  }
0x66: {  	_ =	shalt  }
0x67: {  	_ =	shalt  }
0x68: {  	_ =	shalt  }
0x69: {  	_ =	shalt  }
0x6a: {  	_ =	shalt  }
0x6b: {  	_ =	shalt  }
0x6c: {  	_ =	shalt  }
0x6d: {  	_ =	shalt  }
0x6e: {  	_ =	shalt  }
0x6f: {  	_ =	shalt  }
0x70: {  	_ =	shalt  }
0x71: {  	_ =	shalt  }
0x72: {  	_ =	shalt  }
0x73: {  	_ =	shalt  }
0x74: {  	_ =	shalt  }
0x75: {  	_ =	shalt  }
0x76: {  	_ =	shalt  }
0x77: {  	_ =	shalt  }
0x78: {  	_ =	shalt  }
0x79: {  	_ =	shalt  }
0x7a: {  	_ =	shalt  }
0x7b: {  	_ =	shalt  }
0x7c: {  	_ =	shalt  }
0x7d: {  	_ =	shalt  }
0x7e: {  	_ =	shalt  }
0x7f: {  	_ =	shalt  }
0x80: {  	_ =	shalt  }
0x81: {  	_ =	shalt  }
0x82: {  	_ =	shalt  }
0x83: {  	_ =	shalt  }
0x84: {  	_ =	shalt  }
0x85: {  	_ =	shalt  }
0x86: {  	_ =	shalt  }
0x87: {  	_ =	shalt  }
.Lfunc_end0:
.L_simem_size_0:
called_computation.1_lowered:
.L_overlay_start_0:
0x88: {  	s2 =	sld [smem:$0x3FD9]  }
0x89: {  	s3 =	sld [smem:$0x3FFE];
	_ =	sdelay $0x1  }
0x8a: {  	s1 =	srdreg.scid  }
0x8b: {  	s0 =	sand.u32 $0x1, s1  }
0x8c: {  	s17 =	sshll.u32 s0, $0xA;
	s2 =	sadd.s32 s3, s2  }
0x8d: {  	s2 =	sadd.s32 s2, s17  }
0x8e: {  	[smem:$0x3FBC] =	sst s2  }
0x8f: {  	_ = 	snop  }
0x90: {  	s18 =	sld [smem:$0x3FC7]  }
0x91: {  	s4 =	sld [smem:$0x3FD0];
	(tm) =	ssettm $0x1  }
0x92: {  	s19 =	sld [smem:$0x3FFB];
	_ =	sdelay $0x3  }
0x93: {  	_ =	strace s19  }
0x94: {  	s2 =	sld [smem:$0x3FFC];
	_ =	sdelay $0x3  }
0x95: {  	_ =	strace s2  }
0x96: {  	s2 =	sld [smem:$0x3FFD];
	_ =	sdelay $0x3  }
0x97: {  	_ =	strace s2  }
0x98: {  	_ =	strace $0x8FFFFFFF  }
0x99: {  	s20 =	sld [smem:$0x3FDB];
	_ =	sdelay $0x1  }
0x9a: {  	s5 =	simm.s32 $_scs_section_size  }
0x9b: {  	s6 =	simm.s32 $_size__tile_overlayer_lowered;
	s7 =	simm.s32 $_tile_overlayer_lowered  }
0x9c: {  	s8 =	simm.s32 $0x1BFF;
	s21 =	sshll.u32 s7, $0x1;
	s5 =	sadd.s32 s5, s20  }
0x9d: {  	s22 =	simm.s32 $0x0;
	s6 =	sshll.u32 s6, $0x1;
	s7 =	sadd.s32 s21, s5  }
0x9e: {  	[timem:s22], [sflag:s8] =	dma.local [hbm:s7], s6  }
0x9f: {  	_ =	swait.ge [sflag:s8], s6  }
0xa0: {  	s6 =	ssub.s32 $0x0, s6;
	[sflag:s8] =	ssyncset.done $0x0  }
0xa1: {  	[sflag:s8] =	ssyncadd.s32 s6;
	_ =	sdelay $0x1  }
0xa2: {  	s23 =	simm.s32 $0x1B8B  }
0xa3: {  	_ =	swait.ge [sflag:s23], $0x1  }
0xa4: {  	[sflag:s23] =	ssyncset.done $0x0  }
0xa5: {  	[sflag:s23] =	ssyncadd.s32 $0xFFFFFFFF  }
0xa6: {  	s6 =	sld [smem:$0x0]  }
0xa7: {  	s7 =	sand.u32 $0xFFFFFFFE, s1  }
0xa8: {  	p0 =	sne.s32 s1, s7  }
0xa9: {  	s7 =	sshll.u32 @p0 s7, $0xE  }
0xaa: {  	s7 =	sadd.s32 @p0 $0x11B8D, s7;
	s8 =	sshll.u32 @p0 s6, $0x11  }
0xab: {  	s7 =	sor.u32 @p0 s8, s7  }
0xac: {  	[sflag:s7] =	ssyncadd.remote.s32 @p0 $0x1;
	_ =	sdelay $0x1  }
0xad: {  	s7 =	simm.s32 @p0 $0x1B8D  }
0xae: {  	_ =	swait.eq @p0 [sflag:s7], $0x1  }
0xaf: {  	[sflag:s7] =	ssyncadd.s32 @p0 $0xFFFFFFFF  }
0xb0: {  	s8 =	sshll.u32 @!p0 s1, $0xE  }
0xb1: {  	s8 =	sor.u32 @!p0 $0x4000, s8;
	s7 =	simm.s32 @!p0 $0x1B8D  }
0xb2: {  	s6 =	sshll.u32 @!p0 s6, $0x11;
	s8 =	sadd.s32 @!p0 $0x11B8D, s8;
	_ =	swait.eq @!p0 [sflag:s7], $0x1  }
0xb3: {  	s6 =	sor.u32 @!p0 s6, s8;
	[sflag:s7] =	ssyncadd.s32 @!p0 $0xFFFFFFFF  }
0xb4: {  	s25 =	simm.s32 $0x1B8E;
	s24 =	sld [smem:$0x3FFE];
	[sflag:s6] =	ssyncadd.remote.s32 @!p0 $0x1  }
0xb5: {  	s26 =	simm.s32 $execute0_lowered;
	[smem:$0x3FD2] =	sst s25  }
0xb6: {  	s7 =	sshll.u32 s26, $0x1;
	_ =	strace $0x80000049;
	[dreg:$0x1] =	wrdreg $0xFFFFFFFF  }
0xb7: {  	s28 =	simm.s32 $_size_execute0_lowered;
	s5 =	sadd.s32 s5, s7;
	[dreg:$0x0] =	wrdreg $0x0  }
0xb8: {  	s7 =	sshll.u32 s28, $0x1;
	[dreg:$0x2] =	wrdreg s5  }
0xb9: {  	[dreg:$0x3] =	wrdreg s7  }
0xba: {  	[dreg:$0x4] =	wrdreg $0xC0  }
0xbb: {  	_ =	task [dreg:s22], $0x5FFFF  }
0xbc: {  	[dreg:$0x1] =	wrdreg $0xFFFFFFFF  }
0xbd: {  	[dreg:$0x0] =	wrdreg $0x60  }
0xbe: {  	[dreg:$0x2] =	wrdreg s24  }
0xbf: {  	[dreg:$0x3] =	wrdreg s18  }
0xc0: {  	[dreg:$0x4] =	wrdreg s4  }
0xc1: {  	[dreg:$0x5] =	wrdreg $0x7C800  }
0xc2: {  	[dreg:$0x6] =	wrdreg $0x9  }
0xc3: {  	_ =	task.clear_ibuf [dreg:s22], $0x7FFFF;
	_ =	strace $0x90000049  }
0xc4: {  	s29 =	simm.s32 $0x9;
	_ =	strace $0x8000004B  }
0xc5: {  	_ =	swait.ge [sflag:s29], $0x1  }
0xc6: {  	[sflag:s29] =	ssyncadd.s32 $0xFFFFFFFF  }
0xc7: {  	_ =	strace $0x9000004B  }
0xc8: {  	_ =	sfence  }
0xc9: {  	s30 =	sld [smem:$0x0];
	_ =	sdelay $0x2  }
0xca: {  	s31 =	sshll.u32 s1, $0xD;
	s1 =	sshrl.u32 s1, $0x2  }
0xcb: {  	s4 =	sand.u32 $0x4000, s31;
	s1 =	sadd.s32 s1, s30  }
0xcc: {  	s0 =	sor.u32 s4, s0;
	s1 =	sshll.u32 s1, $0x11  }
0xcd: {  	s0 =	sor.u32 s1, s0  }
0xce: {  	s0 =	sadd.s32 $0x8F2B, s0  }
0xcf: {  	[sflag:s0] =	ssyncadd.remote.s32 $0x1  }
0xd0: {  	_ =	sfence.sel $0xFFFF  }
0xd1: {  	[dreg:$0x0] =	wrdreg $0xFFFFFFFF;
	(pc) =	sbr.abs _section_cstart, $3  }
0xd2: {  	[dreg:$0x1] =	wrdreg $0xFFFFFFFF  }
0xd3: {  	_ =	task.clear_ibuf [dreg:s22], $0x2FFFF;
	_ =	strace $0x9FFFFFFF  }
0xd4: {  	(tm) =	ssettm $0x7FFFFFFF  }
0xd5: {  	_ =	shalt  }
tec
execute0_lowered:
.L_overlay_start_1:
0x0: {  	(tag) =	ssettag $0x1  }
0x1: {  	s0 =	rddreg [dreg:$0x0]  }
0x2: {  	s4 =	rddreg [dreg:$0x3]  }
0x3: {  	s1 =	srdreg.scid;
	s2 =	stileid.u32;
	s5 =	simm.s32 $0x0  }
0x4: {  	s21 =	simm.s32 $0x2B80;
	s29 =	simm.s32 $0x50;
	s7 =	smul.u32 $0x14000, s2  }
0x5: {  	s30 =	simm.s32 $0x2;
	s31 =	simm.s32 $0x1;
	s9 =	smul.u32 $0x50000, s2  }
0x6: {  	s1 =	sand.u32 $0x1, s1;
	[smem:$0x7FF] =	sst s5;
	s16 =	smul.u32 $0x7D00, s2  }
0x7: {  	s20 =	sadd.s32 $0x2E00, s0;
	s3 =	smul.u32 $0x140000, s1;
	s6 =	sshll.u32 s1, $0x4  }
0x8: {  	_ =	strace $0x8000004A;
	s22 =	ssub.s32 $0x2, s1;
	s1 =	smul.u32 $0x7D000, s1  }
0x9: {  	s6 =	sor.u32 s2, s6;
	s8 =	sshrl.u32 s22, $0x1;
	s10 =	sshrl.u32 s9, $0x2  }
0xa: {  	s6 =	smul.u32 $0x7D00, s6;
	s3 =	sadd.s32 s7, s3;
	s23 =	ssub.s32 s22, s8  }
0xb: {  	s10 =	sadd.s32 s10, s4;
	s28 =	sadd.s32 s16, s1;
	s22 =	simm.s32 $0x7  }
0xc: {  	s3 =	sshrl.u32 s3, $0x3;
	s12 =	smax.u32 s23, $0x1;
	s13 =	sadd.s32 $0x2800, s10  }
0xd: {  	s14 =	sadd.s32 $0x5000, s10;
	s15 =	sadd.s32 $0x7800, s10;
	s6 =	sshrl.u32 s6, $0x3  }
0xe: {  	s16 =	sadd.s32 $0xA000, s10;
	s17 =	sadd.s32 $0xC800, s10;
	s6 =	sadd.s32 s20, s6  }
0xf: {  	v0 =	vlaneseq.u32;
	s18 =	sadd.s32 $0xF000, s10;
	s0 =	sadd.s32 s3, s0;
	s24 =	sadd.s32 $0x20, s6  }
0x10: {  	v0 =	vmul.u32 $0x80, v0;
	s11 =	sadd.s32 $0x72200, s0;
	s25 =	sadd.s32 $0x40, s6;
	[dreg:$0x5] =	wrdreg s24  }
0x11: {  	s0 =	sadd.s32 $0x200, s28;
	s26 =	sadd.s32 $0x60, s6;
	[dreg:$0x6] =	wrdreg s25  }
0x12: {  	v1 =	vimm.f32 $1.000000000e+00;
	v2 =	vor.u32 $0x800, v0;
	s19 =	sadd.s32 $0x11800, s10;
	s0 =	sshrl.u32 s0, $0x3;
	[dreg:$0x7] =	wrdreg s26  }
0x13: {  	v3 =	vor.u32 $0x1000, v0;
	v4 =	vor.u32 $0x1800, v0;
	v5 =	vor.u32 $0x2000, v0;
	s3 =	sadd.s32 s0, s20;
	s24 =	simm.s32 $0x400;
	s0 =	simm.s32 $0x0  }
.LBB2_1:
0x14: {  	s1 =	rddreg [dreg:$0x2]  }
0x15: {  	[tilespmem:s21], [sflag:$0x7] =	stream.linear.gather [hbm4b:s1+s5], $0x2800, $0x38;
	[tilespmem:$0x1BC80] =	vst v63  }
0x16: {  	_ =	swait.ge [sflag:s22], $0x2800  }
0x17: {  	[sflag:s22] =	ssyncset.done $0x0  }
0x18: {  	s2 =	simm.s32 $0x5380;
	[sflag:s22] =	ssyncadd.s32 $0xFFFFD800  }
0x19: {  	[tilespmem:s2], [sflag:$0x7] =	stream.linear.gather [hbm4b:s1+s5], $0x2800, $0x38;
	[tilespmem:$0x1BC80] =	vst v63  }
0x1a: {  	_ =	swait.ge [sflag:s22], $0x2800  }
0x1b: {  	[sflag:s22] =	ssyncset.done $0x0  }
0x1c: {  	[sflag:s22] =	ssyncadd.s32 $0xFFFFD800  }
0x1d: {  	[spmem:s10] =	stream.linear.scatter [tilespmem:s21], [sflag:$0x7], $0x2800, $0x38;
	[tilespmem:$0x1BC80] =	vst v63  }
0x1e: {  	_ =	swait.ge [sflag:s22], $0x2800  }
0x1f: {  	[sflag:s22] =	ssyncset.done $0x0  }
0x20: {  	[sflag:s22] =	ssyncadd.s32 $0xFFFFD800  }
0x21: {  	[spmem:s13] =	stream.linear.scatter [tilespmem:s21], [sflag:$0x7], $0x2800, $0x38;
	[tilespmem:$0x1BC80] =	vst v63  }
0x22: {  	_ =	swait.ge [sflag:s22], $0x2800  }
0x23: {  	[sflag:s22] =	ssyncset.done $0x0  }
0x24: {  	[sflag:s22] =	ssyncadd.s32 $0xFFFFD800  }
0x25: {  	[spmem:s14] =	stream.linear.scatter [tilespmem:s21], [sflag:$0x7], $0x2800, $0x38;
	[tilespmem:$0x1BC80] =	vst v63  }
0x26: {  	_ =	swait.ge [sflag:s22], $0x2800  }
0x27: {  	[sflag:s22] =	ssyncset.done $0x0  }
0x28: {  	[sflag:s22] =	ssyncadd.s32 $0xFFFFD800  }
0x29: {  	[spmem:s15] =	stream.linear.scatter [tilespmem:s21], [sflag:$0x7], $0x2800, $0x38;
	[tilespmem:$0x1BC80] =	vst v63  }
0x2a: {  	_ =	swait.ge [sflag:s22], $0x2800  }
0x2b: {  	[sflag:s22] =	ssyncset.done $0x0  }
0x2c: {  	[sflag:s22] =	ssyncadd.s32 $0xFFFFD800  }
0x2d: {  	[spmem:s16] =	stream.linear.scatter [tilespmem:s21], [sflag:$0x7], $0x2800, $0x38;
	[tilespmem:$0x1BC80] =	vst v63  }
0x2e: {  	_ =	swait.ge [sflag:s22], $0x2800  }
0x2f: {  	[sflag:s22] =	ssyncset.done $0x0  }
0x30: {  	[sflag:s22] =	ssyncadd.s32 $0xFFFFD800  }
0x31: {  	[spmem:s17] =	stream.linear.scatter [tilespmem:s21], [sflag:$0x7], $0x2800, $0x38;
	[tilespmem:$0x1BC80] =	vst v63  }
0x32: {  	_ =	swait.ge [sflag:s22], $0x2800  }
0x33: {  	[sflag:s22] =	ssyncset.done $0x0  }
0x34: {  	[sflag:s22] =	ssyncadd.s32 $0xFFFFD800  }
0x35: {  	[spmem:s18] =	stream.linear.scatter [tilespmem:s21], [sflag:$0x7], $0x2800, $0x38;
	[tilespmem:$0x1BC80] =	vst v63  }
0x36: {  	_ =	swait.ge [sflag:s22], $0x2800  }
0x37: {  	[sflag:s22] =	ssyncset.done $0x0  }
0x38: {  	[sflag:s22] =	ssyncadd.s32 $0xFFFFD800  }
0x39: {  	[spmem:s19] =	stream.linear.scatter [tilespmem:s21], [sflag:$0x7], $0x2800, $0x38;
	[tilespmem:$0x1BC80] =	vst v63  }
0x3a: {  	_ =	swait.ge [sflag:s22], $0x2800  }
0x3b: {  	[sflag:s22] =	ssyncset.done $0x0  }
0x3c: {  	[sflag:s22] =	ssyncadd.s32 $0xFFFFD800  }
0x3d: {  	s8 =	rddreg [dreg:$0x1]  }
0x3e: {  	[tilespmem:s24], [sflag:$0x7] =	stream.linear.gather [hbm4b:s8+s5], $0x2780, $0x38;
	[tilespmem:$0x1BC80] =	vst v63  }
0x3f: {  	_ =	swait.ge [sflag:s22], $0x2780  }
0x40: {  	[sflag:s22] =	ssyncset.done $0x0  }
0x41: {  	[sflag:s22] =	ssyncadd.s32 $0xFFFFD880  }
0x42: {  	[bflag:$0x0] =	sbarrier.arrive $0xFFFF  }
0x43: {  	[tilespmem:s5], [sflag:$0x3] =	stream.linear.gather [hbm4b:s6+s5], $0x100, $0x38;
	[tilespmem:$0x1BC80] =	vst v63  }
0x44: {  	s20 =	simm.s32 $0x100;
	s25 =	simm.s32 $0x200;
	s9 =	rddreg [dreg:$0x5]  }
0x45: {  	[tilespmem:s20], [sflag:$0x4] =	stream.linear.gather [hbm4b:s9+s5], $0x100, $0x38;
	[tilespmem:$0x1BC80] =	vst v63  }
0x46: {  	s28 =	simm.s32 $0x300;
	s1 =	simm.s32 $0x2;
	s23 =	rddreg [dreg:$0x6]  }
0x47: {  	[tilespmem:s25], [sflag:$0x5] =	stream.linear.gather [hbm4b:s23+s5], $0x100, $0x38;
	[tilespmem:$0x1BC80] =	vst v63  }
0x48: {  	s26 =	rddreg [dreg:$0x7];
	s20 =	smov.u32 s3;
	s23 =	simm.s32 $0x0  }
0x49: {  	[tilespmem:s28], [sflag:$0x6] =	stream.linear.gather [hbm4b:s26+s5], $0x100, $0x38;
	[tilespmem:$0x1BC80] =	vst v63  }
.LBB2_2:
0x4a: {  	s26 =	sadd.s32 $0xFFFFFFFE, s1  }
0x4b: {  	s25 =	sand.u32 $0x1, s26;
	p0 =	sgt.u32 s26, $0x1  }
0x4c: {  	s28 =	sadd.s32 @p0 $0x1, s25  }
0x4d: {  	_ =	swait.ge @p0 [sflag:s28], $0x2800  }
0x4e: {  	s2 =	sshll.u32 @p0 s25, $0x9;
	[sflag:s28] =	ssyncset.done @p0 $0x0  }
0x4f: {  	[sflag:s28] =	ssyncadd.s32 @p0 $0xFFFFD800;
	s28 =	sshrl.u32 @p0 s2, $0x2  }
0x50: {  	v6 =	vld @p0 [tilespmem:s28+$0x7B80];
	_ =	sdelay $0x1  }
0x51: {  	v7 =	vlaneseq.u32 @p0  }
0x52: {  	v7 =	vmul.u32 @p0 $0x80, v7;
	_ =	sdelay $0x1  }
0x53: {  	v6 =	vadd.s32 @p0 v7, v6;
	_ =	sdelay $0x1  }
0x54: {  	s7 =	smul.u32 @p0 $0xA000, s25;
	_ =	sdelay $0x1  }
0x55: {  	v8 =	vimm.f32 @p0 $0.0e+00;
	s8 =	sshrl.u32 @p0 s7, $0x2  }
0x56: {  	[tilespmem:v6+s8+$0x2B80] =	vst.idx.msk @p0 $0xffff, v8  }
0x57: {  	v6 =	vld @p0 [tilespmem:s28+$0x7B90];
	_ =	sdelay $0x3  }
0x58: {  	v9 =	vor.u32 @p0 $0x800, v7  }
0x59: {  	v6 =	vadd.s32 @p0 v9, v6;
	_ =	sdelay $0x4  }
0x5a: {  	[tilespmem:v6+s8+$0x2B80] =	vst.idx.msk @p0 $0xffff, v8  }
0x5b: {  	v6 =	vld @p0 [tilespmem:s28+$0x7BA0];
	_ =	sdelay $0x3  }
0x5c: {  	v9 =	vor.u32 @p0 $0x1000, v7  }
0x5d: {  	v6 =	vadd.s32 @p0 v9, v6;
	_ =	sdelay $0x4  }
0x5e: {  	[tilespmem:v6+s8+$0x2B80] =	vst.idx.msk @p0 $0xffff, v8  }
0x5f: {  	v6 =	vld @p0 [tilespmem:s28+$0x7BB0];
	_ =	sdelay $0x3  }
0x60: {  	v9 =	vor.u32 @p0 $0x1800, v7  }
0x61: {  	v6 =	vadd.s32 @p0 v9, v6;
	_ =	sdelay $0x4  }
0x62: {  	[tilespmem:v6+s8+$0x2B80] =	vst.idx.msk @p0 $0xffff, v8  }
0x63: {  	v6 =	vld @p0 [tilespmem:s28+$0x7BC0];
	_ =	sdelay $0x3  }
0x64: {  	v7 =	vor.u32 @p0 $0x2000, v7  }
0x65: {  	v6 =	vadd.s32 @p0 v7, v6;
	_ =	sdelay $0x1  }
0x66: {  	p1 =	sgt.u32 @p0 s26, $0x7A  }
0x67: {  	p1 =	por p1, !p0  }
0x68: {  	s26 =	sand.u32 $0x3, s26;
	s28 =	sand.u32 @!p1 $0x3, s1  }
0x69: {  	s9 =	simm.s32 @!p1 $0x0;
	[tilespmem:v6+s8+$0x2B80] =	vst.idx.msk @p0 $0xffff, v8;
	s8 =	sshll.u32 @!p1 s28, $0x8;
	s28 =	sadd.s32 @!p1 $0x3, s28  }
0x6a: {  	[tilespmem:s8], [sflag:s28] =	stream.linear.gather @!p1 [hbm4b:s20+s9], $0x100, $0x38;
	[tilespmem:$0x1BC80] =	vst v63  }
0x6b: {  	s28 =	sadd.s32 $0x3, s26  }
0x6c: {  	_ =	swait.ge [sflag:s28], $0x100  }
0x6d: {  	[sflag:s28] =	ssyncset.done $0x0  }
0x6e: {  	s8 =	sshll.u32 s26, $0x8;
	[sflag:s28] =	ssyncadd.s32 $0xFFFFFF00  }
0x6f: {  	v6 =	vld [tilespmem:s8+$0x80];
	_ =	sdelay $0x7  }
0x70: {  	v6 =	vld.idx.msk [tilespmem:v6+s24+$0x0], $0xffff;
	_ =	sdelay $0x4  }
0x71: {  	v7 =	vadd.s32 v0, v6  }
0x72: {  	s9 =	smul.u32 @!p0 $0xA000, s25;
	_ =	sdelay $0x1  }
0x73: {  	s26 =	smov.u32 s23;
	s9 =	smov.u32 @p0 s7  }
0x74: {  	s26 =	smov.u32 @p0 s2;
	s9 =	sshrl.u32 s9, $0x2  }
0x75: {  	s26 =	sshra.s32 s26, $0x2;
	[tilespmem:v7+s9+$0x2B80] =	vst.idx.add.f32.msk $0xffff, v1  }
0x76: {  	[tilespmem:s26+$0x7B80] =	vst v6  }
0x77: {  	v6 =	vld [tilespmem:s8+$0x90];
	_ =	sdelay $0x7  }
0x78: {  	v6 =	vld.idx.msk [tilespmem:v6+s24+$0x0], $0xffff;
	_ =	sdelay $0x4  }
0x79: {  	v7 =	vadd.s32 v2, v6;
	_ =	sdelay $0x4  }
0x7a: {  	[tilespmem:v7+s9+$0x2B80] =	vst.idx.add.f32.msk $0xffff, v1  }
0x7b: {  	[tilespmem:s26+$0x7B90] =	vst v6  }
0x7c: {  	v6 =	vld [tilespmem:s8+$0xA0];
	_ =	sdelay $0x7  }
0x7d: {  	v6 =	vld.idx.msk [tilespmem:v6+s24+$0x0], $0xffff;
	_ =	sdelay $0x4  }
0x7e: {  	v7 =	vadd.s32 v3, v6;
	_ =	sdelay $0x4  }
0x7f: {  	[tilespmem:v7+s9+$0x2B80] =	vst.idx.add.f32.msk $0xffff, v1  }
0x80: {  	[tilespmem:s26+$0x7BA0] =	vst v6  }
0x81: {  	v6 =	vld [tilespmem:s8+$0xB0];
	_ =	sdelay $0x7  }
0x82: {  	v6 =	vld.idx.msk [tilespmem:v6+s24+$0x0], $0xffff;
	_ =	sdelay $0x4  }
0x83: {  	v7 =	vadd.s32 v4, v6;
	_ =	sdelay $0x4  }
0x84: {  	[tilespmem:v7+s9+$0x2B80] =	vst.idx.add.f32.msk $0xffff, v1  }
0x85: {  	[tilespmem:s26+$0x7BB0] =	vst v6  }
0x86: {  	v6 =	vld [tilespmem:s8+$0xC0];
	_ =	sdelay $0x7  }
0x87: {  	v6 =	vld.idx.msk [tilespmem:v6+s24+$0x0], $0xffff;
	_ =	sdelay $0x4  }
0x88: {  	v7 =	vadd.s32 v5, v6  }
0x89: {  	s1 =	sadd.s32 $0x1, s1  }
0x8a: {  	p0 =	sne.s32 s1, $0x7F  }
.Ltmp0:
0x8b: {  	_ = 	snop;
	(pc) =	sbr.rel @p0 .LBB2_2-.Ltmp0, $4  }
0x8c: {  	_ = 	snop  }
0x8d: {  	s23 =	sadd.s32 $0x200, s23;
	[tilespmem:v7+s9+$0x2B80] =	vst.idx.add.f32.msk $0xffff, v1  }
0x8e: {  	s20 =	sadd.s32 $0x20, s20;
	s28 =	sadd.s32 $0x1, s25;
	s2 =	sadd.s32 $0x2B80, s9;
	[tilespmem:s26+$0x7BC0] =	vst v6  }
0x8f: {  	[spmem:s4] =	stream.indirect.scatter.add.f32 [tilespmem:s2], [sflag:s28], $0x80, s8, s29, $0xb8;
	[tilespmem:$0x1BC80] =	vst v63  }
0x90: {  	_ =	swait.ge [sflag:s30], $0x2800  }
0x91: {  	[sflag:s30] =	ssyncset.done $0x0  }
0x92: {  	[sflag:s30] =	ssyncadd.s32 $0xFFFFD800  }
0x93: {  	s1 =	stileid.u32;
	_ =	swait.ge [sflag:s31], $0x2800  }
0x94: {  	s2 =	sshrl.u32 s10, $0x3;
	s0 =	sadd.s32 $0x1, s0;
	[sflag:s31] =	ssyncset.done $0x0  }
0x95: {  	s1 =	sshll.u32 s1, $0x6;
	p0 =	sne.s32 s0, s12;
	[sflag:s31] =	ssyncadd.s32 $0xFFFFD800  }
.Ltmp1:
0x96: {  	s1 =	sor.u32 $0x1C07, s1;
	[bflag:$0x0] =	sbarrier.arrive $0xFFFF;
	(pc) =	sbr.rel @p0 .LBB2_1-.Ltmp1, $4  }
0x97: {  	[hbm:s11], [sflag:s1] =	dma.local [spmem:s2], $0x2800  }
0x98: {  	_ =	swait.ge [sflag:s22], $0x2800  }
0x99: {  	[sflag:s22] =	ssyncset.done $0x0  }
0x9a: {  	[sflag:s22] =	ssyncadd.s32 $0xFFFFD800  }
0x9b: {  	_ =	sfence.sel $0x180000  }
0x9c: {  	[bflag:$0x0] =	sbarrier.arrive $0xFFFF  }
0x9d: {  	_ =	strace $0x9000004A  }
0x9e: {  	s0 =	stileid.u32;
	[bflag:$0x2] =	sbarrier.arrive $0xFFFF  }
0x9f: {  	p0 =	sne.s32 s0, $0x0;
	s0 =	rddreg [dreg:$0x4]  }
0xa0: {  	s0 =	sadd.s32 @!p0 $0x100000, s0  }
0xa1: {  	[sflag:s0] =	ssyncadd.tile.s32 @!p0 $0x1;
	_ =	shalt  }
.Lfunc_end2:
_tile_overlayer_lowered:
.L_overlay_start_2:
0xa2: {  	(tag) =	ssettag $0x2  }
0xa3: {  	s0 =	rddreg [dreg:$0x0];
	s2 =	stileid.u32  }
0xa4: {  	s1 =	rddreg [dreg:$0x1];
	p0 =	sne.s32 s2, $0x0  }
0xa5: {  	s3 =	rddreg [dreg:$0x2];
	[bflag:$0x3] =	sbarrier.arrive $0xFFFF;
	s2 =	simm.s32 @!p0 $0x1C07  }
0xa6: {  	[timem:s3], [sflag:s2] =	dma.local @!p0 [hbm:s0], s1  }
0xa7: {  	s0 =	simm.s32 @!p0 $0x7  }
0xa8: {  	_ =	swait.ge @!p0 [sflag:s0], s1  }
0xa9: {  	s1 =	ssub.s32 @!p0 $0x0, s1;
	[sflag:s0] =	ssyncset.done @!p0 $0x0  }
0xaa: {  	[sflag:s0] =	ssyncadd.s32 @!p0 s1  }
0xab: {  	[bflag:$0x3] =	sbarrier.arrive $0xFFFF  }
0xac: {  	_ =	shalt  }

// kernel: kernel.13.cloned.1.call-start
scs
__scs_entry_jumppad:
0x0: {  	(pc) =	sbr.rel $0x88, $3  }
0x1: {  	(tag) =	ssettag $0x0;
	lr =	simm.s32 $0x1  }
0x2: {  	[smem:$0x3F95] =	sst lr;
	_ =	strace $0xD0000000  }
0x3: {  	_ = 	snop  }
0x4: {  	_ = 	snop  }
0x5: {  	_ = 	snop  }
0x6: {  	_ = 	snop  }
0x7: {  	_ = 	snop  }
__scs_overlays_trampoline_lowered:
0x8: {  	[smem:$0x3FA4] =	sst s0  }
0x9: {  	[smem:$0x3FA5] =	sst s1  }
0xa: {  	[smem:$0x3FA6] =	sst s2  }
0xb: {  	[smem:$0x3FA7] =	sst s3  }
0xc: {  	[smem:$0x3FA8] =	sst s4  }
0xd: {  	[smem:$0x3FA9] =	sst s5  }
0xe: {  	[smem:$0x3FAA] =	sst s6  }
0xf: {  	[smem:$0x3FAB] =	sst s7  }
0x10: {  	[smem:$0x3FAC] =	sst s8  }
0x11: {  	[smem:$0x3FAD] =	sst s9;
	s0 =	simm.s32 @!p0 $0x0  }
0x12: {  	s1 =	sld [smem:$0x3F93];
	s0 =	simm.s32 @p0 $0x1  }
0x13: {  	[smem:$0x3FAE] =	sst s0;
	s0 =	simm.s32 @!p1 $0x0  }
0x14: {  	s2 =	sld [smem:$0x3F92];
	s0 =	simm.s32 @p1 $0x1  }
0x15: {  	[smem:$0x3FAF] =	sst s0;
	s0 =	simm.s32 @!p2 $0x0  }
0x16: {  	s3 =	sld [smem:$0x3FDB];
	s0 =	simm.s32 @p2 $0x1  }
0x17: {  	s4 =	simm.s32 $0x1BF5;
	[smem:$0x3FB1] =	sst s0  }
0x18: {  	s0 =	sld [smem:$0x3F94];
	_ =	swait.ge [sflag:s4], $0x0  }
0x19: {  	s7 =	sld [smem:$0x3F95]  }
0x1a: {  	s8 =	sadd.s32 $0xFFFFE003, lr  }
0x1b: {  	s9 =	sadd.s32 $0xFFFFFEF7, lr;
	s5 =	simm.s32 $0xFFFFFFFF;
	p2 =	slt.u32 s8, $0xFFFFF086  }
0x1c: {  	p1 =	slt.u32 s9, $0xF7A;
	s5 =	simm.s32 @!p2 $0x0  }
0x1d: {  	s5 =	simm.s32 @p1 $0x1;
	p0 =	seq.s32 s7, s2  }
0x1e: {  	s7 =	smul.u32 @!p0 $0xF7A, s2;
	p2 =	seq.s32 @!p0 s5, $0x0  }
0x1f: {  	s9 =	smul.u32 $0xF7A, s1;
	s8 =	simm.s32 @!p0 $0x1BF5;
	p2 =	por !p2, p0  }
0x20: {  	[sflag:s8] =	ssyncset.s32 @!p0 $0xFFFFF086;
	s6 =	sadd.s32 @!p0 s3, s7;
	s7 =	simm.s32 @!p0 $0x108  }
0x21: {  	s3 =	sadd.s32 s3, s9;
	s6 =	sadd.s32 @!p0 $0x88, s6;
	s7 =	simm.s32 @p2 $0x1082  }
0x22: {  	[simem:s7], [sflag:s8] =	dma.local @!p0 [hbm:s6], $0xF7A  }
0x23: {  	s9 =	sor.u32 $0xD0000000, s2;
	s6 =	simm.s32 $0x108;
	_ =	swait.ge @!p0 [sflag:s8], $0x0  }
0x24: {  	s3 =	sadd.s32 $0x88, s3;
	s6 =	simm.s32 @!p1 $0x1082;
	[sflag:s4] =	ssyncset.s32 $0xFFFFF086  }
0x25: {  	[simem:s6], [sflag:s4] =	dma.local [hbm:s3], $0xF7A  }
0x26: {  	[smem:$0x3F95] =	sst s1;
	(tag) =	ssettag s2;
	_ =	strace s9  }
0x27: {  	s1 =	sld [smem:$0x3FA5]  }
0x28: {  	s2 =	sld [smem:$0x3FA6]  }
0x29: {  	s4 =	sld [smem:$0x3FA8]  }
0x2a: {  	p0 =	seq.s32 s5, $0x0;
	s5 =	sld [smem:$0x3FA9]  }
0x2b: {  	s6 =	sld [smem:$0x3FAA]  }
0x2c: {  	s7 =	sld [smem:$0x3FAB]  }
0x2d: {  	s3 =	simm.s32 $0x108;
	s8 =	sld [smem:$0x3FAC]  }
0x2e: {  	s3 =	simm.s32 @!p0 $0x1082;
	s9 =	sld [smem:$0x3FAD]  }
0x2f: {  	lr =	sadd.s32 s0, s3;
	s0 =	sld [smem:$0x3FA4]  }
0x30: {  	s3 =	sld [smem:$0x3FA7]  }
0x31: {  	[smem:$0x3FB0] =	sst s10  }
0x32: {  	s10 =	sld [smem:$0x3FAE];
	_ =	sdelay $0x3  }
0x33: {  	p0 =	seq.s32 s10, $0x1;
	s10 =	sld [smem:$0x3FB0];
	_ =	sdelay $0x3  }
0x34: {  	[smem:$0x3FB0] =	sst s10  }
0x35: {  	s10 =	sld [smem:$0x3FAF];
	_ =	sdelay $0x3  }
0x36: {  	p1 =	seq.s32 s10, $0x1;
	s10 =	sld [smem:$0x3FB0];
	_ =	sdelay $0x3  }
0x37: {  	[smem:$0x3FB0] =	sst s10  }
0x38: {  	s10 =	sld [smem:$0x3FB1]  }
0x39: {  	_ = 	snop;
	(pc) =	sbr.ind lr, $3  }
0x3a: {  	_ = 	snop  }
0x3b: {  	_ = 	snop  }
0x3c: {  	p2 =	seq.s32 s10, $0x1;
	s10 =	sld [smem:$0x3FB0]  }
0x3d: {  	_ =	shalt  }
0x3e: {  	_ =	shalt  }
0x3f: {  	_ =	shalt  }
0x40: {  	_ =	shalt  }
0x41: {  	_ =	shalt  }
0x42: {  	_ =	shalt  }
0x43: {  	_ =	shalt  }
0x44: {  	_ =	shalt  }
0x45: {  	_ =	shalt  }
0x46: {  	_ =	shalt  }
0x47: {  	_ =	shalt  }
0x48: {  	_ =	shalt  }
0x49: {  	_ =	shalt  }
0x4a: {  	_ =	shalt  }
0x4b: {  	_ =	shalt  }
0x4c: {  	_ =	shalt  }
0x4d: {  	_ =	shalt  }
0x4e: {  	_ =	shalt  }
0x4f: {  	_ =	shalt  }
0x50: {  	_ =	shalt  }
0x51: {  	_ =	shalt  }
0x52: {  	_ =	shalt  }
0x53: {  	_ =	shalt  }
0x54: {  	_ =	shalt  }
0x55: {  	_ =	shalt  }
0x56: {  	_ =	shalt  }
0x57: {  	_ =	shalt  }
0x58: {  	_ =	shalt  }
0x59: {  	_ =	shalt  }
0x5a: {  	_ =	shalt  }
0x5b: {  	_ =	shalt  }
0x5c: {  	_ =	shalt  }
0x5d: {  	_ =	shalt  }
0x5e: {  	_ =	shalt  }
0x5f: {  	_ =	shalt  }
0x60: {  	_ =	shalt  }
0x61: {  	_ =	shalt  }
0x62: {  	_ =	shalt  }
0x63: {  	_ =	shalt  }
0x64: {  	_ =	shalt  }
0x65: {  	_ =	shalt  }
0x66: {  	_ =	shalt  }
0x67: {  	_ =	shalt  }
0x68: {  	_ =	shalt  }
0x69: {  	_ =	shalt  }
0x6a: {  	_ =	shalt  }
0x6b: {  	_ =	shalt  }
0x6c: {  	_ =	shalt  }
0x6d: {  	_ =	shalt  }
0x6e: {  	_ =	shalt  }
0x6f: {  	_ =	shalt  }
0x70: {  	_ =	shalt  }
0x71: {  	_ =	shalt  }
0x72: {  	_ =	shalt  }
0x73: {  	_ =	shalt  }
0x74: {  	_ =	shalt  }
0x75: {  	_ =	shalt  }
0x76: {  	_ =	shalt  }
0x77: {  	_ =	shalt  }
0x78: {  	_ =	shalt  }
0x79: {  	_ =	shalt  }
0x7a: {  	_ =	shalt  }
0x7b: {  	_ =	shalt  }
0x7c: {  	_ =	shalt  }
0x7d: {  	_ =	shalt  }
0x7e: {  	_ =	shalt  }
0x7f: {  	_ =	shalt  }
0x80: {  	_ =	shalt  }
0x81: {  	_ =	shalt  }
0x82: {  	_ =	shalt  }
0x83: {  	_ =	shalt  }
0x84: {  	_ =	shalt  }
0x85: {  	_ =	shalt  }
0x86: {  	_ =	shalt  }
0x87: {  	_ =	shalt  }
.Lfunc_end0:
.L_simem_size_0:
called_computation.2_lowered:
.L_overlay_start_0:
0x88: {  	s2 =	sld [smem:$0x3FD9]  }
0x89: {  	s3 =	sld [smem:$0x3FFE];
	_ =	sdelay $0x1  }
0x8a: {  	s1 =	srdreg.scid  }
0x8b: {  	s0 =	sand.u32 $0x1, s1  }
0x8c: {  	s17 =	sshll.u32 s0, $0xA;
	s2 =	sadd.s32 s3, s2  }
0x8d: {  	s2 =	sadd.s32 s2, s17  }
0x8e: {  	[smem:$0x3FBC] =	sst s2  }
0x8f: {  	_ = 	snop  }
0x90: {  	s18 =	sld [smem:$0x3FD0];
	(tm) =	ssettm $0x1  }
0x91: {  	s19 =	sld [smem:$0x3FFB];
	_ =	sdelay $0x3  }
0x92: {  	_ =	strace s19  }
0x93: {  	s2 =	sld [smem:$0x3FFC];
	_ =	sdelay $0x3  }
0x94: {  	_ =	strace s2  }
0x95: {  	s2 =	sld [smem:$0x3FFD];
	_ =	sdelay $0x3  }
0x96: {  	_ =	strace s2  }
0x97: {  	_ =	strace $0x8FFFFFFF  }
0x98: {  	s20 =	sld [smem:$0x3FDB];
	_ =	sdelay $0x1  }
0x99: {  	s4 =	simm.s32 $_scs_section_size  }
0x9a: {  	s5 =	simm.s32 $_size__tile_overlayer_lowered;
	s6 =	simm.s32 $_tile_overlayer_lowered  }
0x9b: {  	s7 =	simm.s32 $0x1BFF;
	s21 =	sshll.u32 s6, $0x1;
	s4 =	sadd.s32 s4, s20  }
0x9c: {  	s22 =	simm.s32 $0x0;
	s5 =	sshll.u32 s5, $0x1;
	s6 =	sadd.s32 s21, s4  }
0x9d: {  	[timem:s22], [sflag:s7] =	dma.local [hbm:s6], s5  }
0x9e: {  	_ =	swait.ge [sflag:s7], s5  }
0x9f: {  	s5 =	ssub.s32 $0x0, s5;
	[sflag:s7] =	ssyncset.done $0x0  }
0xa0: {  	[sflag:s7] =	ssyncadd.s32 s5;
	_ =	sdelay $0x1  }
0xa1: {  	s23 =	simm.s32 $0x1B8B  }
0xa2: {  	_ =	swait.ge [sflag:s23], $0x1  }
0xa3: {  	[sflag:s23] =	ssyncset.done $0x0  }
0xa4: {  	[sflag:s23] =	ssyncadd.s32 $0xFFFFFFFF  }
0xa5: {  	s5 =	sld [smem:$0x0]  }
0xa6: {  	s6 =	sand.u32 $0xFFFFFFFE, s1  }
0xa7: {  	p0 =	sne.s32 s1, s6  }
0xa8: {  	s6 =	sshll.u32 @p0 s6, $0xE  }
0xa9: {  	s6 =	sadd.s32 @p0 $0x11B8D, s6;
	s7 =	sshll.u32 @p0 s5, $0x11  }
0xaa: {  	s6 =	sor.u32 @p0 s7, s6  }
0xab: {  	[sflag:s6] =	ssyncadd.remote.s32 @p0 $0x1;
	_ =	sdelay $0x1  }
0xac: {  	s6 =	simm.s32 @p0 $0x1B8D  }
0xad: {  	_ =	swait.eq @p0 [sflag:s6], $0x1  }
0xae: {  	[sflag:s6] =	ssyncadd.s32 @p0 $0xFFFFFFFF  }
0xaf: {  	s7 =	sshll.u32 @!p0 s1, $0xE  }
0xb0: {  	s7 =	sor.u32 @!p0 $0x4000, s7;
	s6 =	simm.s32 @!p0 $0x1B8D  }
0xb1: {  	s5 =	sshll.u32 @!p0 s5, $0x11;
	s7 =	sadd.s32 @!p0 $0x11B8D, s7;
	_ =	swait.eq @!p0 [sflag:s6], $0x1  }
0xb2: {  	s5 =	sor.u32 @!p0 s5, s7;
	[sflag:s6] =	ssyncadd.s32 @!p0 $0xFFFFFFFF  }
0xb3: {  	s25 =	simm.s32 $0x1B8E;
	s24 =	sld [smem:$0x3FFE];
	[sflag:s5] =	ssyncadd.remote.s32 @!p0 $0x1  }
0xb4: {  	s26 =	simm.s32 $execute0_lowered;
	[smem:$0x3FD2] =	sst s25  }
0xb5: {  	s6 =	sshll.u32 s26, $0x1;
	_ =	strace $0x8000004C;
	[dreg:$0x1] =	wrdreg $0xFFFFFFFF  }
0xb6: {  	s28 =	simm.s32 $_size_execute0_lowered;
	s4 =	sadd.s32 s4, s6;
	[dreg:$0x0] =	wrdreg $0x0  }
0xb7: {  	s6 =	sshll.u32 s28, $0x1;
	[dreg:$0x2] =	wrdreg s4  }
0xb8: {  	[dreg:$0x3] =	wrdreg s6  }
0xb9: {  	[dreg:$0x4] =	wrdreg $0xC0  }
0xba: {  	_ =	task [dreg:s22], $0x5FFFF  }
0xbb: {  	[dreg:$0x1] =	wrdreg $0xFFFFFFFF  }
0xbc: {  	[dreg:$0x0] =	wrdreg $0x60  }
0xbd: {  	[dreg:$0x2] =	wrdreg s24  }
0xbe: {  	[dreg:$0x3] =	wrdreg s18  }
0xbf: {  	[dreg:$0x4] =	wrdreg $0x7C000  }
0xc0: {  	[dreg:$0x5] =	wrdreg $0xA  }
0xc1: {  	_ =	task.clear_ibuf [dreg:s22], $0x6FFFF;
	_ =	strace $0x9000004C  }
0xc2: {  	s29 =	simm.s32 $0xA;
	_ =	strace $0x8000004E  }
0xc3: {  	_ =	swait.ge [sflag:s29], $0x1  }
0xc4: {  	[sflag:s29] =	ssyncadd.s32 $0xFFFFFFFF  }
0xc5: {  	_ =	strace $0x9000004E  }
0xc6: {  	_ =	sfence  }
0xc7: {  	s30 =	sld [smem:$0x0];
	_ =	sdelay $0x2  }
0xc8: {  	s31 =	sshll.u32 s1, $0xD;
	s1 =	sshrl.u32 s1, $0x2  }
0xc9: {  	s4 =	sand.u32 $0x4000, s31;
	s1 =	sadd.s32 s1, s30  }
0xca: {  	s0 =	sor.u32 s4, s0;
	s1 =	sshll.u32 s1, $0x11  }
0xcb: {  	s0 =	sor.u32 s1, s0  }
0xcc: {  	s0 =	sadd.s32 $0x8F2B, s0  }
0xcd: {  	[sflag:s0] =	ssyncadd.remote.s32 $0x1  }
0xce: {  	_ =	sfence.sel $0xFFFF  }
0xcf: {  	[dreg:$0x0] =	wrdreg $0xFFFFFFFF;
	(pc) =	sbr.abs _section_cstart, $3  }
0xd0: {  	[dreg:$0x1] =	wrdreg $0xFFFFFFFF  }
0xd1: {  	_ =	task.clear_ibuf [dreg:s22], $0x2FFFF;
	_ =	strace $0x9FFFFFFF  }
0xd2: {  	(tm) =	ssettm $0x7FFFFFFF  }
0xd3: {  	_ =	shalt  }
tec
execute0_lowered:
.L_overlay_start_1:
0x0: {  	(tag) =	ssettag $0x1  }
0x1: {  	s0 =	rddreg [dreg:$0x0]  }
0x2: {  	s3 =	rddreg [dreg:$0x2];
	s1 =	srdreg.scid  }
0x3: {  	s8 =	stileid.u32;
	s4 =	simm.s32 $0x0;
	s20 =	simm.s32 $0x400  }
0x4: {  	s21 =	simm.s32 $0x9;
	s22 =	simm.s32 $0x100;
	s5 =	smul.u32 $0x14000, s8  }
0x5: {  	s24 =	simm.s32 $0x5;
	s29 =	simm.s32 $0x4;
	s9 =	smul.u32 $0x50000, s8  }
0x6: {  	s30 =	simm.s32 $0x0;
	s1 =	sand.u32 $0x1, s1;
	s14 =	smul.u32 $0x7D00, s8  }
0x7: {  	[smem:$0x7FF] =	sst s4;
	s19 =	sadd.s32 $0x2E00, s0;
	s2 =	smul.u32 $0x140000, s1  }
0x8: {  	s6 =	sshll.u32 s1, $0x4;
	_ =	strace $0x8000004D;
	s25 =	ssub.s32 $0x2, s1  }
0x9: {  	s1 =	smul.u32 $0x7D000, s1;
	s6 =	sor.u32 s8, s6;
	s7 =	sshrl.u32 s25, $0x1  }
0xa: {  	s10 =	sshrl.u32 s9, $0x2;
	s2 =	sadd.s32 s5, s2;
	s6 =	smul.u32 $0x7D00, s6  }
0xb: {  	s5 =	sadd.s32 $0x22200, s0;
	s10 =	sadd.s32 s10, s3;
	s31 =	sadd.s32 s14, s1  }
0xc: {  	s2 =	sshrl.u32 s2, $0x3;
	s12 =	sadd.s32 $0x2800, s10;
	s13 =	sadd.s32 $0x5000, s10  }
0xd: {  	s14 =	sadd.s32 $0x7800, s10;
	s15 =	sadd.s32 $0xA000, s10;
	s16 =	sadd.s32 $0xC800, s10  }
0xe: {  	s17 =	sadd.s32 $0xF000, s10;
	s18 =	sadd.s32 $0x11800, s10;
	s0 =	sadd.s32 s2, s0  }
.Ltmp0:
0xf: {  	s6 =	sshrl.u32 s6, $0x3;
	s2 =	ssub.s32 s25, s7;
	(pc) =	sbr.rel .LBB2_1-.Ltmp0, $4  }
0x10: {  	s25 =	simm.s32 $0x50;
	s6 =	sadd.s32 s19, s6;
	s9 =	sadd.s32 $0xC2200, s0  }
0x11: {  	s11 =	smax.u32 s2, $0x1;
	s0 =	sadd.s32 $0x300, s31;
	s26 =	sadd.s32 $0x20, s6  }
0x12: {  	s28 =	sadd.s32 $0x40, s6;
	s0 =	sshrl.u32 s0, $0x3;
	[dreg:$0x4] =	wrdreg s26  }
0x13: {  	[dreg:$0x5] =	wrdreg s28;
	s19 =	sadd.s32 s0, s19;
	s26 =	simm.s32 $0x6  }
.LBB2_7:
0x14: {  	_ =	swait.ge [sflag:s29], $0x2800;
	s0 =	stileid.u32  }
0x15: {  	s1 =	sshrl.u32 s10, $0x3;
	s30 =	sadd.s32 $0x1, s30;
	[sflag:s29] =	ssyncset.done $0x0  }
0x16: {  	s0 =	sshll.u32 s0, $0x6;
	p0 =	sne.s32 s30, s11;
	[sflag:s29] =	ssyncadd.s32 $0xFFFFD800  }
.Ltmp1:
0x17: {  	s0 =	sor.u32 $0x1C09, s0;
	[bflag:$0x0] =	sbarrier.arrive $0xFFFF;
	(pc) =	sbr.rel @!p0 .LBB2_8-.Ltmp1, $4  }
0x18: {  	[hbm:s9], [sflag:s0] =	dma.local [spmem:s1], $0x2800  }
0x19: {  	_ =	swait.ge [sflag:s21], $0x2800  }
0x1a: {  	[sflag:s21] =	ssyncset.done $0x0  }
0x1b: {  	[sflag:s21] =	ssyncadd.s32 $0xFFFFD800  }
.LBB2_1:
0x1c: {  	s0 =	rddreg [dreg:$0x1]  }
0x1d: {  	[tilespmem:s20], [sflag:$0x9] =	stream.linear.gather [hbm4b:s0+s4], $0x2800, $0x38;
	[tilespmem:$0x1BC00] =	vst v63  }
0x1e: {  	_ =	swait.ge [sflag:s21], $0x2800  }
0x1f: {  	[sflag:s21] =	ssyncset.done $0x0  }
0x20: {  	[sflag:s21] =	ssyncadd.s32 $0xFFFFD800  }
0x21: {  	[spmem:s10] =	stream.linear.scatter [tilespmem:s20], [sflag:$0x9], $0x2800, $0x38;
	[tilespmem:$0x1BC00] =	vst v63  }
0x22: {  	_ =	swait.ge [sflag:s21], $0x2800  }
0x23: {  	[sflag:s21] =	ssyncset.done $0x0  }
0x24: {  	[sflag:s21] =	ssyncadd.s32 $0xFFFFD800  }
0x25: {  	[spmem:s12] =	stream.linear.scatter [tilespmem:s20], [sflag:$0x9], $0x2800, $0x38;
	[tilespmem:$0x1BC00] =	vst v63  }
0x26: {  	_ =	swait.ge [sflag:s21], $0x2800  }
0x27: {  	[sflag:s21] =	ssyncset.done $0x0  }
0x28: {  	[sflag:s21] =	ssyncadd.s32 $0xFFFFD800  }
0x29: {  	[spmem:s13] =	stream.linear.scatter [tilespmem:s20], [sflag:$0x9], $0x2800, $0x38;
	[tilespmem:$0x1BC00] =	vst v63  }
0x2a: {  	_ =	swait.ge [sflag:s21], $0x2800  }
0x2b: {  	[sflag:s21] =	ssyncset.done $0x0  }
0x2c: {  	[sflag:s21] =	ssyncadd.s32 $0xFFFFD800  }
0x2d: {  	[spmem:s14] =	stream.linear.scatter [tilespmem:s20], [sflag:$0x9], $0x2800, $0x38;
	[tilespmem:$0x1BC00] =	vst v63  }
0x2e: {  	_ =	swait.ge [sflag:s21], $0x2800  }
0x2f: {  	[sflag:s21] =	ssyncset.done $0x0  }
0x30: {  	[sflag:s21] =	ssyncadd.s32 $0xFFFFD800  }
0x31: {  	[spmem:s15] =	stream.linear.scatter [tilespmem:s20], [sflag:$0x9], $0x2800, $0x38;
	[tilespmem:$0x1BC00] =	vst v63  }
0x32: {  	_ =	swait.ge [sflag:s21], $0x2800  }
0x33: {  	[sflag:s21] =	ssyncset.done $0x0  }
0x34: {  	[sflag:s21] =	ssyncadd.s32 $0xFFFFD800  }
0x35: {  	[spmem:s16] =	stream.linear.scatter [tilespmem:s20], [sflag:$0x9], $0x2800, $0x38;
	[tilespmem:$0x1BC00] =	vst v63  }
0x36: {  	_ =	swait.ge [sflag:s21], $0x2800  }
0x37: {  	[sflag:s21] =	ssyncset.done $0x0  }
0x38: {  	[sflag:s21] =	ssyncadd.s32 $0xFFFFD800  }
0x39: {  	[spmem:s17] =	stream.linear.scatter [tilespmem:s20], [sflag:$0x9], $0x2800, $0x38;
	[tilespmem:$0x1BC00] =	vst v63  }
0x3a: {  	_ =	swait.ge [sflag:s21], $0x2800  }
0x3b: {  	[sflag:s21] =	ssyncset.done $0x0  }
0x3c: {  	[sflag:s21] =	ssyncadd.s32 $0xFFFFD800  }
0x3d: {  	[spmem:s18] =	stream.linear.scatter [tilespmem:s20], [sflag:$0x9], $0x2800, $0x38;
	[tilespmem:$0x1BC00] =	vst v63  }
0x3e: {  	_ =	swait.ge [sflag:s21], $0x2800  }
0x3f: {  	[sflag:s21] =	ssyncset.done $0x0  }
0x40: {  	[sflag:s21] =	ssyncadd.s32 $0xFFFFD800  }
0x41: {  	[bflag:$0x0] =	sbarrier.arrive $0xFFFF  }
0x42: {  	[tilespmem:s4], [sflag:$0x5] =	stream.linear.gather [hbm4b:s6+s4], $0x100, $0x38;
	[tilespmem:$0x1BC00] =	vst v63  }
0x43: {  	s8 =	rddreg [dreg:$0x4]  }
0x44: {  	[tilespmem:s22], [sflag:$0x6] =	stream.linear.gather [hbm4b:s8+s4], $0x100, $0x38;
	[tilespmem:$0x1BC00] =	vst v63  }
0x45: {  	s1 =	simm.s32 $0x200;
	s23 =	rddreg [dreg:$0x5]  }
0x46: {  	[tilespmem:s1], [sflag:$0x7] =	stream.linear.gather [hbm4b:s23+s4], $0x100, $0x38;
	[tilespmem:$0x1BC00] =	vst v63  }
0x47: {  	_ =	swait.ge [sflag:s24], $0x100  }
0x48: {  	[sflag:s24] =	ssyncset.done $0x0  }
0x49: {  	[sflag:s24] =	ssyncadd.s32 $0xFFFFFF00  }
0x4a: {  	[tilespmem:s20], [sflag:$0x1] =	stream.indirect.gather [hbm4b:s5+s25], $0x80, s4, s25, $0xb8;
	[tilespmem:$0x1BC00] =	vst v63  }
.Ltmp2:
0x4b: {  	_ = 	snop;
	(pc) =	sbr.rel .LBB2_2-.Ltmp2, $4  }
0x4c: {  	_ =	swait.ge [sflag:s26], $0x100  }
0x4d: {  	s28 =	simm.s32 $0x2C00;
	s31 =	smov.u32 s19;
	[sflag:s26] =	ssyncset.done $0x0  }
0x4e: {  	s0 =	simm.s32 $0x0;
	s1 =	simm.s32 $0x0;
	[sflag:s26] =	ssyncadd.s32 $0xFFFFFF00  }
0x4f: {  	[tilespmem:s28], [sflag:$0x2] =	stream.indirect.gather [hbm4b:s5+s25], $0x80, s22, s25, $0xb8;
	[tilespmem:$0x1BC00] =	vst v63  }
.LBB2_3:
0x50: {  	s23 =	sadd.s32 $0xFFFFFFFF, s1  }
0x51: {  	s23 =	sand.u32 $0x3, s23  }
0x52: {  	s28 =	sshll.u32 s23, $0x8;
	s23 =	sadd.s32 $0x5, s23  }
0x53: {  	[tilespmem:s28], [sflag:s23] =	stream.linear.gather [hbm4b:s31+s4], $0x100, $0x38;
	[tilespmem:$0x1BC00] =	vst v63  }
.LBB2_5:
0x54: {  	s23 =	sadd.s32 $0x156, s2  }
0x55: {  	s23 =	sshrl.u32 s23, $0x9  }
0x56: {  	s23 =	sand.u32 $0x7F, s23  }
0x57: {  	s23 =	smul.u32 $0x3, s23  }
0x58: {  	s28 =	sadd.s32 $0x2, s1  }
0x59: {  	s23 =	ssub.s32 s28, s23  }
0x5a: {  	s28 =	sand.u32 $0x3, s28;
	s23 =	sand.u32 $0xFF, s23  }
0x5b: {  	s7 =	sadd.s32 $0x5, s28;
	s8 =	smul.u32 $0xA000, s23  }
0x5c: {  	_ =	swait.ge [sflag:s7], $0x100  }
0x5d: {  	s28 =	sshll.u32 s28, $0x8;
	[sflag:s7] =	ssyncset.done $0x0;
	s8 =	sshrl.u32 s8, $0x2  }
0x5e: {  	s23 =	sadd.s32 $0x1, s23;
	[sflag:s7] =	ssyncadd.s32 $0xFFFFFF00;
	s7 =	sor.u32 $0x400, s8  }
0x5f: {  	[tilespmem:s7], [sflag:s23] =	stream.indirect.gather [hbm4b:s5+s25], $0x80, s28, s25, $0xb8;
	[tilespmem:$0x1BC00] =	vst v63  }
.LBB2_6:
0x60: {  	s2 =	sshrl.u32 s2, $0x9  }
0x61: {  	s2 =	sand.u32 $0x7F, s2  }
0x62: {  	s2 =	smul.u32 $0x3, s2;
	_ =	sdelay $0x1  }
0x63: {  	s2 =	ssub.s32 s1, s2  }
0x64: {  	s1 =	sadd.s32 $0x1, s1;
	s2 =	sand.u32 $0xFF, s2  }
0x65: {  	p0 =	sne.s32 s1, $0x7D;
	s7 =	smul.u32 $0xA000, s2  }
.Ltmp3:
0x66: {  	s8 =	sand.u32 $0xC00, s0;
	s2 =	sadd.s32 $0x1, s2;
	(pc) =	sbr.rel @!p0 .LBB2_7-.Ltmp3, $4  }
0x67: {  	s0 =	sadd.s32 $0x400, s0;
	s31 =	sadd.s32 $0x20, s31;
	_ =	swait.ge [sflag:s2], $0x2800  }
0x68: {  	s8 =	sshrl.u32 s8, $0x2;
	s7 =	sshrl.u32 s7, $0x2;
	[sflag:s2] =	ssyncset.done $0x0  }
0x69: {  	s28 =	sor.u32 $0x80, s8;
	[sflag:s2] =	ssyncadd.s32 $0xFFFFD800;
	s23 =	sor.u32 $0x400, s7  }
0x6a: {  	[spmem:s3] =	stream.indirect.scatter.add.f32 [tilespmem:s23], [sflag:$0x4], $0x80, s28, s25, $0xb8;
	[tilespmem:$0x1BC00] =	vst v63  }
.LBB2_2:
0x6b: {  	p0 =	seq.s32 s1, $0x0  }
0x6c: {  	p1 =	sgt.u32 @!p0 s1, $0x79  }
0x6d: {  	p1 =	por p0, !p1  }
.Ltmp4:
0x6e: {  	_ = 	snop;
	(pc) =	sbr.rel @p1 .LBB2_3-.Ltmp4, $4  }
0x6f: {  	s23 =	simm.s32 @!p0 $0x4  }
0x70: {  	_ =	swait.ge @!p0 [sflag:s23], $0x2800  }
0x71: {  	[sflag:s23] =	ssyncset.done @!p0 $0x0  }
0x72: {  	s2 =	smul.u32 $0xAB, s1;
	[sflag:s23] =	ssyncadd.s32 @!p0 $0xFFFFD800  }
0x73: {  	p0 =	sne.s32 s1, $0x7A  }
.Ltmp5:
0x74: {  	_ = 	snop;
	(pc) =	sbr.rel @p0 .LBB2_6-.Ltmp5, $4  }
.Ltmp6:
0x75: {  	_ = 	snop;
	(pc) =	sbr.rel @!p0 .LBB2_5-.Ltmp6, $4  }
0x76: {  	_ = 	snop  }
0x77: {  	_ = 	snop  }
0x78: {  	_ = 	snop  }
0x79: {  	_ = 	snop  }
.LBB2_8:
0x7a: {  	_ =	sfence.sel $0x180000  }
0x7b: {  	[bflag:$0x0] =	sbarrier.arrive $0xFFFF  }
0x7c: {  	_ =	strace $0x9000004D  }
0x7d: {  	s0 =	stileid.u32;
	[bflag:$0x2] =	sbarrier.arrive $0xFFFF  }
0x7e: {  	p0 =	sne.s32 s0, $0x0;
	s0 =	rddreg [dreg:$0x3]  }
0x7f: {  	s0 =	sadd.s32 @!p0 $0x100000, s0  }
0x80: {  	[sflag:s0] =	ssyncadd.tile.s32 @!p0 $0x1;
	_ =	shalt  }
.Lfunc_end2:
_tile_overlayer_lowered:
.L_overlay_start_2:
0x81: {  	(tag) =	ssettag $0x2  }
0x82: {  	s0 =	rddreg [dreg:$0x0];
	s2 =	stileid.u32  }
0x83: {  	s1 =	rddreg [dreg:$0x1];
	p0 =	sne.s32 s2, $0x0  }
0x84: {  	s3 =	rddreg [dreg:$0x2];
	[bflag:$0x3] =	sbarrier.arrive $0xFFFF;
	s2 =	simm.s32 @!p0 $0x1C09  }
0x85: {  	[timem:s3], [sflag:s2] =	dma.local @!p0 [hbm:s0], s1  }
0x86: {  	s0 =	simm.s32 @!p0 $0x9  }
0x87: {  	_ =	swait.ge @!p0 [sflag:s0], s1  }
0x88: {  	s1 =	ssub.s32 @!p0 $0x0, s1;
	[sflag:s0] =	ssyncset.done @!p0 $0x0  }
0x89: {  	[sflag:s0] =	ssyncadd.s32 @!p0 s1  }
0x8a: {  	[bflag:$0x3] =	sbarrier.arrive $0xFFFF  }
0x8b: {  	_ =	shalt  }

// kernel: kernel.7.cloned.1.call-start
scs
__scs_entry_jumppad:
0x0: {  	(pc) =	sbr.rel $0x88, $3  }
0x1: {  	(tag) =	ssettag $0x0;
	lr =	simm.s32 $0x1  }
0x2: {  	[smem:$0x3F95] =	sst lr;
	_ =	strace $0xD0000000  }
0x3: {  	_ = 	snop  }
0x4: {  	_ = 	snop  }
0x5: {  	_ = 	snop  }
0x6: {  	_ = 	snop  }
0x7: {  	_ = 	snop  }
__scs_overlays_trampoline_lowered:
0x8: {  	[smem:$0x3FA4] =	sst s0  }
0x9: {  	[smem:$0x3FA5] =	sst s1  }
0xa: {  	[smem:$0x3FA6] =	sst s2  }
0xb: {  	[smem:$0x3FA7] =	sst s3  }
0xc: {  	[smem:$0x3FA8] =	sst s4  }
0xd: {  	[smem:$0x3FA9] =	sst s5  }
0xe: {  	[smem:$0x3FAA] =	sst s6  }
0xf: {  	[smem:$0x3FAB] =	sst s7  }
0x10: {  	[smem:$0x3FAC] =	sst s8  }
0x11: {  	[smem:$0x3FAD] =	sst s9;
	s0 =	simm.s32 @!p0 $0x0  }
0x12: {  	s1 =	sld [smem:$0x3F93];
	s0 =	simm.s32 @p0 $0x1  }
0x13: {  	[smem:$0x3FAE] =	sst s0;
	s0 =	simm.s32 @!p1 $0x0  }
0x14: {  	s2 =	sld [smem:$0x3F92];
	s0 =	simm.s32 @p1 $0x1  }
0x15: {  	[smem:$0x3FAF] =	sst s0;
	s0 =	simm.s32 @!p2 $0x0  }
0x16: {  	s3 =	sld [smem:$0x3FDB];
	s0 =	simm.s32 @p2 $0x1  }
0x17: {  	s4 =	simm.s32 $0x1BF5;
	[smem:$0x3FB1] =	sst s0  }
0x18: {  	s0 =	sld [smem:$0x3F94];
	_ =	swait.ge [sflag:s4], $0x0  }
0x19: {  	s7 =	sld [smem:$0x3F95]  }
0x1a: {  	s8 =	sadd.s32 $0xFFFFE003, lr  }
0x1b: {  	s9 =	sadd.s32 $0xFFFFFEF7, lr;
	s5 =	simm.s32 $0xFFFFFFFF;
	p2 =	slt.u32 s8, $0xFFFFF086  }
0x1c: {  	p1 =	slt.u32 s9, $0xF7A;
	s5 =	simm.s32 @!p2 $0x0  }
0x1d: {  	s5 =	simm.s32 @p1 $0x1;
	p0 =	seq.s32 s7, s2  }
0x1e: {  	s7 =	smul.u32 @!p0 $0xF7A, s2;
	p2 =	seq.s32 @!p0 s5, $0x0  }
0x1f: {  	s9 =	smul.u32 $0xF7A, s1;
	s8 =	simm.s32 @!p0 $0x1BF5;
	p2 =	por !p2, p0  }
0x20: {  	[sflag:s8] =	ssyncset.s32 @!p0 $0xFFFFF086;
	s6 =	sadd.s32 @!p0 s3, s7;
	s7 =	simm.s32 @!p0 $0x108  }
0x21: {  	s3 =	sadd.s32 s3, s9;
	s6 =	sadd.s32 @!p0 $0x88, s6;
	s7 =	simm.s32 @p2 $0x1082  }
0x22: {  	[simem:s7], [sflag:s8] =	dma.local @!p0 [hbm:s6], $0xF7A  }
0x23: {  	s9 =	sor.u32 $0xD0000000, s2;
	s6 =	simm.s32 $0x108;
	_ =	swait.ge @!p0 [sflag:s8], $0x0  }
0x24: {  	s3 =	sadd.s32 $0x88, s3;
	s6 =	simm.s32 @!p1 $0x1082;
	[sflag:s4] =	ssyncset.s32 $0xFFFFF086  }
0x25: {  	[simem:s6], [sflag:s4] =	dma.local [hbm:s3], $0xF7A  }
0x26: {  	[smem:$0x3F95] =	sst s1;
	(tag) =	ssettag s2;
	_ =	strace s9  }
0x27: {  	s1 =	sld [smem:$0x3FA5]  }
0x28: {  	s2 =	sld [smem:$0x3FA6]  }
0x29: {  	s4 =	sld [smem:$0x3FA8]  }
0x2a: {  	p0 =	seq.s32 s5, $0x0;
	s5 =	sld [smem:$0x3FA9]  }
0x2b: {  	s6 =	sld [smem:$0x3FAA]  }
0x2c: {  	s7 =	sld [smem:$0x3FAB]  }
0x2d: {  	s3 =	simm.s32 $0x108;
	s8 =	sld [smem:$0x3FAC]  }
0x2e: {  	s3 =	simm.s32 @!p0 $0x1082;
	s9 =	sld [smem:$0x3FAD]  }
0x2f: {  	lr =	sadd.s32 s0, s3;
	s0 =	sld [smem:$0x3FA4]  }
0x30: {  	s3 =	sld [smem:$0x3FA7]  }
0x31: {  	[smem:$0x3FB0] =	sst s10  }
0x32: {  	s10 =	sld [smem:$0x3FAE];
	_ =	sdelay $0x3  }
0x33: {  	p0 =	seq.s32 s10, $0x1;
	s10 =	sld [smem:$0x3FB0];
	_ =	sdelay $0x3  }
0x34: {  	[smem:$0x3FB0] =	sst s10  }
0x35: {  	s10 =	sld [smem:$0x3FAF];
	_ =	sdelay $0x3  }
0x36: {  	p1 =	seq.s32 s10, $0x1;
	s10 =	sld [smem:$0x3FB0];
	_ =	sdelay $0x3  }
0x37: {  	[smem:$0x3FB0] =	sst s10  }
0x38: {  	s10 =	sld [smem:$0x3FB1]  }
0x39: {  	_ = 	snop;
	(pc) =	sbr.ind lr, $3  }
0x3a: {  	_ = 	snop  }
0x3b: {  	_ = 	snop  }
0x3c: {  	p2 =	seq.s32 s10, $0x1;
	s10 =	sld [smem:$0x3FB0]  }
0x3d: {  	_ =	shalt  }
0x3e: {  	_ =	shalt  }
0x3f: {  	_ =	shalt  }
0x40: {  	_ =	shalt  }
0x41: {  	_ =	shalt  }
0x42: {  	_ =	shalt  }
0x43: {  	_ =	shalt  }
0x44: {  	_ =	shalt  }
0x45: {  	_ =	shalt  }
0x46: {  	_ =	shalt  }
0x47: {  	_ =	shalt  }
0x48: {  	_ =	shalt  }
0x49: {  	_ =	shalt  }
0x4a: {  	_ =	shalt  }
0x4b: {  	_ =	shalt  }
0x4c: {  	_ =	shalt  }
0x4d: {  	_ =	shalt  }
0x4e: {  	_ =	shalt  }
0x4f: {  	_ =	shalt  }
0x50: {  	_ =	shalt  }
0x51: {  	_ =	shalt  }
0x52: {  	_ =	shalt  }
0x53: {  	_ =	shalt  }
0x54: {  	_ =	shalt  }
0x55: {  	_ =	shalt  }
0x56: {  	_ =	shalt  }
0x57: {  	_ =	shalt  }
0x58: {  	_ =	shalt  }
0x59: {  	_ =	shalt  }
0x5a: {  	_ =	shalt  }
0x5b: {  	_ =	shalt  }
0x5c: {  	_ =	shalt  }
0x5d: {  	_ =	shalt  }
0x5e: {  	_ =	shalt  }
0x5f: {  	_ =	shalt  }
0x60: {  	_ =	shalt  }
0x61: {  	_ =	shalt  }
0x62: {  	_ =	shalt  }
0x63: {  	_ =	shalt  }
0x64: {  	_ =	shalt  }
0x65: {  	_ =	shalt  }
0x66: {  	_ =	shalt  }
0x67: {  	_ =	shalt  }
0x68: {  	_ =	shalt  }
0x69: {  	_ =	shalt  }
0x6a: {  	_ =	shalt  }
0x6b: {  	_ =	shalt  }
0x6c: {  	_ =	shalt  }
0x6d: {  	_ =	shalt  }
0x6e: {  	_ =	shalt  }
0x6f: {  	_ =	shalt  }
0x70: {  	_ =	shalt  }
0x71: {  	_ =	shalt  }
0x72: {  	_ =	shalt  }
0x73: {  	_ =	shalt  }
0x74: {  	_ =	shalt  }
0x75: {  	_ =	shalt  }
0x76: {  	_ =	shalt  }
0x77: {  	_ =	shalt  }
0x78: {  	_ =	shalt  }
0x79: {  	_ =	shalt  }
0x7a: {  	_ =	shalt  }
0x7b: {  	_ =	shalt  }
0x7c: {  	_ =	shalt  }
0x7d: {  	_ =	shalt  }
0x7e: {  	_ =	shalt  }
0x7f: {  	_ =	shalt  }
0x80: {  	_ =	shalt  }
0x81: {  	_ =	shalt  }
0x82: {  	_ =	shalt  }
0x83: {  	_ =	shalt  }
0x84: {  	_ =	shalt  }
0x85: {  	_ =	shalt  }
0x86: {  	_ =	shalt  }
0x87: {  	_ =	shalt  }
.Lfunc_end0:
.L_simem_size_0:
called_computation_lowered:
.L_overlay_start_0:
0x88: {  	s2 =	sld [smem:$0x3FD9]  }
0x89: {  	s3 =	sld [smem:$0x3FFE];
	_ =	sdelay $0x1  }
0x8a: {  	s1 =	srdreg.scid  }
0x8b: {  	s0 =	sand.u32 $0x1, s1  }
0x8c: {  	s17 =	sshll.u32 s0, $0xA;
	s2 =	sadd.s32 s3, s2  }
0x8d: {  	s2 =	sadd.s32 s2, s17  }
0x8e: {  	[smem:$0x3FBC] =	sst s2  }
0x8f: {  	_ = 	snop  }
0x90: {  	s2 =	sld [smem:$0x3FC9]  }
0x91: {  	s18 =	sld [smem:$0x3FD0];
	(tm) =	ssettm $0x1  }
0x92: {  	s4 =	sld [smem:$0x3FFB];
	_ =	sdelay $0x3  }
0x93: {  	_ =	strace s4  }
0x94: {  	s4 =	sld [smem:$0x3FFC];
	_ =	sdelay $0x3  }
0x95: {  	_ =	strace s4  }
0x96: {  	s4 =	sld [smem:$0x3FFD];
	_ =	sdelay $0x3  }
0x97: {  	_ =	strace s4  }
0x98: {  	_ =	strace $0x8FFFFFFF  }
0x99: {  	s19 =	sld [smem:$0x3FDB];
	_ =	sdelay $0x1  }
0x9a: {  	s5 =	simm.s32 $_scs_section_size  }
0x9b: {  	s6 =	simm.s32 $_size__tile_overlayer_lowered;
	s7 =	simm.s32 $_tile_overlayer_lowered  }
0x9c: {  	s22 =	simm.s32 $0x1BFF;
	s21 =	sshll.u32 s7, $0x1;
	s4 =	sadd.s32 s5, s19  }
0x9d: {  	s8 =	simm.s32 $0x0;
	s20 =	sshll.u32 s6, $0x1;
	s6 =	sadd.s32 s21, s4  }
0x9e: {  	[timem:s8], [sflag:s22] =	dma.local [hbm:s6], s20  }
0x9f: {  	_ =	swait.ge [sflag:s22], s20  }
0xa0: {  	s5 =	ssub.s32 $0x0, s20;
	[sflag:s22] =	ssyncset.done $0x0  }
0xa1: {  	[sflag:s22] =	ssyncadd.s32 s5;
	_ =	sdelay $0x1  }
0xa2: {  	s23 =	simm.s32 $0x1B8B  }
0xa3: {  	_ =	swait.ge [sflag:s23], $0x1  }
0xa4: {  	[sflag:s23] =	ssyncset.done $0x0  }
0xa5: {  	s25 =	simm.s32 $0x1B8E;
	s24 =	sld [smem:$0x3FFE];
	[sflag:s23] =	ssyncadd.s32 $0xFFFFFFFF  }
0xa6: {  	s26 =	simm.s32 $execute0_lowered;
	[smem:$0x3FD2] =	sst s25  }
0xa7: {  	s6 =	sshll.u32 s26, $0x1;
	_ =	strace $0x80000046;
	[dreg:$0x1] =	wrdreg $0xFFFFFFFF  }
0xa8: {  	s28 =	simm.s32 $_size_execute0_lowered;
	s4 =	sadd.s32 s4, s6;
	[dreg:$0x0] =	wrdreg $0x0  }
0xa9: {  	s6 =	sshll.u32 s28, $0x1;
	[dreg:$0x2] =	wrdreg s4  }
0xaa: {  	[dreg:$0x3] =	wrdreg s6  }
0xab: {  	[dreg:$0x4] =	wrdreg $0xC0  }
0xac: {  	_ =	task [dreg:s8], $0x5FFFF  }
0xad: {  	[dreg:$0x1] =	wrdreg $0xFFFFFFFF  }
0xae: {  	[dreg:$0x0] =	wrdreg $0x60  }
0xaf: {  	[dreg:$0x2] =	wrdreg s2  }
0xb0: {  	[dreg:$0x3] =	wrdreg s24  }
0xb1: {  	[dreg:$0x4] =	wrdreg s18  }
0xb2: {  	[dreg:$0x5] =	wrdreg $0x7C000  }
0xb3: {  	[dreg:$0x6] =	wrdreg $0xA  }
0xb4: {  	_ =	task.clear_ibuf [dreg:s8], $0x7FFFF;
	_ =	strace $0x90000046  }
0xb5: {  	s29 =	simm.s32 $0xA;
	_ =	strace $0x80000048  }
0xb6: {  	_ =	swait.ge [sflag:s29], $0x1  }
0xb7: {  	[sflag:s29] =	ssyncadd.s32 $0xFFFFFFFF  }
0xb8: {  	_ =	strace $0x90000048  }
0xb9: {  	_ =	sfence  }
0xba: {  	s30 =	sld [smem:$0x0];
	_ =	sdelay $0x2  }
0xbb: {  	s31 =	sshll.u32 s1, $0xD;
	s1 =	sshrl.u32 s1, $0x2  }
0xbc: {  	s3 =	sand.u32 $0x4000, s31;
	s1 =	sadd.s32 s1, s30  }
0xbd: {  	s0 =	sor.u32 s3, s0;
	s1 =	sshll.u32 s1, $0x11  }
0xbe: {  	s0 =	sor.u32 s1, s0  }
0xbf: {  	s0 =	sadd.s32 $0x8F2B, s0  }
0xc0: {  	[sflag:s0] =	ssyncadd.remote.s32 $0x1  }
0xc1: {  	_ =	sfence.sel $0xFFFF  }
0xc2: {  	[dreg:$0x0] =	wrdreg $0xFFFFFFFF;
	(pc) =	sbr.abs _section_cstart, $3  }
0xc3: {  	[dreg:$0x1] =	wrdreg $0xFFFFFFFF  }
0xc4: {  	_ =	task.clear_ibuf [dreg:s8], $0x2FFFF;
	_ =	strace $0x9FFFFFFF  }
0xc5: {  	(tm) =	ssettm $0x7FFFFFFF  }
tec
execute0_lowered:
.L_overlay_start_1:
0x0: {  	(tag) =	ssettag $0x1  }
0x1: {  	s0 =	rddreg [dreg:$0x0]  }
0x2: {  	s1 =	rddreg [dreg:$0x1];
	s2 =	srdreg.scid  }
0x3: {  	s8 =	stileid.u32;
	s4 =	rddreg [dreg:$0x3];
	s5 =	simm.s32 $0x0  }
0x4: {  	s20 =	simm.s32 $0x400;
	s21 =	simm.s32 $0x9;
	s6 =	smul.u32 $0x14000, s8  }
0x5: {  	s22 =	simm.s32 $0x100;
	s29 =	simm.s32 $0x4;
	s9 =	smul.u32 $0x50000, s8  }
0x6: {  	s30 =	simm.s32 $0x0;
	s2 =	sand.u32 $0x1, s2;
	s14 =	smul.u32 $0x7D00, s8  }
0x7: {  	[smem:$0x7FF] =	sst s5;
	s19 =	sadd.s32 $0x2E00, s1;
	s3 =	smul.u32 $0x140000, s2  }
0x8: {  	s7 =	sshll.u32 s2, $0x4;
	_ =	strace $0x80000047;
	s24 =	ssub.s32 $0x2, s2  }
0x9: {  	s2 =	smul.u32 $0x7D000, s2;
	s7 =	sor.u32 s8, s7;
	s25 =	sshrl.u32 s24, $0x1  }
0xa: {  	s10 =	sshrl.u32 s9, $0x2;
	s3 =	sadd.s32 s6, s3;
	s23 =	smul.u32 $0x7D00, s7  }
0xb: {  	s10 =	sadd.s32 s10, s4;
	s31 =	sadd.s32 s14, s2;
	s3 =	sshrl.u32 s3, $0x3  }
0xc: {  	s12 =	sadd.s32 $0x2800, s10;
	s13 =	sadd.s32 $0x5000, s10;
	s14 =	sadd.s32 $0x7800, s10  }
0xd: {  	s15 =	sadd.s32 $0xA000, s10;
	s16 =	sadd.s32 $0xC800, s10;
	s17 =	sadd.s32 $0xF000, s10  }
0xe: {  	s18 =	sadd.s32 $0x11800, s10;
	s1 =	sadd.s32 s3, s1;
	s6 =	sshrl.u32 s23, $0x3  }
.Ltmp0:
0xf: {  	s3 =	ssub.s32 s24, s25;
	s24 =	simm.s32 $0x5;
	(pc) =	sbr.rel .LBB2_1-.Ltmp0, $4  }
0x10: {  	s25 =	simm.s32 $0x50;
	s6 =	sadd.s32 s19, s6;
	s9 =	sadd.s32 $0x22200, s1  }
0x11: {  	s11 =	smax.u32 s3, $0x1;
	s1 =	sadd.s32 $0x300, s31;
	s26 =	sadd.s32 $0x20, s6  }
0x12: {  	s28 =	sadd.s32 $0x40, s6;
	s1 =	sshrl.u32 s1, $0x3;
	[dreg:$0x5] =	wrdreg s26  }
0x13: {  	[dreg:$0x6] =	wrdreg s28;
	s19 =	sadd.s32 s1, s19;
	s26 =	simm.s32 $0x6  }
.LBB2_7:
0x14: {  	_ =	swait.ge [sflag:s29], $0x2800;
	s1 =	stileid.u32  }
0x15: {  	s2 =	sshrl.u32 s10, $0x3;
	s30 =	sadd.s32 $0x1, s30;
	[sflag:s29] =	ssyncset.done $0x0  }
0x16: {  	s1 =	sshll.u32 s1, $0x6;
	p0 =	sne.s32 s30, s11;
	[sflag:s29] =	ssyncadd.s32 $0xFFFFD800  }
.Ltmp1:
0x17: {  	s1 =	sor.u32 $0x1C09, s1;
	[bflag:$0x0] =	sbarrier.arrive $0xFFFF;
	(pc) =	sbr.rel @!p0 .LBB2_8-.Ltmp1, $4  }
0x18: {  	[hbm:s9], [sflag:s1] =	dma.local [spmem:s2], $0x2800  }
0x19: {  	_ =	swait.ge [sflag:s21], $0x2800  }
0x1a: {  	[sflag:s21] =	ssyncset.done $0x0  }
0x1b: {  	[sflag:s21] =	ssyncadd.s32 $0xFFFFD800  }
.LBB2_1:
0x1c: {  	s1 =	rddreg [dreg:$0x2]  }
0x1d: {  	[tilespmem:s20], [sflag:$0x9] =	stream.linear.gather [hbm4b:s1+s5], $0x2800, $0x38;
	[tilespmem:$0x1BC00] =	vst v63  }
0x1e: {  	_ =	swait.ge [sflag:s21], $0x2800  }
0x1f: {  	[sflag:s21] =	ssyncset.done $0x0  }
0x20: {  	[sflag:s21] =	ssyncadd.s32 $0xFFFFD800  }
0x21: {  	[spmem:s10] =	stream.linear.scatter [tilespmem:s20], [sflag:$0x9], $0x2800, $0x38;
	[tilespmem:$0x1BC00] =	vst v63  }
0x22: {  	_ =	swait.ge [sflag:s21], $0x2800  }
0x23: {  	[sflag:s21] =	ssyncset.done $0x0  }
0x24: {  	[sflag:s21] =	ssyncadd.s32 $0xFFFFD800  }
0x25: {  	[spmem:s12] =	stream.linear.scatter [tilespmem:s20], [sflag:$0x9], $0x2800, $0x38;
	[tilespmem:$0x1BC00] =	vst v63  }
0x26: {  	_ =	swait.ge [sflag:s21], $0x2800  }
0x27: {  	[sflag:s21] =	ssyncset.done $0x0  }
0x28: {  	[sflag:s21] =	ssyncadd.s32 $0xFFFFD800  }
0x29: {  	[spmem:s13] =	stream.linear.scatter [tilespmem:s20], [sflag:$0x9], $0x2800, $0x38;
	[tilespmem:$0x1BC00] =	vst v63  }
0x2a: {  	_ =	swait.ge [sflag:s21], $0x2800  }
0x2b: {  	[sflag:s21] =	ssyncset.done $0x0  }
0x2c: {  	[sflag:s21] =	ssyncadd.s32 $0xFFFFD800  }
0x2d: {  	[spmem:s14] =	stream.linear.scatter [tilespmem:s20], [sflag:$0x9], $0x2800, $0x38;
	[tilespmem:$0x1BC00] =	vst v63  }
0x2e: {  	_ =	swait.ge [sflag:s21], $0x2800  }
0x2f: {  	[sflag:s21] =	ssyncset.done $0x0  }
0x30: {  	[sflag:s21] =	ssyncadd.s32 $0xFFFFD800  }
0x31: {  	[spmem:s15] =	stream.linear.scatter [tilespmem:s20], [sflag:$0x9], $0x2800, $0x38;
	[tilespmem:$0x1BC00] =	vst v63  }
0x32: {  	_ =	swait.ge [sflag:s21], $0x2800  }
0x33: {  	[sflag:s21] =	ssyncset.done $0x0  }
0x34: {  	[sflag:s21] =	ssyncadd.s32 $0xFFFFD800  }
0x35: {  	[spmem:s16] =	stream.linear.scatter [tilespmem:s20], [sflag:$0x9], $0x2800, $0x38;
	[tilespmem:$0x1BC00] =	vst v63  }
0x36: {  	_ =	swait.ge [sflag:s21], $0x2800  }
0x37: {  	[sflag:s21] =	ssyncset.done $0x0  }
0x38: {  	[sflag:s21] =	ssyncadd.s32 $0xFFFFD800  }
0x39: {  	[spmem:s17] =	stream.linear.scatter [tilespmem:s20], [sflag:$0x9], $0x2800, $0x38;
	[tilespmem:$0x1BC00] =	vst v63  }
0x3a: {  	_ =	swait.ge [sflag:s21], $0x2800  }
0x3b: {  	[sflag:s21] =	ssyncset.done $0x0  }
0x3c: {  	[sflag:s21] =	ssyncadd.s32 $0xFFFFD800  }
0x3d: {  	[spmem:s18] =	stream.linear.scatter [tilespmem:s20], [sflag:$0x9], $0x2800, $0x38;
	[tilespmem:$0x1BC00] =	vst v63  }
0x3e: {  	_ =	swait.ge [sflag:s21], $0x2800  }
0x3f: {  	[sflag:s21] =	ssyncset.done $0x0  }
0x40: {  	[sflag:s21] =	ssyncadd.s32 $0xFFFFD800  }
0x41: {  	[bflag:$0x0] =	sbarrier.arrive $0xFFFF  }
0x42: {  	[tilespmem:s5], [sflag:$0x5] =	stream.linear.gather [hbm4b:s6+s5], $0x100, $0x38;
	[tilespmem:$0x1BC00] =	vst v63  }
0x43: {  	s8 =	rddreg [dreg:$0x5]  }
0x44: {  	[tilespmem:s22], [sflag:$0x6] =	stream.linear.gather [hbm4b:s8+s5], $0x100, $0x38;
	[tilespmem:$0x1BC00] =	vst v63  }
0x45: {  	s2 =	simm.s32 $0x200;
	s23 =	rddreg [dreg:$0x6]  }
0x46: {  	[tilespmem:s2], [sflag:$0x7] =	stream.linear.gather [hbm4b:s23+s5], $0x100, $0x38;
	[tilespmem:$0x1BC00] =	vst v63  }
0x47: {  	_ =	swait.ge [sflag:s24], $0x100  }
0x48: {  	[sflag:s24] =	ssyncset.done $0x0  }
0x49: {  	[sflag:s24] =	ssyncadd.s32 $0xFFFFFF00  }
0x4a: {  	[tilespmem:s20], [sflag:$0x1] =	stream.indirect.gather [hbm4b:s0+s25], $0x80, s5, s25, $0xb8;
	[tilespmem:$0x1BC00] =	vst v63  }
.Ltmp2:
0x4b: {  	_ = 	snop;
	(pc) =	sbr.rel .LBB2_2-.Ltmp2, $4  }
0x4c: {  	_ =	swait.ge [sflag:s26], $0x100  }
0x4d: {  	s28 =	simm.s32 $0x2C00;
	s31 =	smov.u32 s19;
	[sflag:s26] =	ssyncset.done $0x0  }
0x4e: {  	s3 =	simm.s32 $0x0;
	s2 =	simm.s32 $0x0;
	[sflag:s26] =	ssyncadd.s32 $0xFFFFFF00  }
0x4f: {  	[tilespmem:s28], [sflag:$0x2] =	stream.indirect.gather [hbm4b:s0+s25], $0x80, s22, s25, $0xb8;
	[tilespmem:$0x1BC00] =	vst v63  }
.LBB2_3:
0x50: {  	s23 =	sadd.s32 $0xFFFFFFFF, s2  }
0x51: {  	s23 =	sand.u32 $0x3, s23  }
0x52: {  	s28 =	sshll.u32 s23, $0x8;
	s23 =	sadd.s32 $0x5, s23  }
0x53: {  	[tilespmem:s28], [sflag:s23] =	stream.linear.gather [hbm4b:s31+s5], $0x100, $0x38;
	[tilespmem:$0x1BC00] =	vst v63  }
.LBB2_5:
0x54: {  	s23 =	sadd.s32 $0x156, s1  }
0x55: {  	s23 =	sshrl.u32 s23, $0x9  }
0x56: {  	s23 =	sand.u32 $0x7F, s23  }
0x57: {  	s23 =	smul.u32 $0x3, s23  }
0x58: {  	s28 =	sadd.s32 $0x2, s2  }
0x59: {  	s23 =	ssub.s32 s28, s23  }
0x5a: {  	s28 =	sand.u32 $0x3, s28;
	s23 =	sand.u32 $0xFF, s23  }
0x5b: {  	s7 =	sadd.s32 $0x5, s28;
	s8 =	smul.u32 $0xA000, s23  }
0x5c: {  	_ =	swait.ge [sflag:s7], $0x100  }
0x5d: {  	s28 =	sshll.u32 s28, $0x8;
	[sflag:s7] =	ssyncset.done $0x0;
	s8 =	sshrl.u32 s8, $0x2  }
0x5e: {  	s23 =	sadd.s32 $0x1, s23;
	[sflag:s7] =	ssyncadd.s32 $0xFFFFFF00;
	s7 =	sor.u32 $0x400, s8  }
0x5f: {  	[tilespmem:s7], [sflag:s23] =	stream.indirect.gather [hbm4b:s0+s25], $0x80, s28, s25, $0xb8;
	[tilespmem:$0x1BC00] =	vst v63  }
.LBB2_6:
0x60: {  	s1 =	sshrl.u32 s1, $0x9  }
0x61: {  	s1 =	sand.u32 $0x7F, s1  }
0x62: {  	s1 =	smul.u32 $0x3, s1;
	_ =	sdelay $0x1  }
0x63: {  	s1 =	ssub.s32 s2, s1  }
0x64: {  	s2 =	sadd.s32 $0x1, s2;
	s1 =	sand.u32 $0xFF, s1  }
0x65: {  	p0 =	sne.s32 s2, $0x7D;
	s7 =	smul.u32 $0xA000, s1  }
.Ltmp3:
0x66: {  	s8 =	sand.u32 $0xC00, s3;
	s1 =	sadd.s32 $0x1, s1;
	(pc) =	sbr.rel @!p0 .LBB2_7-.Ltmp3, $4  }
0x67: {  	s3 =	sadd.s32 $0x400, s3;
	s31 =	sadd.s32 $0x20, s31;
	_ =	swait.ge [sflag:s1], $0x2800  }
0x68: {  	s8 =	sshrl.u32 s8, $0x2;
	s7 =	sshrl.u32 s7, $0x2;
	[sflag:s1] =	ssyncset.done $0x0  }
0x69: {  	s28 =	sor.u32 $0x80, s8;
	[sflag:s1] =	ssyncadd.s32 $0xFFFFD800;
	s23 =	sor.u32 $0x400, s7  }
0x6a: {  	[spmem:s4] =	stream.indirect.scatter.add.f32 [tilespmem:s23], [sflag:$0x4], $0x80, s28, s25, $0xb8;
	[tilespmem:$0x1BC00] =	vst v63  }
.LBB2_2:
0x6b: {  	p0 =	seq.s32 s2, $0x0  }
0x6c: {  	p1 =	sgt.u32 @!p0 s2, $0x79  }
0x6d: {  	p1 =	por p0, !p1  }
.Ltmp4:
0x6e: {  	_ = 	snop;
	(pc) =	sbr.rel @p1 .LBB2_3-.Ltmp4, $4  }
0x6f: {  	s23 =	simm.s32 @!p0 $0x4  }
0x70: {  	_ =	swait.ge @!p0 [sflag:s23], $0x2800  }
0x71: {  	[sflag:s23] =	ssyncset.done @!p0 $0x0  }
0x72: {  	s1 =	smul.u32 $0xAB, s2;
	[sflag:s23] =	ssyncadd.s32 @!p0 $0xFFFFD800  }
0x73: {  	p0 =	sne.s32 s2, $0x7A  }
.Ltmp5:
0x74: {  	_ = 	snop;
	(pc) =	sbr.rel @p0 .LBB2_6-.Ltmp5, $4  }
.Ltmp6:
0x75: {  	_ = 	snop;
	(pc) =	sbr.rel @!p0 .LBB2_5-.Ltmp6, $4  }
0x76: {  	_ = 	snop  }
0x77: {  	_ = 	snop  }
0x78: {  	_ = 	snop  }
0x79: {  	_ = 	snop  }
.LBB2_8:
0x7a: {  	_ =	sfence.sel $0x180000  }
0x7b: {  	[bflag:$0x0] =	sbarrier.arrive $0xFFFF  }
0x7c: {  	_ =	strace $0x90000047  }
0x7d: {  	s0 =	stileid.u32;
	[bflag:$0x2] =	sbarrier.arrive $0xFFFF  }
0x7e: {  	p0 =	sne.s32 s0, $0x0;
	s0 =	rddreg [dreg:$0x4]  }
0x7f: {  	s0 =	sadd.s32 @!p0 $0x100000, s0  }
0x80: {  	[sflag:s0] =	ssyncadd.tile.s32 @!p0 $0x1;
	_ =	shalt  }
.Lfunc_end2:
_tile_overlayer_lowered:
.L_overlay_start_2:
0x81: {  	(tag) =	ssettag $0x2  }
0x82: {  	s0 =	rddreg [dreg:$0x0];
	s2 =	stileid.u32  }
0x83: {  	s1 =	rddreg [dreg:$0x1];
	p0 =	sne.s32 s2, $0x0  }
0x84: {  	s3 =	rddreg [dreg:$0x2];
	[bflag:$0x3] =	sbarrier.arrive $0xFFFF;
	s2 =	simm.s32 @!p0 $0x1C09  }
0x85: {  	[timem:s3], [sflag:s2] =	dma.local @!p0 [hbm:s0], s1  }
0x86: {  	s0 =	simm.s32 @!p0 $0x9  }
0x87: {  	_ =	swait.ge @!p0 [sflag:s0], s1  }
0x88: {  	s1 =	ssub.s32 @!p0 $0x0, s1;
	[sflag:s0] =	ssyncset.done @!p0 $0x0  }
0x89: {  	[sflag:s0] =	ssyncadd.s32 @!p0 s1  }
0x8a: {  	[bflag:$0x3] =	sbarrier.arrive $0xFFFF  }
0x8b: {  	_ =	shalt  }

</sc_bundles>
